<compile_context>
chip_gen: v7x
topology: tpu7x:2x2x1
jax: 0.10.2.dev20260603
libtpu: 0.0.44.dev20260713+nightly
codegen_flags: <defaults>
</compile_context>

<pallas_src>
import functools
from functools import partial

import jax
import jax.numpy as jnp
from jax import lax
from jax.experimental import pallas as pl
from jax.experimental.pallas import tpu as pltpu
from jax.experimental.pallas import tpu_sc as plsc

N = 10000
E = 160000
D = 128
K = 1024
NP = 10240
BM = 512
GB = NP // BM
NTILES = 32
EC = 5120
NCH = 40
CW = 128
EP = NTILES * EC
PAD_IDX = N
RPT = NP // 16



def _sc_mesh():
    return plsc.VectorSubcoreMesh(core_axis_name="c", subcore_axis_name="s")


_SC_PARAMS = pltpu.CompilerParams(needs_layout_passes=False)


def _deg_body(src3, dst3, out, idx_v, hist_s, hist_d, sem):
    c = lax.axis_index("c")
    s = lax.axis_index("s")
    wid = s * 2 + c
    zeros16 = jnp.zeros((16,), jnp.float32)
    ones16 = jnp.ones((16,), jnp.float32)

    def zero_row(z, _):
        hist_s[pl.ds(z * 16, 16)] = zeros16
        hist_d[pl.ds(z * 16, 16)] = zeros16
        return 0
    lax.fori_loop(0, NP // 16, zero_row, 0)

    pltpu.sync_copy(src3.at[wid], idx_v)

    def scat_s(r, _):
        def inner(l, _):
            v = idx_v[r, pl.ds(l * 16, 16)]
            plsc.addupdate_scatter(hist_s, [v], ones16)
            return 0
        lax.fori_loop(0, CW // 16, inner, 0)
        return 0
    lax.fori_loop(0, NCH, scat_s, 0)

    pltpu.sync_copy(dst3.at[wid], idx_v)

    def scat_d(r, _):
        def inner(l, _):
            v = idx_v[r, pl.ds(l * 16, 16)]
            plsc.addupdate_scatter(hist_d, [v], ones16)
            return 0
        lax.fori_loop(0, CW // 16, inner, 0)
        return 0
    lax.fori_loop(0, NCH, scat_d, 0)

    pltpu.sync_copy(hist_s, out.at[wid, 0])
    pltpu.sync_copy(hist_d, out.at[wid, 1])


def _sc_degrees(src3, dst3):
    f = pl.kernel(
        _deg_body,
        out_type=jax.ShapeDtypeStruct((NTILES, 2, NP), jnp.float32),
        mesh=_sc_mesh(),
        scratch_types=[
            pltpu.VMEM((NCH, CW), jnp.int32),
            pltpu.VMEM((NP,), jnp.float32),
            pltpu.VMEM((NP,), jnp.float32),
            pltpu.SemaphoreType.DMA,
        ],
        compiler_params=_SC_PARAMS,
    )
    return f(src3, dst3)


def _zero_acc(buf, acc, s):
    zeros16 = jnp.zeros((16,), jnp.float32)

    def zrow(r, _):
        def zcol(l, _):
            buf[r, pl.ds(l * 16, 16)] = zeros16
            return 0
        lax.fori_loop(0, D // 16, zcol, 0)
        return 0
    lax.fori_loop(0, CW, zrow, 0)

    def zacc(b, _):
        pltpu.sync_copy(buf, acc.at[pl.ds(s * RPT + b * CW, CW)])
        return 0
    lax.fori_loop(0, RPT // CW, zacc, 0)


def _stream_agg(table_view, idxs_v, idxd_v, buf, buf2, acc, sem_ga, sem_gb,
                sem_sa, sem_sb, nch):
    pltpu.async_copy(table_view.at[idxs_v.at[0]], buf, sem_ga)
    UNR = 8
    n_outer = nch // UNR

    def outer(jo, _):
        base = jo * UNR
        for u in range(UNR):
            j = base + u
            if u % 2 == 0:
                b, gsem, ssem = buf, sem_ga, sem_sa
                ob, ogsem, ossem = buf2, sem_gb, sem_sb
            else:
                b, gsem, ssem = buf2, sem_gb, sem_sb
                ob, ogsem, ossem = buf, sem_ga, sem_sa
            pltpu.make_async_copy(table_view.at[idxs_v.at[j]], b,
                                  gsem).wait()
            if u == 0:
                @pl.when(jo > 0)
                def _():
                    pltpu.make_async_copy(ob, acc.at[idxd_v.at[j - 1]],
                                          ossem).wait()
            else:
                pltpu.make_async_copy(ob, acc.at[idxd_v.at[j - 1]],
                                      ossem).wait()
            if u == UNR - 1:
                @pl.when(jo + 1 < n_outer)
                def _():
                    pltpu.async_copy(table_view.at[idxs_v.at[j + 1]], ob,
                                     ogsem)
            else:
                pltpu.async_copy(table_view.at[idxs_v.at[j + 1]], ob,
                                 ogsem)
            pltpu.async_copy(b, acc.at[idxd_v.at[j]], ssem, add=True)
        return 0
    lax.fori_loop(0, n_outer, outer, 0)
    pltpu.make_async_copy(buf2, acc.at[idxd_v.at[nch - 1]], sem_sb).wait()


def _dump_acc(acc, out_view, s):
    def dump(b, _):
        r0 = s * RPT + b * CW
        pltpu.sync_copy(acc.at[pl.ds(r0, CW)], out_view.at[pl.ds(r0, CW)])
        return 0
    lax.fori_loop(0, RPT // CW, dump, 0)


def _agg_body(tables, src3, dst3, out, idxs_v, idxd_v, buf, buf2, acc,
              sem_ga, sem_gb, sem_sa, sem_sb):
    c = lax.axis_index("c")
    s = lax.axis_index("s")
    wid = s * 2 + c
    _zero_acc(buf, acc, s)
    plsc.subcore_barrier()
    pltpu.sync_copy(src3.at[wid], idxs_v)
    pltpu.sync_copy(dst3.at[wid], idxd_v)
    _stream_agg(tables.at[c], idxs_v, idxd_v, buf, buf2, acc, sem_ga,
                sem_gb, sem_sa, sem_sb, NCH)
    plsc.subcore_barrier()
    _dump_acc(acc, out.at[c], s)


def _sc_edge_agg(tables, src3, dst3):
    f = pl.kernel(
        _agg_body,
        out_type=jax.ShapeDtypeStruct((2, NP, D), jnp.float32),
        mesh=_sc_mesh(),
        scratch_types=[
            pltpu.VMEM((NCH, CW), jnp.int32),
            pltpu.VMEM((NCH, CW), jnp.int32),
            pltpu.VMEM((CW, D), jnp.float32),
            pltpu.VMEM((CW, D), jnp.float32),
            pltpu.VMEM_SHARED((NP, D), jnp.float32),
            pltpu.SemaphoreType.DMA,
            pltpu.SemaphoreType.DMA,
            pltpu.SemaphoreType.DMA,
            pltpu.SemaphoreType.DMA,
        ],
        compiler_params=_SC_PARAMS,
    )
    return f(tables, src3, dst3)


NCH2 = EP // 16 // CW


def _agg2_body(tables, src2, dst2, out, idxs_v, idxd_v, buf, buf2, acc,
               sem_ga, sem_gb, sem_sa, sem_sb):
    c = lax.axis_index("c")
    s = lax.axis_index("s")
    _zero_acc(buf, acc, s)
    plsc.subcore_barrier()

    def phase(p, _):
        pltpu.sync_copy(src2.at[s, pl.ds(p * NCH, NCH)], idxs_v)
        pltpu.sync_copy(dst2.at[s, pl.ds(p * NCH, NCH)], idxd_v)
        _stream_agg(tables.at[c], idxs_v, idxd_v, buf, buf2, acc, sem_ga,
                    sem_gb, sem_sa, sem_sb, NCH)
        return 0
    lax.fori_loop(0, NCH2 // NCH, phase, 0)
    plsc.subcore_barrier()
    _dump_acc(acc, out.at[c], s)


def _sc_edge_agg2(tables, src2, dst2):
    f = pl.kernel(
        _agg2_body,
        out_type=jax.ShapeDtypeStruct((2, NP, D), jnp.float32),
        mesh=_sc_mesh(),
        scratch_types=[
            pltpu.VMEM((NCH, CW), jnp.int32),
            pltpu.VMEM((NCH, CW), jnp.int32),
            pltpu.VMEM((CW, D), jnp.float32),
            pltpu.VMEM((CW, D), jnp.float32),
            pltpu.VMEM_SHARED((NP, D), jnp.float32),
            pltpu.SemaphoreType.DMA,
            pltpu.SemaphoreType.DMA,
            pltpu.SemaphoreType.DMA,
            pltpu.SemaphoreType.DMA,
        ],
        compiler_params=_SC_PARAMS,
    )
    return f(tables, src2, dst2)



def _cbnorm_body(cb_ref, out_ref):
    x = cb_ref[...]
    nrm = jnp.sqrt(jnp.sum(x * x, axis=1, keepdims=True))
    out_ref[...] = x / jnp.maximum(nrm, 1e-12)


def _cb_normalize(codebook):
    return pl.pallas_call(
        _cbnorm_body,
        out_shape=jax.ShapeDtypeStruct((K, D), jnp.float32),
    )(codebook)


def _scale_body(draw_ref, s2_ref):
    d = jnp.sum(draw_ref[...], axis=0)
    eye2 = jnp.eye(2, dtype=jnp.float32)
    s2_ref[...] = lax.dot_general(d, eye2, (((0,), (0,)), ((), ())),
                                  preferred_element_type=jnp.float32)


def _tc_scale(deg_raw):
    return pl.pallas_call(
        _scale_body,
        out_shape=jax.ShapeDtypeStruct((NP, 2), jnp.float32),
    )(deg_raw)


def _pre_body(feats_ref, w1_ref, s2_ref, out_ref):
    xw = lax.dot_general(feats_ref[...], w1_ref[...], (((1,), (0,)), ((), ())),
                         preferred_element_type=jnp.float32)
    v = xw * s2_ref[:, 0:1]
    out_ref[0] = v
    out_ref[1] = v


def _tc_pre(feats_p, W1, s2):
    return pl.pallas_call(
        _pre_body,
        grid=(GB,),
        in_specs=[
            pl.BlockSpec((BM, D), lambda i: (i, 0)),
            pl.BlockSpec((D, D), lambda i: (0, 0)),
            pl.BlockSpec((BM, 2), lambda i: (i, 0)),
        ],
        out_specs=pl.BlockSpec((2, BM, D), lambda i: (0, i, 0)),
        out_shape=jax.ShapeDtypeStruct((2, NP, D), jnp.float32),
    )(feats_p, W1, s2)


def _main_body(p_ref, s2_ref, b1_ref, cbn_ref, d1w_ref, d1b_ref, d2w_ref,
               d2b_ref, w2_ref,
               dist_ref, idx_ref, tbl_ref, c_ref, sv_ref,
               commit_ref, floss_ref):
    i = pl.program_id(0)
    agg = p_ref[0]
    h = jnp.maximum(agg * s2_ref[:, 1:2] + b1_ref[...], 0.0)
    nrm = jnp.sqrt(jnp.sum(h * h, axis=1, keepdims=True))
    hn = h / jnp.maximum(nrm, 1e-12)
    cbn = cbn_ref[...]
    dist = lax.dot_general(hn, cbn, (((1,), (1,)), ((), ())),
                           preferred_element_type=jnp.float32)
    dist_ref[...] = dist
    rowmax = jnp.max(dist, axis=1, keepdims=True)
    iota_k = lax.broadcasted_iota(jnp.int32, (BM, K), 1)
    big = jnp.int32(2 ** 30)
    idxv = jnp.min(jnp.where(dist == rowmax, iota_k, big), axis=1,
                   keepdims=True)
    idx_ref[...] = idxv
    onehot = (iota_k == idxv).astype(jnp.float32)
    q = lax.dot_general(onehot, cbn, (((1,), (0,)), ((), ())),
                        preferred_element_type=jnp.float32)
    quant = hn + (q - hn)
    rowid = lax.broadcasted_iota(jnp.int32, (BM, 1), 0) + i * BM
    rmask = (rowid < N).astype(jnp.float32)
    dq = (q - hn) * rmask
    commit_part = jnp.sum(dq * dq)
    zn = lax.dot_general(quant, d2w_ref[...], (((1,), (0,)), ((), ())),
                         preferred_element_type=jnp.float32) + d2b_ref[...]
    df = (h - zn) * rmask
    floss_part = jnp.sum(df * df)
    ze = (lax.dot_general(quant, d1w_ref[...], (((1,), (0,)), ((), ())),
                          preferred_element_type=jnp.float32)
          + d1b_ref[...]) * rmask
    tbl_ref[1] = ze
    tbl_ref[0] = lax.dot_general(ze, w2_ref[...], (((1,), (0,)), ((), ())),
                                 preferred_element_type=jnp.float32) * s2_ref[:, 0:1]
    cpart = lax.dot_general(ze, ze, (((0,), (0,)), ((), ())),
                            preferred_element_type=jnp.float32)
    svpart = jnp.sum(ze, axis=0, keepdims=True)

    commit_part = commit_part.reshape(1, 1)
    floss_part = floss_part.reshape(1, 1)

    @pl.when(i == 0)
    def _():
        c_ref[...] = cpart
        sv_ref[...] = svpart
        commit_ref[...] = commit_part
        floss_ref[...] = floss_part

    @pl.when(i > 0)
    def _():
        c_ref[...] += cpart
        sv_ref[...] += svpart
        commit_ref[...] += commit_part
        floss_ref[...] += floss_part


def _tc_main(p, s2, b1, cbn, d1w, d1b, d2w, d2b, W2):
    return pl.pallas_call(
        _main_body,
        grid=(GB,),
        in_specs=[
            pl.BlockSpec((2, BM, D), lambda i: (0, i, 0)),
            pl.BlockSpec((BM, 2), lambda i: (i, 0)),
            pl.BlockSpec((1, D), lambda i: (0, 0)),
            pl.BlockSpec((K, D), lambda i: (0, 0)),
            pl.BlockSpec((D, D), lambda i: (0, 0)),
            pl.BlockSpec((1, D), lambda i: (0, 0)),
            pl.BlockSpec((D, D), lambda i: (0, 0)),
            pl.BlockSpec((1, D), lambda i: (0, 0)),
            pl.BlockSpec((D, D), lambda i: (0, 0)),
        ],
        out_specs=[
            pl.BlockSpec((BM, K), lambda i: (i, 0)),
            pl.BlockSpec((BM, 1), lambda i: (i, 0)),
            pl.BlockSpec((2, BM, D), lambda i: (0, i, 0)),
            pl.BlockSpec((D, D), lambda i: (0, 0)),
            pl.BlockSpec((1, D), lambda i: (0, 0)),
            pl.BlockSpec((1, 1), lambda i: (0, 0)),
            pl.BlockSpec((1, 1), lambda i: (0, 0)),
        ],
        out_shape=[
            jax.ShapeDtypeStruct((N, K), jnp.float32),
            jax.ShapeDtypeStruct((N, 1), jnp.int32),
            jax.ShapeDtypeStruct((2, NP, D), jnp.float32),
            jax.ShapeDtypeStruct((D, D), jnp.float32),
            jax.ShapeDtypeStruct((1, D), jnp.float32),
            jax.ShapeDtypeStruct((1, 1), jnp.float32),
            jax.ShapeDtypeStruct((1, 1), jnp.float32),
        ],
    )(p, s2, b1.reshape(1, D), cbn, d1w, d1b.reshape(1, D), d2w,
      d2b.reshape(1, D), W2)


def _minmax_body(zi_ref, zj_ref, mn_ref, mx_ref):
    i = pl.program_id(0)
    j = pl.program_id(1)

    @pl.when(j <= i)
    def _():
        g = lax.dot_general(zi_ref[0], zj_ref[0], (((1,), (1,)), ((), ())),
                            preferred_element_type=jnp.float32)
        rid = lax.broadcasted_iota(jnp.int32, (BM, BM), 0) + i * BM
        cid = lax.broadcasted_iota(jnp.int32, (BM, BM), 1) + j * BM
        valid = (rid < N) & (cid < N)
        bmax = jnp.max(jnp.where(valid, g, -jnp.inf)).reshape(1, 1)
        bmin = jnp.min(jnp.where(valid, g, jnp.inf)).reshape(1, 1)

        @pl.when((i == 0) & (j == 0))
        def _():
            mn_ref[...] = bmin
            mx_ref[...] = bmax

        @pl.when(i > 0)
        def _():
            mn_ref[...] = jnp.minimum(mn_ref[...], bmin)
            mx_ref[...] = jnp.maximum(mx_ref[...], bmax)


def _tc_minmax(tables):
    return pl.pallas_call(
        _minmax_body,
        grid=(GB, GB),
        in_specs=[
            pl.BlockSpec((1, BM, D), lambda i, j: (1, i, 0)),
            pl.BlockSpec((1, BM, D), lambda i, j: (1, j, 0)),
        ],
        out_specs=[
            pl.BlockSpec((1, 1), lambda i, j: (0, 0)),
            pl.BlockSpec((1, 1), lambda i, j: (0, 0)),
        ],
        out_shape=[
            jax.ShapeDtypeStruct((1, 1), jnp.float32),
            jax.ShapeDtypeStruct((1, 1), jnp.float32),
        ],
    )(tables, tables)


def _final_body(pu_ref, ze_ref, s2_ref, b2_ref, lw_ref, lb_ref,
                out_ref, se_ref):
    i = pl.program_id(0)
    h2 = jnp.maximum(pu_ref[0] * s2_ref[:, 1:2] + b2_ref[...], 0.0)
    out_ref[...] = lax.dot_general(h2, lw_ref[...], (((1,), (0,)), ((), ())),
                                   preferred_element_type=jnp.float32) + lb_ref[...]
    se_part = jnp.sum(pu_ref[1] * ze_ref[0]).reshape(1, 1)

    @pl.when(i == 0)
    def _():
        se_ref[...] = se_part

    @pl.when(i > 0)
    def _():
        se_ref[...] += se_part


def _tc_final(pu, tables, s2, b2, lin_W, lin_b):
    d_out = lin_W.shape[1]
    return pl.pallas_call(
        _final_body,
        grid=(GB,),
        in_specs=[
            pl.BlockSpec((2, BM, D), lambda i: (0, i, 0)),
            pl.BlockSpec((1, BM, D), lambda i: (1, i, 0)),
            pl.BlockSpec((BM, 2), lambda i: (i, 0)),
            pl.BlockSpec((1, D), lambda i: (0, 0)),
            pl.BlockSpec((D, d_out), lambda i: (0, 0)),
            pl.BlockSpec((1, d_out), lambda i: (0, 0)),
        ],
        out_specs=[
            pl.BlockSpec((BM, d_out), lambda i: (i, 0)),
            pl.BlockSpec((1, 1), lambda i: (0, 0)),
        ],
        out_shape=[
            jax.ShapeDtypeStruct((N, d_out), jnp.float32),
            jax.ShapeDtypeStruct((1, 1), jnp.float32),
        ],
    )(pu, tables, s2, b2.reshape(1, D), lin_W, lin_b.reshape(1, d_out))



def kernel(feats, edge_index, W1, b1, W2, b2, dec1_W, dec1_b, dec2_W, dec2_b,
           lin_W, lin_b, codebook):
    src = edge_index[0].astype(jnp.int32)
    dst = edge_index[1].astype(jnp.int32)
    pad = jnp.full((EP - E,), PAD_IDX, jnp.int32)
    src3 = jnp.concatenate([src, pad]).reshape(NTILES, NCH, CW)
    dst3 = jnp.concatenate([dst, pad]).reshape(NTILES, NCH, CW)

    feats_p = jnp.pad(feats, ((0, NP - N), (0, 0)))

    deg_raw = _sc_degrees(src3, dst3)
    deg2 = _tc_scale(deg_raw)
    s2 = jnp.clip(deg2, 1.0) ** -0.5

    cbn = _cb_normalize(codebook)
    xws_tab = _tc_pre(feats_p, W1, s2)

    p1 = _sc_edge_agg2(xws_tab, src3.reshape(16, NCH2, CW),
                       dst3.reshape(16, NCH2, CW))

    (dist, idx_p, tables, C, sv, commit_s, floss_s) = _tc_main(
        p1, s2, b1, cbn, dec1_W, dec1_b, dec2_W, dec2_b, W2)

    mn_o, mx_o = _tc_minmax(tables)

    pu = _sc_edge_agg2(tables, src3.reshape(16, NCH2, CW),
                       dst3.reshape(16, NCH2, CW))

    out, se_s = _tc_final(pu, tables, s2, b2, lin_W, lin_b)

    mn = mn_o[0, 0]
    mx = mx_o[0, 0]
    rng = mx - mn
    sum_g = jnp.sum(sv * sv)
    sum_g2 = jnp.sum(C * C)
    se = se_s[0, 0]
    n2 = jnp.float32(N) * jnp.float32(N)
    saq2 = (sum_g2 - 2.0 * mn * sum_g + n2 * mn * mn) / (rng * rng)
    saq_e = (se - jnp.float32(E) * mn) / rng
    mse = (saq2 - 2.0 * saq_e + jnp.float32(E)) / n2
    edge_rec_loss = jnp.sqrt(mse)
    commit_loss = 0.25 * commit_s[0, 0] / jnp.float32(N * D)
    feature_rec_loss = 0.1 * floss_s[0, 0] / jnp.float32(N * D)
    loss = feature_rec_loss + edge_rec_loss + commit_loss

    idx = idx_p.reshape(N)
    return (out, loss, dist, idx, feature_rec_loss, edge_rec_loss,
            commit_loss)

# --- scband reference (transcript-rebuilt; emitter-appended) ---
"""Pipeline reference for scband-model-23295902614323 (READ-ONLY COPY).

The authoritative reference and input builder live on the scoring server;
editing this copy changes nothing except your own understanding.
"""

import jax, jax.numpy as jnp
import numpy as np

N = 10000
E = 160000
D_IN = 128
D_HID = 128
D_OUT = 64
K = 1024
LAMB_EDGE = 1.0
LAMB_NODE = 0.1


def _l2norm(x, eps=1e-12):
    return x / jnp.maximum(jnp.linalg.norm(x, axis=-1, keepdims=True), eps)


def _graph_conv(x, src, dst, W, b, n):
    # DGL GraphConv with norm='both': D^{-1/2} A D^{-1/2} X W + b
    deg_out = jnp.clip(jnp.bincount(src, length=n), 1).astype(x.dtype)
    deg_in = jnp.clip(jnp.bincount(dst, length=n), 1).astype(x.dtype)
    xw = x @ W
    m = xw[src] * (deg_out[src] ** -0.5)[:, None]
    agg = jnp.zeros_like(xw).at[dst].add(m)
    agg = agg * (deg_in ** -0.5)[:, None]
    return agg + b


def setup_inputs(seed: int = 0):
    key = jax.random.key(seed)
    ks = jax.random.split(key, 12)
    feats = jax.random.normal(ks[0], (N, D_IN), dtype=jnp.float32)
    edge_index = jax.random.randint(ks[1], (2, E), 0, N)
    W1 = jax.random.normal(ks[2], (D_IN, D_IN), dtype=jnp.float32) * (D_IN ** -0.5)
    b1 = jnp.zeros((D_IN,), dtype=jnp.float32)
    W2 = jax.random.normal(ks[3], (D_IN, D_HID), dtype=jnp.float32) * (D_IN ** -0.5)
    b2 = jnp.zeros((D_HID,), dtype=jnp.float32)
    dec1_W = jax.random.normal(ks[4], (D_IN, D_IN), dtype=jnp.float32) * (D_IN ** -0.5)
    dec1_b = jnp.zeros((D_IN,), dtype=jnp.float32)
    dec2_W = jax.random.normal(ks[5], (D_IN, D_IN), dtype=jnp.float32) * (D_IN ** -0.5)
    dec2_b = jnp.zeros((D_IN,), dtype=jnp.float32)
    lin_W = jax.random.normal(ks[6], (D_HID, D_OUT), dtype=jnp.float32) * (D_HID ** -0.5)
    lin_b = jnp.zeros((D_OUT,), dtype=jnp.float32)
    codebook = jax.random.normal(ks[7], (K, D_IN), dtype=jnp.float32)
    return {"feats": feats, "edge_index": edge_index, "W1": W1, "b1": b1,
            "W2": W2, "b2": b2, "dec1_W": dec1_W, "dec1_b": dec1_b,
            "dec2_W": dec2_W, "dec2_b": dec2_b, "lin_W": lin_W, "lin_b": lin_b,
            "codebook": codebook}


def reference(feats, edge_index, W1, b1, W2, b2, dec1_W, dec1_b, dec2_W, dec2_b, lin_W, lin_b, codebook):
    src = edge_index[0]
    dst = edge_index[1]
    # dense adjacency (g.adjacency_matrix().to_dense())
    adj = jnp.zeros((N, N), dtype=feats.dtype).at[src, dst].set(1.0)
    # graph_layer_1 with relu activation (dropout_ratio=0, norm_type='none')
    h = jax.nn.relu(_graph_conv(feats, src, dst, W1, b1, N))
    # VectorQuantize with use_cosine_sim=True, commitment_weight=0.25
    h_n = _l2norm(h)
    cb_n = _l2norm(codebook)
    dist = h_n @ cb_n.T
    idx = jnp.argmax(dist, axis=-1)
    q = jnp.take(cb_n, idx, axis=0)
    commit_loss = 0.25 * jnp.mean((jax.lax.stop_gradient(q) - h_n) ** 2)
    quantized = h_n + jax.lax.stop_gradient(q - h_n)  # straight-through
    quantized_edge = quantized @ dec1_W + dec1_b
    quantized_node = quantized @ dec2_W + dec2_b
    feature_rec_loss = LAMB_NODE * jnp.mean((h - quantized_node) ** 2)
    adj_quantized = quantized_edge @ quantized_edge.T
    adj_quantized = (adj_quantized - adj_quantized.min()) / (adj_quantized.max() - adj_quantized.min())
    edge_rec_loss = LAMB_EDGE * jnp.sqrt(jnp.mean((adj - adj_quantized) ** 2))
    h2 = jax.nn.relu(_graph_conv(quantized_edge, src, dst, W2, b2, N))
    out = h2 @ lin_W + lin_b
    loss = feature_rec_loss + edge_rec_loss + commit_loss
    return (out, loss, dist, idx, feature_rec_loss, edge_rec_loss, commit_loss)

if __name__ == "__main__":
    import jax
    _d = setup_inputs()
    print(jax.jit(kernel)(*tuple(_d.values())))

</pallas_src>

<mosaic_0001>
#map = affine_map<(d0, d1) -> (0, 0, 0)>
module attributes {stable_mosaic.version = 14 : i64} {
  func.func @_deg_body(%arg0: i32, %arg1: i32, %arg2: memref<32x40x128xi32, #tpu.memory_space<hbm>>, %arg3: memref<32x40x128xi32, #tpu.memory_space<hbm>>, %arg4: memref<32x2x10240xf32, #tpu.memory_space<hbm>>, %arg5: memref<40x128xi32, #tpu.memory_space<vmem>>, %arg6: memref<10240xf32, #tpu.memory_space<vmem>>, %arg7: memref<10240xf32, #tpu.memory_space<vmem>>, %arg8: memref<!tpu.dma_semaphore, #tpu.memory_space<semaphore_mem>>) attributes {dimension_semantics = [#tpu.dimension_semantics<core_parallel>, #tpu.dimension_semantics<subcore_parallel>], iteration_bounds = array<i64: 2, 16>, scalar_prefetch = 0 : i64, scratch_operands = 4 : i64, tpu.core_type = #tpu.core_type<sc_vector_subcore>, window_params = [{transform_indices = #map}, {transform_indices = #map}, {transform_indices = #map}]} {
    %mul3A = arith.constant 2 : i32
    %mul3A_0 = arith.muli %arg1, %mul3A : i32
    %add3A = arith.addi %mul3A_0, %arg0 : i32
    %broadcast_in_dim3A = arith.constant 0.000000e+00 : f32
    %broadcast_in_dim3A_1 = vector.broadcast %broadcast_in_dim3A : f32 to vector<16xf32>
    %broadcast_in_dim3A_2 = arith.constant 1.000000e+00 : f32
    %broadcast_in_dim3A_3 = vector.broadcast %broadcast_in_dim3A_2 : f32 to vector<16xf32>
    %scan3A = arith.constant 0 : i32
    %scan3A_4 = arith.constant 0 : i32
    %scan3A_5 = arith.constant 640 : i32
    %scan3A_6 = arith.addi %scan3A_4, %scan3A_5 : i32
    %scan3A_7 = arith.constant 1 : i32
    %scan3A_8 = scf.for %scan3A_25 = %scan3A_4 to %scan3A_6 step %scan3A_7 iter_args(%scan3A_26 = %scan3A) -> (i32)  : i32 {
      %mul3A_27 = arith.constant 16 : i32
      %mul3A_28 = arith.muli %scan3A_25, %mul3A_27 : i32
      %swap3A = arith.index_cast %mul3A_28 : i32 to index
      %swap3A_29 = tpu.vector_load %arg6[%swap3A] {strides = array<i32>} : memref<10240xf32, #tpu.memory_space<vmem>>, vector<16xf32>,
      tpu.vector_store %arg6[%swap3A], %broadcast_in_dim3A_1 {strides = array<i32>} : memref<10240xf32, #tpu.memory_space<vmem>>, vector<16xf32>,
      %mul3A_30 = arith.constant 16 : i32
      %mul3A_31 = arith.muli %scan3A_25, %mul3A_30 : i32
      %swap3A_32 = arith.index_cast %mul3A_31 : i32 to index
      %swap3A_33 = tpu.vector_load %arg7[%swap3A_32] {strides = array<i32>} : memref<10240xf32, #tpu.memory_space<vmem>>, vector<16xf32>,
      tpu.vector_store %arg7[%swap3A_32], %broadcast_in_dim3A_1 {strides = array<i32>} : memref<10240xf32, #tpu.memory_space<vmem>>, vector<16xf32>,
      %scan3A_34 = arith.constant 0 : i32
      scf.yield %scan3A_34 : i32
    }
    %scan3A_9 = arith.constant 640 : i32
    "tpu.region"() ({
      %run_scoped3A_25 = tpu.sem_alloc : memref<!tpu.dma_semaphore, #tpu.memory_space<semaphore_mem>>
      %dma_start3A = arith.constant 0 : i32
      %dma_start3A_26 = arith.constant 0 : i32
      %dma_start3A_27 = tpu.memref_slice %arg2[%add3A, %dma_start3A, %dma_start3A_26] : memref<32x40x128xi32, #tpu.memory_space<hbm>> -> memref<1x40x128xi32, #tpu.memory_space<hbm>>
      %dma_start3A_28 = tpu.memref_squeeze %dma_start3A_27 : memref<1x40x128xi32, #tpu.memory_space<hbm>> -> memref<40x128xi32, #tpu.memory_space<hbm>>
      %dma_start3A_29 = arith.constant 0 : i32
      %dma_start3A_30 = arith.constant 0 : i32
      %dma_start3A_31 = tpu.memref_slice %arg2[%add3A, %dma_start3A_29, %dma_start3A_30] : memref<32x40x128xi32, #tpu.memory_space<hbm>> -> memref<1x40x128xi32, #tpu.memory_space<hbm>>
      %dma_start3A_32 = tpu.memref_squeeze %dma_start3A_31 : memref<1x40x128xi32, #tpu.memory_space<hbm>> -> memref<40x128xi32, #tpu.memory_space<hbm>>
      tpu.enqueue_dma source(%dma_start3A_32 : memref<40x128xi32, #tpu.memory_space<hbm>>) target(%arg5 : memref<40x128xi32, #tpu.memory_space<vmem>>) target_semaphore(%run_scoped3A_25 : memref<!tpu.dma_semaphore, #tpu.memory_space<semaphore_mem>>)
      %dma_wait3A = arith.constant 0 : i32
      %dma_wait3A_33 = arith.constant 0 : i32
      %dma_wait3A_34 = tpu.memref_slice %arg2[%add3A, %dma_wait3A, %dma_wait3A_33] : memref<32x40x128xi32, #tpu.memory_space<hbm>> -> memref<1x40x128xi32, #tpu.memory_space<hbm>>
      %dma_wait3A_35 = tpu.memref_squeeze %dma_wait3A_34 : memref<1x40x128xi32, #tpu.memory_space<hbm>> -> memref<40x128xi32, #tpu.memory_space<hbm>>
      %dma_wait3A_36 = arith.constant 0 : i32
      %dma_wait3A_37 = arith.constant 0 : i32
      %dma_wait3A_38 = tpu.memref_slice %arg2[%add3A, %dma_wait3A_36, %dma_wait3A_37] : memref<32x40x128xi32, #tpu.memory_space<hbm>> -> memref<1x40x128xi32, #tpu.memory_space<hbm>>
      %dma_wait3A_39 = tpu.memref_squeeze %dma_wait3A_38 : memref<1x40x128xi32, #tpu.memory_space<hbm>> -> memref<40x128xi32, #tpu.memory_space<hbm>>
      tpu.wait_dma2 semaphore(%run_scoped3A_25 : memref<!tpu.dma_semaphore, #tpu.memory_space<semaphore_mem>>) src(%dma_wait3A_39 : memref<40x128xi32, #tpu.memory_space<hbm>>) dst(%arg5 : memref<40x128xi32, #tpu.memory_space<vmem>>)
      tpu.yield
    }) : () -> ()
    %scan3A_10 = arith.constant 0 : i32
    %scan3A_11 = arith.constant 0 : i32
    %scan3A_12 = arith.constant 40 : i32
    %scan3A_13 = arith.addi %scan3A_11, %scan3A_12 : i32
    %scan3A_14 = arith.constant 1 : i32
    %scan3A_15 = scf.for %scan3A_25 = %scan3A_11 to %scan3A_13 step %scan3A_14 iter_args(%scan3A_26 = %scan3A_10) -> (i32)  : i32 {
      %scan3A_27 = arith.constant 0 : i32
      %scan3A_28 = arith.constant 0 : i32
      %scan3A_29 = arith.constant 8 : i32
      %scan3A_30 = arith.addi %scan3A_28, %scan3A_29 : i32
      %scan3A_31 = arith.constant 1 : i32
      %scan3A_32 = scf.for %scan3A_35 = %scan3A_28 to %scan3A_30 step %scan3A_31 iter_args(%scan3A_36 = %scan3A_27) -> (i32)  : i32 {
        %mul3A_37 = arith.constant 16 : i32
        %mul3A_38 = arith.muli %scan3A_35, %mul3A_37 : i32
        %get3A = arith.index_cast %scan3A_25 : i32 to index
        %get3A_39 = arith.index_cast %mul3A_38 : i32 to index
        %get3A_40 = tpu.vector_load %arg5[%get3A, %get3A_39] {strides = array<i32>} : memref<40x128xi32, #tpu.memory_space<vmem>>, vector<16xi32>,
        tpu.vector_store_idx %arg6[%get3A_40], %broadcast_in_dim3A_3 {add = true} : memref<10240xf32, #tpu.memory_space<vmem>>[vector<16xi32>], vector<16xf32>,
        %scan3A_41 = arith.constant 0 : i32
        scf.yield %scan3A_41 : i32
      }
      %scan3A_33 = arith.constant 8 : i32
      %scan3A_34 = arith.constant 0 : i32
      scf.yield %scan3A_34 : i32
    }
    %scan3A_16 = arith.constant 40 : i32
    "tpu.region"() ({
      %run_scoped3A_25 = tpu.sem_alloc : memref<!tpu.dma_semaphore, #tpu.memory_space<semaphore_mem>>
      %dma_start3A = arith.constant 0 : i32
      %dma_start3A_26 = arith.constant 0 : i32
      %dma_start3A_27 = tpu.memref_slice %arg3[%add3A, %dma_start3A, %dma_start3A_26] : memref<32x40x128xi32, #tpu.memory_space<hbm>> -> memref<1x40x128xi32, #tpu.memory_space<hbm>>
      %dma_start3A_28 = tpu.memref_squeeze %dma_start3A_27 : memref<1x40x128xi32, #tpu.memory_space<hbm>> -> memref<40x128xi32, #tpu.memory_space<hbm>>
      %dma_start3A_29 = arith.constant 0 : i32
      %dma_start3A_30 = arith.constant 0 : i32
      %dma_start3A_31 = tpu.memref_slice %arg3[%add3A, %dma_start3A_29, %dma_start3A_30] : memref<32x40x128xi32, #tpu.memory_space<hbm>> -> memref<1x40x128xi32, #tpu.memory_space<hbm>>
      %dma_start3A_32 = tpu.memref_squeeze %dma_start3A_31 : memref<1x40x128xi32, #tpu.memory_space<hbm>> -> memref<40x128xi32, #tpu.memory_space<hbm>>
      tpu.enqueue_dma source(%dma_start3A_32 : memref<40x128xi32, #tpu.memory_space<hbm>>) target(%arg5 : memref<40x128xi32, #tpu.memory_space<vmem>>) target_semaphore(%run_scoped3A_25 : memref<!tpu.dma_semaphore, #tpu.memory_space<semaphore_mem>>)
      %dma_wait3A = arith.constant 0 : i32
      %dma_wait3A_33 = arith.constant 0 : i32
      %dma_wait3A_34 = tpu.memref_slice %arg3[%add3A, %dma_wait3A, %dma_wait3A_33] : memref<32x40x128xi32, #tpu.memory_space<hbm>> -> memref<1x40x128xi32, #tpu.memory_space<hbm>>
      %dma_wait3A_35 = tpu.memref_squeeze %dma_wait3A_34 : memref<1x40x128xi32, #tpu.memory_space<hbm>> -> memref<40x128xi32, #tpu.memory_space<hbm>>
      %dma_wait3A_36 = arith.constant 0 : i32
      %dma_wait3A_37 = arith.constant 0 : i32
      %dma_wait3A_38 = tpu.memref_slice %arg3[%add3A, %dma_wait3A_36, %dma_wait3A_37] : memref<32x40x128xi32, #tpu.memory_space<hbm>> -> memref<1x40x128xi32, #tpu.memory_space<hbm>>
      %dma_wait3A_39 = tpu.memref_squeeze %dma_wait3A_38 : memref<1x40x128xi32, #tpu.memory_space<hbm>> -> memref<40x128xi32, #tpu.memory_space<hbm>>
      tpu.wait_dma2 semaphore(%run_scoped3A_25 : memref<!tpu.dma_semaphore, #tpu.memory_space<semaphore_mem>>) src(%dma_wait3A_39 : memref<40x128xi32, #tpu.memory_space<hbm>>) dst(%arg5 : memref<40x128xi32, #tpu.memory_space<vmem>>)
      tpu.yield
    }) : () -> ()
    %scan3A_17 = arith.constant 0 : i32
    %scan3A_18 = arith.constant 0 : i32
    %scan3A_19 = arith.constant 40 : i32
    %scan3A_20 = arith.addi %scan3A_18, %scan3A_19 : i32
    %scan3A_21 = arith.constant 1 : i32
    %scan3A_22 = scf.for %scan3A_25 = %scan3A_18 to %scan3A_20 step %scan3A_21 iter_args(%scan3A_26 = %scan3A_17) -> (i32)  : i32 {
      %scan3A_27 = arith.constant 0 : i32
      %scan3A_28 = arith.constant 0 : i32
      %scan3A_29 = arith.constant 8 : i32
      %scan3A_30 = arith.addi %scan3A_28, %scan3A_29 : i32
      %scan3A_31 = arith.constant 1 : i32
      %scan3A_32 = scf.for %scan3A_35 = %scan3A_28 to %scan3A_30 step %scan3A_31 iter_args(%scan3A_36 = %scan3A_27) -> (i32)  : i32 {
        %mul3A_37 = arith.constant 16 : i32
        %mul3A_38 = arith.muli %scan3A_35, %mul3A_37 : i32
        %get3A = arith.index_cast %scan3A_25 : i32 to index
        %get3A_39 = arith.index_cast %mul3A_38 : i32 to index
        %get3A_40 = tpu.vector_load %arg5[%get3A, %get3A_39] {strides = array<i32>} : memref<40x128xi32, #tpu.memory_space<vmem>>, vector<16xi32>,
        tpu.vector_store_idx %arg7[%get3A_40], %broadcast_in_dim3A_3 {add = true} : memref<10240xf32, #tpu.memory_space<vmem>>[vector<16xi32>], vector<16xf32>,
        %scan3A_41 = arith.constant 0 : i32
        scf.yield %scan3A_41 : i32
      }
      %scan3A_33 = arith.constant 8 : i32
      %scan3A_34 = arith.constant 0 : i32
      scf.yield %scan3A_34 : i32
    }
    %scan3A_23 = arith.constant 40 : i32
    %run_scoped3A = arith.constant 0 : i32
    "tpu.region"() ({
      %run_scoped3A_25 = tpu.sem_alloc : memref<!tpu.dma_semaphore, #tpu.memory_space<semaphore_mem>>
      %dma_start3A = arith.constant 0 : i32
      %dma_start3A_26 = tpu.memref_slice %arg4[%add3A, %run_scoped3A, %dma_start3A] : memref<32x2x10240xf32, #tpu.memory_space<hbm>> -> memref<1x1x10240xf32, #tpu.memory_space<hbm>>
      %dma_start3A_27 = tpu.memref_squeeze %dma_start3A_26 : memref<1x1x10240xf32, #tpu.memory_space<hbm>> -> memref<10240xf32, #tpu.memory_space<hbm>>
      %dma_start3A_28 = arith.constant 0 : i32
      %dma_start3A_29 = tpu.memref_slice %arg4[%add3A, %run_scoped3A, %dma_start3A_28] : memref<32x2x10240xf32, #tpu.memory_space<hbm>> -> memref<1x1x10240xf32, #tpu.memory_space<hbm>>
      %dma_start3A_30 = tpu.memref_squeeze %dma_start3A_29 : memref<1x1x10240xf32, #tpu.memory_space<hbm>> -> memref<10240xf32, #tpu.memory_space<hbm>>
      tpu.enqueue_dma source(%arg6 : memref<10240xf32, #tpu.memory_space<vmem>>) target(%dma_start3A_30 : memref<10240xf32, #tpu.memory_space<hbm>>) target_semaphore(%run_scoped3A_25 : memref<!tpu.dma_semaphore, #tpu.memory_space<semaphore_mem>>)
      %dma_wait3A = arith.constant 0 : i32
      %dma_wait3A_31 = tpu.memref_slice %arg4[%add3A, %run_scoped3A, %dma_wait3A] : memref<32x2x10240xf32, #tpu.memory_space<hbm>> -> memref<1x1x10240xf32, #tpu.memory_space<hbm>>
      %dma_wait3A_32 = tpu.memref_squeeze %dma_wait3A_31 : memref<1x1x10240xf32, #tpu.memory_space<hbm>> -> memref<10240xf32, #tpu.memory_space<hbm>>
      %dma_wait3A_33 = arith.constant 0 : i32
      %dma_wait3A_34 = tpu.memref_slice %arg4[%add3A, %run_scoped3A, %dma_wait3A_33] : memref<32x2x10240xf32, #tpu.memory_space<hbm>> -> memref<1x1x10240xf32, #tpu.memory_space<hbm>>
      %dma_wait3A_35 = tpu.memref_squeeze %dma_wait3A_34 : memref<1x1x10240xf32, #tpu.memory_space<hbm>> -> memref<10240xf32, #tpu.memory_space<hbm>>
      tpu.wait_dma2 semaphore(%run_scoped3A_25 : memref<!tpu.dma_semaphore, #tpu.memory_space<semaphore_mem>>) src(%arg6 : memref<10240xf32, #tpu.memory_space<vmem>>) dst(%dma_wait3A_35 : memref<10240xf32, #tpu.memory_space<hbm>>)
      tpu.yield
    }) : () -> ()
    %run_scoped3A_24 = arith.constant 1 : i32
    "tpu.region"() ({
      %run_scoped3A_25 = tpu.sem_alloc : memref<!tpu.dma_semaphore, #tpu.memory_space<semaphore_mem>>
      %dma_start3A = arith.constant 0 : i32
      %dma_start3A_26 = tpu.memref_slice %arg4[%add3A, %run_scoped3A_24, %dma_start3A] : memref<32x2x10240xf32, #tpu.memory_space<hbm>> -> memref<1x1x10240xf32, #tpu.memory_space<hbm>>
      %dma_start3A_27 = tpu.memref_squeeze %dma_start3A_26 : memref<1x1x10240xf32, #tpu.memory_space<hbm>> -> memref<10240xf32, #tpu.memory_space<hbm>>
      %dma_start3A_28 = arith.constant 0 : i32
      %dma_start3A_29 = tpu.memref_slice %arg4[%add3A, %run_scoped3A_24, %dma_start3A_28] : memref<32x2x10240xf32, #tpu.memory_space<hbm>> -> memref<1x1x10240xf32, #tpu.memory_space<hbm>>
      %dma_start3A_30 = tpu.memref_squeeze %dma_start3A_29 : memref<1x1x10240xf32, #tpu.memory_space<hbm>> -> memref<10240xf32, #tpu.memory_space<hbm>>
      tpu.enqueue_dma source(%arg7 : memref<10240xf32, #tpu.memory_space<vmem>>) target(%dma_start3A_30 : memref<10240xf32, #tpu.memory_space<hbm>>) target_semaphore(%run_scoped3A_25 : memref<!tpu.dma_semaphore, #tpu.memory_space<semaphore_mem>>)
      %dma_wait3A = arith.constant 0 : i32
      %dma_wait3A_31 = tpu.memref_slice %arg4[%add3A, %run_scoped3A_24, %dma_wait3A] : memref<32x2x10240xf32, #tpu.memory_space<hbm>> -> memref<1x1x10240xf32, #tpu.memory_space<hbm>>
      %dma_wait3A_32 = tpu.memref_squeeze %dma_wait3A_31 : memref<1x1x10240xf32, #tpu.memory_space<hbm>> -> memref<10240xf32, #tpu.memory_space<hbm>>
      %dma_wait3A_33 = arith.constant 0 : i32
      %dma_wait3A_34 = tpu.memref_slice %arg4[%add3A, %run_scoped3A_24, %dma_wait3A_33] : memref<32x2x10240xf32, #tpu.memory_space<hbm>> -> memref<1x1x10240xf32, #tpu.memory_space<hbm>>
      %dma_wait3A_35 = tpu.memref_squeeze %dma_wait3A_34 : memref<1x1x10240xf32, #tpu.memory_space<hbm>> -> memref<10240xf32, #tpu.memory_space<hbm>>
      tpu.wait_dma2 semaphore(%run_scoped3A_25 : memref<!tpu.dma_semaphore, #tpu.memory_space<semaphore_mem>>) src(%arg7 : memref<10240xf32, #tpu.memory_space<vmem>>) dst(%dma_wait3A_35 : memref<10240xf32, #tpu.memory_space<hbm>>)
      tpu.yield
    }) : () -> ()
    return
  }
}

#map = affine_map<(d0, d1) -> (0, 0, 0)>
module attributes {stable_mosaic.version = 14 : i64} {
  func.func @_agg2_body(%arg0: i32, %arg1: i32, %arg2: memref<2x10240x128xf32, #tpu.memory_space<hbm>>, %arg3: memref<16x80x128xi32, #tpu.memory_space<hbm>>, %arg4: memref<16x80x128xi32, #tpu.memory_space<hbm>>, %arg5: memref<2x10240x128xf32, #tpu.memory_space<hbm>>, %arg6: memref<40x128xi32, #tpu.memory_space<vmem>>, %arg7: memref<40x128xi32, #tpu.memory_space<vmem>>, %arg8: memref<128x128xf32, #tpu.memory_space<vmem>>, %arg9: memref<128x128xf32, #tpu.memory_space<vmem>>, %arg10: memref<10240x128xf32, #tpu.memory_space<vmem_shared>>, %arg11: memref<!tpu.dma_semaphore, #tpu.memory_space<semaphore_mem>>, %arg12: memref<!tpu.dma_semaphore, #tpu.memory_space<semaphore_mem>>, %arg13: memref<!tpu.dma_semaphore, #tpu.memory_space<semaphore_mem>>, %arg14: memref<!tpu.dma_semaphore, #tpu.memory_space<semaphore_mem>>) attributes {dimension_semantics = [#tpu.dimension_semantics<core_parallel>, #tpu.dimension_semantics<subcore_parallel>], iteration_bounds = array<i64: 2, 16>, scalar_prefetch = 0 : i64, scratch_operands = 9 : i64, tpu.core_type = #tpu.core_type<sc_vector_subcore>, window_params = [{transform_indices = #map}, {transform_indices = #map}, {transform_indices = #map}, {transform_indices = #map}]} {
    %broadcast_in_dim3A = arith.constant 0.000000e+00 : f32
    %broadcast_in_dim3A_0 = vector.broadcast %broadcast_in_dim3A : f32 to vector<16xf32>
    %scan3A = arith.constant 0 : i32
    %scan3A_1 = arith.constant 0 : i32
    %scan3A_2 = arith.constant 128 : i32
    %scan3A_3 = arith.addi %scan3A_1, %scan3A_2 : i32
    %scan3A_4 = arith.constant 1 : i32
    %scan3A_5 = scf.for %scan3A_29 = %scan3A_1 to %scan3A_3 step %scan3A_4 iter_args(%scan3A_30 = %scan3A) -> (i32)  : i32 {
      %scan3A_31 = arith.constant 0 : i32
      %scan3A_32 = arith.constant 0 : i32
      %scan3A_33 = arith.constant 8 : i32
      %scan3A_34 = arith.addi %scan3A_32, %scan3A_33 : i32
      %scan3A_35 = arith.constant 1 : i32
      %scan3A_36 = scf.for %scan3A_39 = %scan3A_32 to %scan3A_34 step %scan3A_35 iter_args(%scan3A_40 = %scan3A_31) -> (i32)  : i32 {
        %mul3A = arith.constant 16 : i32
        %mul3A_41 = arith.muli %scan3A_39, %mul3A : i32
        %swap3A = arith.index_cast %scan3A_29 : i32 to index
        %swap3A_42 = arith.index_cast %mul3A_41 : i32 to index
        %swap3A_43 = tpu.vector_load %arg8[%swap3A, %swap3A_42] {strides = array<i32>} : memref<128x128xf32, #tpu.memory_space<vmem>>, vector<16xf32>,
        tpu.vector_store %arg8[%swap3A, %swap3A_42], %broadcast_in_dim3A_0 {strides = array<i32>} : memref<128x128xf32, #tpu.memory_space<vmem>>, vector<16xf32>,
        %scan3A_44 = arith.constant 0 : i32
        scf.yield %scan3A_44 : i32
      }
      %scan3A_37 = arith.constant 8 : i32
      %scan3A_38 = arith.constant 0 : i32
      scf.yield %scan3A_38 : i32
    }
    %scan3A_6 = arith.constant 128 : i32
    %scan3A_7 = arith.constant 0 : i32
    %scan3A_8 = arith.constant 0 : i32
    %scan3A_9 = arith.constant 5 : i32
    %scan3A_10 = arith.addi %scan3A_8, %scan3A_9 : i32
    %scan3A_11 = arith.constant 1 : i32
    %scan3A_12 = scf.for %scan3A_29 = %scan3A_8 to %scan3A_10 step %scan3A_11 iter_args(%scan3A_30 = %scan3A_7) -> (i32)  : i32 {
      %mul3A = arith.constant 640 : i32
      %mul3A_31 = arith.muli %arg1, %mul3A : i32
      %mul3A_32 = arith.constant 128 : i32
      %mul3A_33 = arith.muli %scan3A_29, %mul3A_32 : i32
      %add3A = arith.addi %mul3A_31, %mul3A_33 : i32
      "tpu.region"() ({
        %run_scoped3A = tpu.sem_alloc : memref<!tpu.dma_semaphore, #tpu.memory_space<semaphore_mem>>
        %dma_start3A = arith.constant 0 : i32
        %dma_start3A_35 = tpu.memref_slice %arg10[%add3A, %dma_start3A] : memref<10240x128xf32, #tpu.memory_space<vmem_shared>> -> memref<128x128xf32, #tpu.memory_space<vmem_shared>>
        %dma_start3A_36 = arith.constant 0 : i32
        %dma_start3A_37 = tpu.memref_slice %arg10[%add3A, %dma_start3A_36] : memref<10240x128xf32, #tpu.memory_space<vmem_shared>> -> memref<128x128xf32, #tpu.memory_space<vmem_shared>>
        tpu.enqueue_dma source(%arg8 : memref<128x128xf32, #tpu.memory_space<vmem>>) target(%dma_start3A_37 : memref<128x128xf32, #tpu.memory_space<vmem_shared>>) target_semaphore(%run_scoped3A : memref<!tpu.dma_semaphore, #tpu.memory_space<semaphore_mem>>)
        %dma_wait3A = arith.constant 0 : i32
        %dma_wait3A_38 = tpu.memref_slice %arg10[%add3A, %dma_wait3A] : memref<10240x128xf32, #tpu.memory_space<vmem_shared>> -> memref<128x128xf32, #tpu.memory_space<vmem_shared>>
        %dma_wait3A_39 = arith.constant 0 : i32
        %dma_wait3A_40 = tpu.memref_slice %arg10[%add3A, %dma_wait3A_39] : memref<10240x128xf32, #tpu.memory_space<vmem_shared>> -> memref<128x128xf32, #tpu.memory_space<vmem_shared>>
        tpu.wait_dma2 semaphore(%run_scoped3A : memref<!tpu.dma_semaphore, #tpu.memory_space<semaphore_mem>>) src(%arg8 : memref<128x128xf32, #tpu.memory_space<vmem>>) dst(%dma_wait3A_40 : memref<128x128xf32, #tpu.memory_space<vmem_shared>>)
        tpu.yield
      }) : () -> ()
      %scan3A_34 = arith.constant 0 : i32
      scf.yield %scan3A_34 : i32
    }
    %scan3A_13 = arith.constant 5 : i32
    %barrier3A = arith.constant 0 : index
    tpu.barrier barrier_id(%barrier3A)
    %scan3A_14 = arith.constant 0 : i32
    %scan3A_15 = arith.constant 0 : i32
    %scan3A_16 = arith.constant 2 : i32
    %scan3A_17 = arith.addi %scan3A_15, %scan3A_16 : i32
    %scan3A_18 = arith.constant 1 : i32
    %scan3A_19 = scf.for %scan3A_29 = %scan3A_15 to %scan3A_17 step %scan3A_18 iter_args(%scan3A_30 = %scan3A_14) -> (i32)  : i32 {
      %mul3A = arith.constant 40 : i32
      %mul3A_31 = arith.muli %scan3A_29, %mul3A : i32
      "tpu.region"() ({
        %run_scoped3A = tpu.sem_alloc : memref<!tpu.dma_semaphore, #tpu.memory_space<semaphore_mem>>
        %dma_start3A_58 = arith.constant 0 : i32
        %dma_start3A_59 = tpu.memref_slice %arg3[%arg1, %mul3A_31, %dma_start3A_58] : memref<16x80x128xi32, #tpu.memory_space<hbm>> -> memref<1x40x128xi32, #tpu.memory_space<hbm>>
        %dma_start3A_60 = tpu.memref_squeeze %dma_start3A_59 : memref<1x40x128xi32, #tpu.memory_space<hbm>> -> memref<40x128xi32, #tpu.memory_space<hbm>>
        %dma_start3A_61 = arith.constant 0 : i32
        %dma_start3A_62 = tpu.memref_slice %arg3[%arg1, %mul3A_31, %dma_start3A_61] : memref<16x80x128xi32, #tpu.memory_space<hbm>> -> memref<1x40x128xi32, #tpu.memory_space<hbm>>
        %dma_start3A_63 = tpu.memref_squeeze %dma_start3A_62 : memref<1x40x128xi32, #tpu.memory_space<hbm>> -> memref<40x128xi32, #tpu.memory_space<hbm>>
        tpu.enqueue_dma source(%dma_start3A_63 : memref<40x128xi32, #tpu.memory_space<hbm>>) target(%arg6 : memref<40x128xi32, #tpu.memory_space<vmem>>) target_semaphore(%run_scoped3A : memref<!tpu.dma_semaphore, #tpu.memory_space<semaphore_mem>>)
        %dma_wait3A_64 = arith.constant 0 : i32
        %dma_wait3A_65 = tpu.memref_slice %arg3[%arg1, %mul3A_31, %dma_wait3A_64] : memref<16x80x128xi32, #tpu.memory_space<hbm>> -> memref<1x40x128xi32, #tpu.memory_space<hbm>>
        %dma_wait3A_66 = tpu.memref_squeeze %dma_wait3A_65 : memref<1x40x128xi32, #tpu.memory_space<hbm>> -> memref<40x128xi32, #tpu.memory_space<hbm>>
        %dma_wait3A_67 = arith.constant 0 : i32
        %dma_wait3A_68 = tpu.memref_slice %arg3[%arg1, %mul3A_31, %dma_wait3A_67] : memref<16x80x128xi32, #tpu.memory_space<hbm>> -> memref<1x40x128xi32, #tpu.memory_space<hbm>>
        %dma_wait3A_69 = tpu.memref_squeeze %dma_wait3A_68 : memref<1x40x128xi32, #tpu.memory_space<hbm>> -> memref<40x128xi32, #tpu.memory_space<hbm>>
        tpu.wait_dma2 semaphore(%run_scoped3A : memref<!tpu.dma_semaphore, #tpu.memory_space<semaphore_mem>>) src(%dma_wait3A_69 : memref<40x128xi32, #tpu.memory_space<hbm>>) dst(%arg6 : memref<40x128xi32, #tpu.memory_space<vmem>>)
        tpu.yield
      }) : () -> ()
      %mul3A_32 = arith.constant 40 : i32
      %mul3A_33 = arith.muli %scan3A_29, %mul3A_32 : i32
      "tpu.region"() ({
        %run_scoped3A = tpu.sem_alloc : memref<!tpu.dma_semaphore, #tpu.memory_space<semaphore_mem>>
        %dma_start3A_58 = arith.constant 0 : i32
        %dma_start3A_59 = tpu.memref_slice %arg4[%arg1, %mul3A_33, %dma_start3A_58] : memref<16x80x128xi32, #tpu.memory_space<hbm>> -> memref<1x40x128xi32, #tpu.memory_space<hbm>>
        %dma_start3A_60 = tpu.memref_squeeze %dma_start3A_59 : memref<1x40x128xi32, #tpu.memory_space<hbm>> -> memref<40x128xi32, #tpu.memory_space<hbm>>
        %dma_start3A_61 = arith.constant 0 : i32
        %dma_start3A_62 = tpu.memref_slice %arg4[%arg1, %mul3A_33, %dma_start3A_61] : memref<16x80x128xi32, #tpu.memory_space<hbm>> -> memref<1x40x128xi32, #tpu.memory_space<hbm>>
        %dma_start3A_63 = tpu.memref_squeeze %dma_start3A_62 : memref<1x40x128xi32, #tpu.memory_space<hbm>> -> memref<40x128xi32, #tpu.memory_space<hbm>>
        tpu.enqueue_dma source(%dma_start3A_63 : memref<40x128xi32, #tpu.memory_space<hbm>>) target(%arg7 : memref<40x128xi32, #tpu.memory_space<vmem>>) target_semaphore(%run_scoped3A : memref<!tpu.dma_semaphore, #tpu.memory_space<semaphore_mem>>)
        %dma_wait3A_64 = arith.constant 0 : i32
        %dma_wait3A_65 = tpu.memref_slice %arg4[%arg1, %mul3A_33, %dma_wait3A_64] : memref<16x80x128xi32, #tpu.memory_space<hbm>> -> memref<1x40x128xi32, #tpu.memory_space<hbm>>
        %dma_wait3A_66 = tpu.memref_squeeze %dma_wait3A_65 : memref<1x40x128xi32, #tpu.memory_space<hbm>> -> memref<40x128xi32, #tpu.memory_space<hbm>>
        %dma_wait3A_67 = arith.constant 0 : i32
        %dma_wait3A_68 = tpu.memref_slice %arg4[%arg1, %mul3A_33, %dma_wait3A_67] : memref<16x80x128xi32, #tpu.memory_space<hbm>> -> memref<1x40x128xi32, #tpu.memory_space<hbm>>
        %dma_wait3A_69 = tpu.memref_squeeze %dma_wait3A_68 : memref<1x40x128xi32, #tpu.memory_space<hbm>> -> memref<40x128xi32, #tpu.memory_space<hbm>>
        tpu.wait_dma2 semaphore(%run_scoped3A : memref<!tpu.dma_semaphore, #tpu.memory_space<semaphore_mem>>) src(%dma_wait3A_69 : memref<40x128xi32, #tpu.memory_space<hbm>>) dst(%arg7 : memref<40x128xi32, #tpu.memory_space<vmem>>)
        tpu.yield
      }) : () -> ()
      %dma_start3A = arith.constant 0 : i32
      %dma_start3A_34 = arith.constant 0 : i32
      %dma_start3A_35 = tpu.memref_slice %arg6[%dma_start3A, %dma_start3A_34] : memref<40x128xi32, #tpu.memory_space<vmem>> -> memref<1x128xi32, #tpu.memory_space<vmem>>
      %dma_start3A_36 = tpu.memref_squeeze %dma_start3A_35 : memref<1x128xi32, #tpu.memory_space<vmem>> -> memref<128xi32, #tpu.memory_space<vmem>>
      %dma_start3A_37 = arith.constant 0 : i32
      %dma_start3A_38 = arith.constant 0 : i32
      %dma_start3A_39 = tpu.memref_slice %arg2[%arg0, %dma_start3A_37, %dma_start3A_38] : memref<2x10240x128xf32, #tpu.memory_space<hbm>> -> memref<1x10240x128xf32, #tpu.memory_space<hbm>>
      %dma_start3A_40 = tpu.memref_squeeze %dma_start3A_39 : memref<1x10240x128xf32, #tpu.memory_space<hbm>> -> memref<10240x128xf32, #tpu.memory_space<hbm>>
      %dma_start3A_41 = arith.constant 0 : i32
      %dma_start3A_42 = arith.constant 0 : i32
      %dma_start3A_43 = tpu.memref_slice %dma_start3A_40[%dma_start3A_41, %dma_start3A_42] : memref<10240x128xf32, #tpu.memory_space<hbm>> -> memref<10240x128xf32, #tpu.memory_space<hbm>>
      tpu.enqueue_indirect_dma source(%dma_start3A_43 : memref<10240x128xf32, #tpu.memory_space<hbm>>) target(%arg8 : memref<128x128xf32, #tpu.memory_space<vmem>>) offsets(%dma_start3A_36 : memref<128xi32, #tpu.memory_space<vmem>>) semaphore(%arg11 : memref<!tpu.dma_semaphore, #tpu.memory_space<semaphore_mem>>)
      %scan3A_44 = arith.constant 0 : i32
      %scan3A_45 = arith.constant 0 : i32
      %scan3A_46 = arith.constant 5 : i32
      %scan3A_47 = arith.addi %scan3A_45, %scan3A_46 : i32
      %scan3A_48 = arith.constant 1 : i32
      %scan3A_49 = scf.for %scan3A_58 = %scan3A_45 to %scan3A_47 step %scan3A_48 iter_args(%scan3A_59 = %scan3A_44) -> (i32)  : i32 {
        %mul3A_60 = arith.constant 8 : i32
        %mul3A_61 = arith.muli %scan3A_58, %mul3A_60 : i32
        %add3A = arith.constant 0 : i32
        %add3A_62 = arith.addi %mul3A_61, %add3A : i32
        %dma_wait3A_63 = arith.constant 0 : i32
        %dma_wait3A_64 = tpu.memref_slice %arg6[%add3A_62, %dma_wait3A_63] : memref<40x128xi32, #tpu.memory_space<vmem>> -> memref<1x128xi32, #tpu.memory_space<vmem>>
        %dma_wait3A_65 = tpu.memref_squeeze %dma_wait3A_64 : memref<1x128xi32, #tpu.memory_space<vmem>> -> memref<128xi32, #tpu.memory_space<vmem>>
        %dma_wait3A_66 = arith.constant 0 : i32
        %dma_wait3A_67 = arith.constant 0 : i32
        %dma_wait3A_68 = tpu.memref_slice %arg2[%arg0, %dma_wait3A_66, %dma_wait3A_67] : memref<2x10240x128xf32, #tpu.memory_space<hbm>> -> memref<1x10240x128xf32, #tpu.memory_space<hbm>>
        %dma_wait3A_69 = tpu.memref_squeeze %dma_wait3A_68 : memref<1x10240x128xf32, #tpu.memory_space<hbm>> -> memref<10240x128xf32, #tpu.memory_space<hbm>>
        %dma_wait3A_70 = arith.constant 0 : i32
        %dma_wait3A_71 = arith.constant 0 : i32
        %dma_wait3A_72 = tpu.memref_slice %dma_wait3A_69[%dma_wait3A_70, %dma_wait3A_71] : memref<10240x128xf32, #tpu.memory_space<hbm>> -> memref<10240x128xf32, #tpu.memory_space<hbm>>
        tpu.wait_indirect_dma semaphore(%arg11 : memref<!tpu.dma_semaphore, #tpu.memory_space<semaphore_mem>>) src(%dma_wait3A_72 : memref<10240x128xf32, #tpu.memory_space<hbm>>) dst(%arg8 : memref<128x128xf32, #tpu.memory_space<vmem>>)
        %gt3A = arith.constant 0 : i32
        %gt3A_73 = arith.cmpi sgt, %scan3A_58, %gt3A : i32
        %convert_element_type3A = arith.extui %gt3A_73 : i1 to i32
        %cond3A = arith.constant 0 : i32
        %cond3A_74 = arith.cmpi ne, %convert_element_type3A, %cond3A : i32
        scf.if %cond3A_74 {
          %sub3A_353 = arith.constant 1 : i32
          %sub3A_354 = arith.subi %add3A_62, %sub3A_353 : i32
          %dma_wait3A_355 = arith.constant 0 : i32
          %dma_wait3A_356 = tpu.memref_slice %arg7[%sub3A_354, %dma_wait3A_355] : memref<40x128xi32, #tpu.memory_space<vmem>> -> memref<1x128xi32, #tpu.memory_space<vmem>>
          %dma_wait3A_357 = tpu.memref_squeeze %dma_wait3A_356 : memref<1x128xi32, #tpu.memory_space<vmem>> -> memref<128xi32, #tpu.memory_space<vmem>>
          %dma_wait3A_358 = arith.constant 0 : i32
          %dma_wait3A_359 = arith.constant 0 : i32
          %dma_wait3A_360 = tpu.memref_slice %arg10[%dma_wait3A_358, %dma_wait3A_359] : memref<10240x128xf32, #tpu.memory_space<vmem_shared>> -> memref<10240x128xf32, #tpu.memory_space<vmem_shared>>
          tpu.wait_indirect_dma semaphore(%arg14 : memref<!tpu.dma_semaphore, #tpu.memory_space<semaphore_mem>>) src(%arg9 : memref<128x128xf32, #tpu.memory_space<vmem>>) dst(%dma_wait3A_360 : memref<10240x128xf32, #tpu.memory_space<vmem_shared>>)
        } else {
        }
        %add3A_75 = arith.constant 1 : i32
        %add3A_76 = arith.addi %add3A_62, %add3A_75 : i32
        %dma_start3A_77 = arith.constant 0 : i32
        %dma_start3A_78 = tpu.memref_slice %arg6[%add3A_76, %dma_start3A_77] : memref<40x128xi32, #tpu.memory_space<vmem>> -> memref<1x128xi32, #tpu.memory_space<vmem>>
        %dma_start3A_79 = tpu.memref_squeeze %dma_start3A_78 : memref<1x128xi32, #tpu.memory_space<vmem>> -> memref<128xi32, #tpu.memory_space<vmem>>
        %dma_start3A_80 = arith.constant 0 : i32
        %dma_start3A_81 = arith.constant 0 : i32
        %dma_start3A_82 = tpu.memref_slice %arg2[%arg0, %dma_start3A_80, %dma_start3A_81] : memref<2x10240x128xf32, #tpu.memory_space<hbm>> -> memref<1x10240x128xf32, #tpu.memory_space<hbm>>
        %dma_start3A_83 = tpu.memref_squeeze %dma_start3A_82 : memref<1x10240x128xf32, #tpu.memory_space<hbm>> -> memref<10240x128xf32, #tpu.memory_space<hbm>>
        %dma_start3A_84 = arith.constant 0 : i32
        %dma_start3A_85 = arith.constant 0 : i32
        %dma_start3A_86 = tpu.memref_slice %dma_start3A_83[%dma_start3A_84, %dma_start3A_85] : memref<10240x128xf32, #tpu.memory_space<hbm>> -> memref<10240x128xf32, #tpu.memory_space<hbm>>
        tpu.enqueue_indirect_dma source(%dma_start3A_86 : memref<10240x128xf32, #tpu.memory_space<hbm>>) target(%arg9 : memref<128x128xf32, #tpu.memory_space<vmem>>) offsets(%dma_start3A_79 : memref<128xi32, #tpu.memory_space<vmem>>) semaphore(%arg12 : memref<!tpu.dma_semaphore, #tpu.memory_space<semaphore_mem>>)
        %dma_start3A_87 = arith.constant 0 : i32
        %dma_start3A_88 = tpu.memref_slice %arg7[%add3A_62, %dma_start3A_87] : memref<40x128xi32, #tpu.memory_space<vmem>> -> memref<1x128xi32, #tpu.memory_space<vmem>>
        %dma_start3A_89 = tpu.memref_squeeze %dma_start3A_88 : memref<1x128xi32, #tpu.memory_space<vmem>> -> memref<128xi32, #tpu.memory_space<vmem>>
        %dma_start3A_90 = arith.constant 0 : i32
        %dma_start3A_91 = arith.constant 0 : i32
        %dma_start3A_92 = tpu.memref_slice %arg10[%dma_start3A_90, %dma_start3A_91] : memref<10240x128xf32, #tpu.memory_space<vmem_shared>> -> memref<10240x128xf32, #tpu.memory_space<vmem_shared>>
        tpu.enqueue_indirect_dma source(%arg8 : memref<128x128xf32, #tpu.memory_space<vmem>>) target(%dma_start3A_92 : memref<10240x128xf32, #tpu.memory_space<vmem_shared>>) offsets(%dma_start3A_89 : memref<128xi32, #tpu.memory_space<vmem>>) semaphore(%arg13 : memref<!tpu.dma_semaphore, #tpu.memory_space<semaphore_mem>>) {add = true}
        %add3A_93 = arith.constant 1 : i32
        %add3A_94 = arith.addi %mul3A_61, %add3A_93 : i32
        %dma_wait3A_95 = arith.constant 0 : i32
        %dma_wait3A_96 = tpu.memref_slice %arg6[%add3A_94, %dma_wait3A_95] : memref<40x128xi32, #tpu.memory_space<vmem>> -> memref<1x128xi32, #tpu.memory_space<vmem>>
        %dma_wait3A_97 = tpu.memref_squeeze %dma_wait3A_96 : memref<1x128xi32, #tpu.memory_space<vmem>> -> memref<128xi32, #tpu.memory_space<vmem>>
        %dma_wait3A_98 = arith.constant 0 : i32
        %dma_wait3A_99 = arith.constant 0 : i32
        %dma_wait3A_100 = tpu.memref_slice %arg2[%arg0, %dma_wait3A_98, %dma_wait3A_99] : memref<2x10240x128xf32, #tpu.memory_space<hbm>> -> memref<1x10240x128xf32, #tpu.memory_space<hbm>>
        %dma_wait3A_101 = tpu.memref_squeeze %dma_wait3A_100 : memref<1x10240x128xf32, #tpu.memory_space<hbm>> -> memref<10240x128xf32, #tpu.memory_space<hbm>>
        %dma_wait3A_102 = arith.constant 0 : i32
        %dma_wait3A_103 = arith.constant 0 : i32
        %dma_wait3A_104 = tpu.memref_slice %dma_wait3A_101[%dma_wait3A_102, %dma_wait3A_103] : memref<10240x128xf32, #tpu.memory_space<hbm>> -> memref<10240x128xf32, #tpu.memory_space<hbm>>
        tpu.wait_indirect_dma semaphore(%arg12 : memref<!tpu.dma_semaphore, #tpu.memory_space<semaphore_mem>>) src(%dma_wait3A_104 : memref<10240x128xf32, #tpu.memory_space<hbm>>) dst(%arg9 : memref<128x128xf32, #tpu.memory_space<vmem>>)
        %sub3A = arith.constant 1 : i32
        %sub3A_105 = arith.subi %add3A_94, %sub3A : i32
        %dma_wait3A_106 = arith.constant 0 : i32
        %dma_wait3A_107 = tpu.memref_slice %arg7[%sub3A_105, %dma_wait3A_106] : memref<40x128xi32, #tpu.memory_space<vmem>> -> memref<1x128xi32, #tpu.memory_space<vmem>>
        %dma_wait3A_108 = tpu.memref_squeeze %dma_wait3A_107 : memref<1x128xi32, #tpu.memory_space<vmem>> -> memref<128xi32, #tpu.memory_space<vmem>>
        %dma_wait3A_109 = arith.constant 0 : i32
        %dma_wait3A_110 = arith.constant 0 : i32
        %dma_wait3A_111 = tpu.memref_slice %arg10[%dma_wait3A_109, %dma_wait3A_110] : memref<10240x128xf32, #tpu.memory_space<vmem_shared>> -> memref<10240x128xf32, #tpu.memory_space<vmem_shared>>
        tpu.wait_indirect_dma semaphore(%arg13 : memref<!tpu.dma_semaphore, #tpu.memory_space<semaphore_mem>>) src(%arg8 : memref<128x128xf32, #tpu.memory_space<vmem>>) dst(%dma_wait3A_111 : memref<10240x128xf32, #tpu.memory_space<vmem_shared>>)
        %add3A_112 = arith.constant 1 : i32
        %add3A_113 = arith.addi %add3A_94, %add3A_112 : i32
        %dma_start3A_114 = arith.constant 0 : i32
        %dma_start3A_115 = tpu.memref_slice %arg6[%add3A_113, %dma_start3A_114] : memref<40x128xi32, #tpu.memory_space<vmem>> -> memref<1x128xi32, #tpu.memory_space<vmem>>
        %dma_start3A_116 = tpu.memref_squeeze %dma_start3A_115 : memref<1x128xi32, #tpu.memory_space<vmem>> -> memref<128xi32, #tpu.memory_space<vmem>>
        %dma_start3A_117 = arith.constant 0 : i32
        %dma_start3A_118 = arith.constant 0 : i32
        %dma_start3A_119 = tpu.memref_slice %arg2[%arg0, %dma_start3A_117, %dma_start3A_118] : memref<2x10240x128xf32, #tpu.memory_space<hbm>> -> memref<1x10240x128xf32, #tpu.memory_space<hbm>>
        %dma_start3A_120 = tpu.memref_squeeze %dma_start3A_119 : memref<1x10240x128xf32, #tpu.memory_space<hbm>> -> memref<10240x128xf32, #tpu.memory_space<hbm>>
        %dma_start3A_121 = arith.constant 0 : i32
        %dma_start3A_122 = arith.constant 0 : i32
        %dma_start3A_123 = tpu.memref_slice %dma_start3A_120[%dma_start3A_121, %dma_start3A_122] : memref<10240x128xf32, #tpu.memory_space<hbm>> -> memref<10240x128xf32, #tpu.memory_space<hbm>>
        tpu.enqueue_indirect_dma source(%dma_start3A_123 : memref<10240x128xf32, #tpu.memory_space<hbm>>) target(%arg8 : memref<128x128xf32, #tpu.memory_space<vmem>>) offsets(%dma_start3A_116 : memref<128xi32, #tpu.memory_space<vmem>>) semaphore(%arg11 : memref<!tpu.dma_semaphore, #tpu.memory_space<semaphore_mem>>)
        %dma_start3A_124 = arith.constant 0 : i32
        %dma_start3A_125 = tpu.memref_slice %arg7[%add3A_94, %dma_start3A_124] : memref<40x128xi32, #tpu.memory_space<vmem>> -> memref<1x128xi32, #tpu.memory_space<vmem>>
        %dma_start3A_126 = tpu.memref_squeeze %dma_start3A_125 : memref<1x128xi32, #tpu.memory_space<vmem>> -> memref<128xi32, #tpu.memory_space<vmem>>
        %dma_start3A_127 = arith.constant 0 : i32
        %dma_start3A_128 = arith.constant 0 : i32
        %dma_start3A_129 = tpu.memref_slice %arg10[%dma_start3A_127, %dma_start3A_128] : memref<10240x128xf32, #tpu.memory_space<vmem_shared>> -> memref<10240x128xf32, #tpu.memory_space<vmem_shared>>
        tpu.enqueue_indirect_dma source(%arg9 : memref<128x128xf32, #tpu.memory_space<vmem>>) target(%dma_start3A_129 : memref<10240x128xf32, #tpu.memory_space<vmem_shared>>) offsets(%dma_start3A_126 : memref<128xi32, #tpu.memory_space<vmem>>) semaphore(%arg14 : memref<!tpu.dma_semaphore, #tpu.memory_space<semaphore_mem>>) {add = true}
        %add3A_130 = arith.constant 2 : i32
        %add3A_131 = arith.addi %mul3A_61, %add3A_130 : i32
        %dma_wait3A_132 = arith.constant 0 : i32
        %dma_wait3A_133 = tpu.memref_slice %arg6[%add3A_131, %dma_wait3A_132] : memref<40x128xi32, #tpu.memory_space<vmem>> -> memref<1x128xi32, #tpu.memory_space<vmem>>
        %dma_wait3A_134 = tpu.memref_squeeze %dma_wait3A_133 : memref<1x128xi32, #tpu.memory_space<vmem>> -> memref<128xi32, #tpu.memory_space<vmem>>
        %dma_wait3A_135 = arith.constant 0 : i32
        %dma_wait3A_136 = arith.constant 0 : i32
        %dma_wait3A_137 = tpu.memref_slice %arg2[%arg0, %dma_wait3A_135, %dma_wait3A_136] : memref<2x10240x128xf32, #tpu.memory_space<hbm>> -> memref<1x10240x128xf32, #tpu.memory_space<hbm>>
        %dma_wait3A_138 = tpu.memref_squeeze %dma_wait3A_137 : memref<1x10240x128xf32, #tpu.memory_space<hbm>> -> memref<10240x128xf32, #tpu.memory_space<hbm>>
        %dma_wait3A_139 = arith.constant 0 : i32
        %dma_wait3A_140 = arith.constant 0 : i32
        %dma_wait3A_141 = tpu.memref_slice %dma_wait3A_138[%dma_wait3A_139, %dma_wait3A_140] : memref<10240x128xf32, #tpu.memory_space<hbm>> -> memref<10240x128xf32, #tpu.memory_space<hbm>>
        tpu.wait_indirect_dma semaphore(%arg11 : memref<!tpu.dma_semaphore, #tpu.memory_space<semaphore_mem>>) src(%dma_wait3A_141 : memref<10240x128xf32, #tpu.memory_space<hbm>>) dst(%arg8 : memref<128x128xf32, #tpu.memory_space<vmem>>)
        %sub3A_142 = arith.constant 1 : i32
        %sub3A_143 = arith.subi %add3A_131, %sub3A_142 : i32
        %dma_wait3A_144 = arith.constant 0 : i32
        %dma_wait3A_145 = tpu.memref_slice %arg7[%sub3A_143, %dma_wait3A_144] : memref<40x128xi32, #tpu.memory_space<vmem>> -> memref<1x128xi32, #tpu.memory_space<vmem>>
        %dma_wait3A_146 = tpu.memref_squeeze %dma_wait3A_145 : memref<1x128xi32, #tpu.memory_space<vmem>> -> memref<128xi32, #tpu.memory_space<vmem>>
        %dma_wait3A_147 = arith.constant 0 : i32
        %dma_wait3A_148 = arith.constant 0 : i32
        %dma_wait3A_149 = tpu.memref_slice %arg10[%dma_wait3A_147, %dma_wait3A_148] : memref<10240x128xf32, #tpu.memory_space<vmem_shared>> -> memref<10240x128xf32, #tpu.memory_space<vmem_shared>>
        tpu.wait_indirect_dma semaphore(%arg14 : memref<!tpu.dma_semaphore, #tpu.memory_space<semaphore_mem>>) src(%arg9 : memref<128x128xf32, #tpu.memory_space<vmem>>) dst(%dma_wait3A_149 : memref<10240x128xf32, #tpu.memory_space<vmem_shared>>)
        %add3A_150 = arith.constant 1 : i32
        %add3A_151 = arith.addi %add3A_131, %add3A_150 : i32
        %dma_start3A_152 = arith.constant 0 : i32
        %dma_start3A_153 = tpu.memref_slice %arg6[%add3A_151, %dma_start3A_152] : memref<40x128xi32, #tpu.memory_space<vmem>> -> memref<1x128xi32, #tpu.memory_space<vmem>>
        %dma_start3A_154 = tpu.memref_squeeze %dma_start3A_153 : memref<1x128xi32, #tpu.memory_space<vmem>> -> memref<128xi32, #tpu.memory_space<vmem>>
        %dma_start3A_155 = arith.constant 0 : i32
        %dma_start3A_156 = arith.constant 0 : i32
        %dma_start3A_157 = tpu.memref_slice %arg2[%arg0, %dma_start3A_155, %dma_start3A_156] : memref<2x10240x128xf32, #tpu.memory_space<hbm>> -> memref<1x10240x128xf32, #tpu.memory_space<hbm>>
        %dma_start3A_158 = tpu.memref_squeeze %dma_start3A_157 : memref<1x10240x128xf32, #tpu.memory_space<hbm>> -> memref<10240x128xf32, #tpu.memory_space<hbm>>
        %dma_start3A_159 = arith.constant 0 : i32
        %dma_start3A_160 = arith.constant 0 : i32
        %dma_start3A_161 = tpu.memref_slice %dma_start3A_158[%dma_start3A_159, %dma_start3A_160] : memref<10240x128xf32, #tpu.memory_space<hbm>> -> memref<10240x128xf32, #tpu.memory_space<hbm>>
        tpu.enqueue_indirect_dma source(%dma_start3A_161 : memref<10240x128xf32, #tpu.memory_space<hbm>>) target(%arg9 : memref<128x128xf32, #tpu.memory_space<vmem>>) offsets(%dma_start3A_154 : memref<128xi32, #tpu.memory_space<vmem>>) semaphore(%arg12 : memref<!tpu.dma_semaphore, #tpu.memory_space<semaphore_mem>>)
        %dma_start3A_162 = arith.constant 0 : i32
        %dma_start3A_163 = tpu.memref_slice %arg7[%add3A_131, %dma_start3A_162] : memref<40x128xi32, #tpu.memory_space<vmem>> -> memref<1x128xi32, #tpu.memory_space<vmem>>
        %dma_start3A_164 = tpu.memref_squeeze %dma_start3A_163 : memref<1x128xi32, #tpu.memory_space<vmem>> -> memref<128xi32, #tpu.memory_space<vmem>>
        %dma_start3A_165 = arith.constant 0 : i32
        %dma_start3A_166 = arith.constant 0 : i32
        %dma_start3A_167 = tpu.memref_slice %arg10[%dma_start3A_165, %dma_start3A_166] : memref<10240x128xf32, #tpu.memory_space<vmem_shared>> -> memref<10240x128xf32, #tpu.memory_space<vmem_shared>>
        tpu.enqueue_indirect_dma source(%arg8 : memref<128x128xf32, #tpu.memory_space<vmem>>) target(%dma_start3A_167 : memref<10240x128xf32, #tpu.memory_space<vmem_shared>>) offsets(%dma_start3A_164 : memref<128xi32, #tpu.memory_space<vmem>>) semaphore(%arg13 : memref<!tpu.dma_semaphore, #tpu.memory_space<semaphore_mem>>) {add = true}
        %add3A_168 = arith.constant 3 : i32
        %add3A_169 = arith.addi %mul3A_61, %add3A_168 : i32
        %dma_wait3A_170 = arith.constant 0 : i32
        %dma_wait3A_171 = tpu.memref_slice %arg6[%add3A_169, %dma_wait3A_170] : memref<40x128xi32, #tpu.memory_space<vmem>> -> memref<1x128xi32, #tpu.memory_space<vmem>>
        %dma_wait3A_172 = tpu.memref_squeeze %dma_wait3A_171 : memref<1x128xi32, #tpu.memory_space<vmem>> -> memref<128xi32, #tpu.memory_space<vmem>>
        %dma_wait3A_173 = arith.constant 0 : i32
        %dma_wait3A_174 = arith.constant 0 : i32
        %dma_wait3A_175 = tpu.memref_slice %arg2[%arg0, %dma_wait3A_173, %dma_wait3A_174] : memref<2x10240x128xf32, #tpu.memory_space<hbm>> -> memref<1x10240x128xf32, #tpu.memory_space<hbm>>
        %dma_wait3A_176 = tpu.memref_squeeze %dma_wait3A_175 : memref<1x10240x128xf32, #tpu.memory_space<hbm>> -> memref<10240x128xf32, #tpu.memory_space<hbm>>
        %dma_wait3A_177 = arith.constant 0 : i32
        %dma_wait3A_178 = arith.constant 0 : i32
        %dma_wait3A_179 = tpu.memref_slice %dma_wait3A_176[%dma_wait3A_177, %dma_wait3A_178] : memref<10240x128xf32, #tpu.memory_space<hbm>> -> memref<10240x128xf32, #tpu.memory_space<hbm>>
        tpu.wait_indirect_dma semaphore(%arg12 : memref<!tpu.dma_semaphore, #tpu.memory_space<semaphore_mem>>) src(%dma_wait3A_179 : memref<10240x128xf32, #tpu.memory_space<hbm>>) dst(%arg9 : memref<128x128xf32, #tpu.memory_space<vmem>>)
        %sub3A_180 = arith.constant 1 : i32
        %sub3A_181 = arith.subi %add3A_169, %sub3A_180 : i32
        %dma_wait3A_182 = arith.constant 0 : i32
        %dma_wait3A_183 = tpu.memref_slice %arg7[%sub3A_181, %dma_wait3A_182] : memref<40x128xi32, #tpu.memory_space<vmem>> -> memref<1x128xi32, #tpu.memory_space<vmem>>
        %dma_wait3A_184 = tpu.memref_squeeze %dma_wait3A_183 : memref<1x128xi32, #tpu.memory_space<vmem>> -> memref<128xi32, #tpu.memory_space<vmem>>
        %dma_wait3A_185 = arith.constant 0 : i32
        %dma_wait3A_186 = arith.constant 0 : i32
        %dma_wait3A_187 = tpu.memref_slice %arg10[%dma_wait3A_185, %dma_wait3A_186] : memref<10240x128xf32, #tpu.memory_space<vmem_shared>> -> memref<10240x128xf32, #tpu.memory_space<vmem_shared>>
        tpu.wait_indirect_dma semaphore(%arg13 : memref<!tpu.dma_semaphore, #tpu.memory_space<semaphore_mem>>) src(%arg8 : memref<128x128xf32, #tpu.memory_space<vmem>>) dst(%dma_wait3A_187 : memref<10240x128xf32, #tpu.memory_space<vmem_shared>>)
        %add3A_188 = arith.constant 1 : i32
        %add3A_189 = arith.addi %add3A_169, %add3A_188 : i32
        %dma_start3A_190 = arith.constant 0 : i32
        %dma_start3A_191 = tpu.memref_slice %arg6[%add3A_189, %dma_start3A_190] : memref<40x128xi32, #tpu.memory_space<vmem>> -> memref<1x128xi32, #tpu.memory_space<vmem>>
        %dma_start3A_192 = tpu.memref_squeeze %dma_start3A_191 : memref<1x128xi32, #tpu.memory_space<vmem>> -> memref<128xi32, #tpu.memory_space<vmem>>
        %dma_start3A_193 = arith.constant 0 : i32
        %dma_start3A_194 = arith.constant 0 : i32
        %dma_start3A_195 = tpu.memref_slice %arg2[%arg0, %dma_start3A_193, %dma_start3A_194] : memref<2x10240x128xf32, #tpu.memory_space<hbm>> -> memref<1x10240x128xf32, #tpu.memory_space<hbm>>
        %dma_start3A_196 = tpu.memref_squeeze %dma_start3A_195 : memref<1x10240x128xf32, #tpu.memory_space<hbm>> -> memref<10240x128xf32, #tpu.memory_space<hbm>>
        %dma_start3A_197 = arith.constant 0 : i32
        %dma_start3A_198 = arith.constant 0 : i32
        %dma_start3A_199 = tpu.memref_slice %dma_start3A_196[%dma_start3A_197, %dma_start3A_198] : memref<10240x128xf32, #tpu.memory_space<hbm>> -> memref<10240x128xf32, #tpu.memory_space<hbm>>
        tpu.enqueue_indirect_dma source(%dma_start3A_199 : memref<10240x128xf32, #tpu.memory_space<hbm>>) target(%arg8 : memref<128x128xf32, #tpu.memory_space<vmem>>) offsets(%dma_start3A_192 : memref<128xi32, #tpu.memory_space<vmem>>) semaphore(%arg11 : memref<!tpu.dma_semaphore, #tpu.memory_space<semaphore_mem>>)
        %dma_start3A_200 = arith.constant 0 : i32
        %dma_start3A_201 = tpu.memref_slice %arg7[%add3A_169, %dma_start3A_200] : memref<40x128xi32, #tpu.memory_space<vmem>> -> memref<1x128xi32, #tpu.memory_space<vmem>>
        %dma_start3A_202 = tpu.memref_squeeze %dma_start3A_201 : memref<1x128xi32, #tpu.memory_space<vmem>> -> memref<128xi32, #tpu.memory_space<vmem>>
        %dma_start3A_203 = arith.constant 0 : i32
        %dma_start3A_204 = arith.constant 0 : i32
        %dma_start3A_205 = tpu.memref_slice %arg10[%dma_start3A_203, %dma_start3A_204] : memref<10240x128xf32, #tpu.memory_space<vmem_shared>> -> memref<10240x128xf32, #tpu.memory_space<vmem_shared>>
        tpu.enqueue_indirect_dma source(%arg9 : memref<128x128xf32, #tpu.memory_space<vmem>>) target(%dma_start3A_205 : memref<10240x128xf32, #tpu.memory_space<vmem_shared>>) offsets(%dma_start3A_202 : memref<128xi32, #tpu.memory_space<vmem>>) semaphore(%arg14 : memref<!tpu.dma_semaphore, #tpu.memory_space<semaphore_mem>>) {add = true}
        %add3A_206 = arith.constant 4 : i32
        %add3A_207 = arith.addi %mul3A_61, %add3A_206 : i32
        %dma_wait3A_208 = arith.constant 0 : i32
        %dma_wait3A_209 = tpu.memref_slice %arg6[%add3A_207, %dma_wait3A_208] : memref<40x128xi32, #tpu.memory_space<vmem>> -> memref<1x128xi32, #tpu.memory_space<vmem>>
        %dma_wait3A_210 = tpu.memref_squeeze %dma_wait3A_209 : memref<1x128xi32, #tpu.memory_space<vmem>> -> memref<128xi32, #tpu.memory_space<vmem>>
        %dma_wait3A_211 = arith.constant 0 : i32
        %dma_wait3A_212 = arith.constant 0 : i32
        %dma_wait3A_213 = tpu.memref_slice %arg2[%arg0, %dma_wait3A_211, %dma_wait3A_212] : memref<2x10240x128xf32, #tpu.memory_space<hbm>> -> memref<1x10240x128xf32, #tpu.memory_space<hbm>>
        %dma_wait3A_214 = tpu.memref_squeeze %dma_wait3A_213 : memref<1x10240x128xf32, #tpu.memory_space<hbm>> -> memref<10240x128xf32, #tpu.memory_space<hbm>>
        %dma_wait3A_215 = arith.constant 0 : i32
        %dma_wait3A_216 = arith.constant 0 : i32
        %dma_wait3A_217 = tpu.memref_slice %dma_wait3A_214[%dma_wait3A_215, %dma_wait3A_216] : memref<10240x128xf32, #tpu.memory_space<hbm>> -> memref<10240x128xf32, #tpu.memory_space<hbm>>
        tpu.wait_indirect_dma semaphore(%arg11 : memref<!tpu.dma_semaphore, #tpu.memory_space<semaphore_mem>>) src(%dma_wait3A_217 : memref<10240x128xf32, #tpu.memory_space<hbm>>) dst(%arg8 : memref<128x128xf32, #tpu.memory_space<vmem>>)
        %sub3A_218 = arith.constant 1 : i32
        %sub3A_219 = arith.subi %add3A_207, %sub3A_218 : i32
        %dma_wait3A_220 = arith.constant 0 : i32
        %dma_wait3A_221 = tpu.memref_slice %arg7[%sub3A_219, %dma_wait3A_220] : memref<40x128xi32, #tpu.memory_space<vmem>> -> memref<1x128xi32, #tpu.memory_space<vmem>>
        %dma_wait3A_222 = tpu.memref_squeeze %dma_wait3A_221 : memref<1x128xi32, #tpu.memory_space<vmem>> -> memref<128xi32, #tpu.memory_space<vmem>>
        %dma_wait3A_223 = arith.constant 0 : i32
        %dma_wait3A_224 = arith.constant 0 : i32
        %dma_wait3A_225 = tpu.memref_slice %arg10[%dma_wait3A_223, %dma_wait3A_224] : memref<10240x128xf32, #tpu.memory_space<vmem_shared>> -> memref<10240x128xf32, #tpu.memory_space<vmem_shared>>
        tpu.wait_indirect_dma semaphore(%arg14 : memref<!tpu.dma_semaphore, #tpu.memory_space<semaphore_mem>>) src(%arg9 : memref<128x128xf32, #tpu.memory_space<vmem>>) dst(%dma_wait3A_225 : memref<10240x128xf32, #tpu.memory_space<vmem_shared>>)
        %add3A_226 = arith.constant 1 : i32
        %add3A_227 = arith.addi %add3A_207, %add3A_226 : i32
        %dma_start3A_228 = arith.constant 0 : i32
        %dma_start3A_229 = tpu.memref_slice %arg6[%add3A_227, %dma_start3A_228] : memref<40x128xi32, #tpu.memory_space<vmem>> -> memref<1x128xi32, #tpu.memory_space<vmem>>
        %dma_start3A_230 = tpu.memref_squeeze %dma_start3A_229 : memref<1x128xi32, #tpu.memory_space<vmem>> -> memref<128xi32, #tpu.memory_space<vmem>>
        %dma_start3A_231 = arith.constant 0 : i32
        %dma_start3A_232 = arith.constant 0 : i32
        %dma_start3A_233 = tpu.memref_slice %arg2[%arg0, %dma_start3A_231, %dma_start3A_232] : memref<2x10240x128xf32, #tpu.memory_space<hbm>> -> memref<1x10240x128xf32, #tpu.memory_space<hbm>>
        %dma_start3A_234 = tpu.memref_squeeze %dma_start3A_233 : memref<1x10240x128xf32, #tpu.memory_space<hbm>> -> memref<10240x128xf32, #tpu.memory_space<hbm>>
        %dma_start3A_235 = arith.constant 0 : i32
        %dma_start3A_236 = arith.constant 0 : i32
        %dma_start3A_237 = tpu.memref_slice %dma_start3A_234[%dma_start3A_235, %dma_start3A_236] : memref<10240x128xf32, #tpu.memory_space<hbm>> -> memref<10240x128xf32, #tpu.memory_space<hbm>>
        tpu.enqueue_indirect_dma source(%dma_start3A_237 : memref<10240x128xf32, #tpu.memory_space<hbm>>) target(%arg9 : memref<128x128xf32, #tpu.memory_space<vmem>>) offsets(%dma_start3A_230 : memref<128xi32, #tpu.memory_space<vmem>>) semaphore(%arg12 : memref<!tpu.dma_semaphore, #tpu.memory_space<semaphore_mem>>)
        %dma_start3A_238 = arith.constant 0 : i32
        %dma_start3A_239 = tpu.memref_slice %arg7[%add3A_207, %dma_start3A_238] : memref<40x128xi32, #tpu.memory_space<vmem>> -> memref<1x128xi32, #tpu.memory_space<vmem>>
        %dma_start3A_240 = tpu.memref_squeeze %dma_start3A_239 : memref<1x128xi32, #tpu.memory_space<vmem>> -> memref<128xi32, #tpu.memory_space<vmem>>
        %dma_start3A_241 = arith.constant 0 : i32
        %dma_start3A_242 = arith.constant 0 : i32
        %dma_start3A_243 = tpu.memref_slice %arg10[%dma_start3A_241, %dma_start3A_242] : memref<10240x128xf32, #tpu.memory_space<vmem_shared>> -> memref<10240x128xf32, #tpu.memory_space<vmem_shared>>
        tpu.enqueue_indirect_dma source(%arg8 : memref<128x128xf32, #tpu.memory_space<vmem>>) target(%dma_start3A_243 : memref<10240x128xf32, #tpu.memory_space<vmem_shared>>) offsets(%dma_start3A_240 : memref<128xi32, #tpu.memory_space<vmem>>) semaphore(%arg13 : memref<!tpu.dma_semaphore, #tpu.memory_space<semaphore_mem>>) {add = true}
        %add3A_244 = arith.constant 5 : i32
        %add3A_245 = arith.addi %mul3A_61, %add3A_244 : i32
        %dma_wait3A_246 = arith.constant 0 : i32
        %dma_wait3A_247 = tpu.memref_slice %arg6[%add3A_245, %dma_wait3A_246] : memref<40x128xi32, #tpu.memory_space<vmem>> -> memref<1x128xi32, #tpu.memory_space<vmem>>
        %dma_wait3A_248 = tpu.memref_squeeze %dma_wait3A_247 : memref<1x128xi32, #tpu.memory_space<vmem>> -> memref<128xi32, #tpu.memory_space<vmem>>
        %dma_wait3A_249 = arith.constant 0 : i32
        %dma_wait3A_250 = arith.constant 0 : i32
        %dma_wait3A_251 = tpu.memref_slice %arg2[%arg0, %dma_wait3A_249, %dma_wait3A_250] : memref<2x10240x128xf32, #tpu.memory_space<hbm>> -> memref<1x10240x128xf32, #tpu.memory_space<hbm>>
        %dma_wait3A_252 = tpu.memref_squeeze %dma_wait3A_251 : memref<1x10240x128xf32, #tpu.memory_space<hbm>> -> memref<10240x128xf32, #tpu.memory_space<hbm>>
        %dma_wait3A_253 = arith.constant 0 : i32
        %dma_wait3A_254 = arith.constant 0 : i32
        %dma_wait3A_255 = tpu.memref_slice %dma_wait3A_252[%dma_wait3A_253, %dma_wait3A_254] : memref<10240x128xf32, #tpu.memory_space<hbm>> -> memref<10240x128xf32, #tpu.memory_space<hbm>>
        tpu.wait_indirect_dma semaphore(%arg12 : memref<!tpu.dma_semaphore, #tpu.memory_space<semaphore_mem>>) src(%dma_wait3A_255 : memref<10240x128xf32, #tpu.memory_space<hbm>>) dst(%arg9 : memref<128x128xf32, #tpu.memory_space<vmem>>)
        %sub3A_256 = arith.constant 1 : i32
        %sub3A_257 = arith.subi %add3A_245, %sub3A_256 : i32
        %dma_wait3A_258 = arith.constant 0 : i32
        %dma_wait3A_259 = tpu.memref_slice %arg7[%sub3A_257, %dma_wait3A_258] : memref<40x128xi32, #tpu.memory_space<vmem>> -> memref<1x128xi32, #tpu.memory_space<vmem>>
        %dma_wait3A_260 = tpu.memref_squeeze %dma_wait3A_259 : memref<1x128xi32, #tpu.memory_space<vmem>> -> memref<128xi32, #tpu.memory_space<vmem>>
        %dma_wait3A_261 = arith.constant 0 : i32
        %dma_wait3A_262 = arith.constant 0 : i32
        %dma_wait3A_263 = tpu.memref_slice %arg10[%dma_wait3A_261, %dma_wait3A_262] : memref<10240x128xf32, #tpu.memory_space<vmem_shared>> -> memref<10240x128xf32, #tpu.memory_space<vmem_shared>>
        tpu.wait_indirect_dma semaphore(%arg13 : memref<!tpu.dma_semaphore, #tpu.memory_space<semaphore_mem>>) src(%arg8 : memref<128x128xf32, #tpu.memory_space<vmem>>) dst(%dma_wait3A_263 : memref<10240x128xf32, #tpu.memory_space<vmem_shared>>)
        %add3A_264 = arith.constant 1 : i32
        %add3A_265 = arith.addi %add3A_245, %add3A_264 : i32
        %dma_start3A_266 = arith.constant 0 : i32
        %dma_start3A_267 = tpu.memref_slice %arg6[%add3A_265, %dma_start3A_266] : memref<40x128xi32, #tpu.memory_space<vmem>> -> memref<1x128xi32, #tpu.memory_space<vmem>>
        %dma_start3A_268 = tpu.memref_squeeze %dma_start3A_267 : memref<1x128xi32, #tpu.memory_space<vmem>> -> memref<128xi32, #tpu.memory_space<vmem>>
        %dma_start3A_269 = arith.constant 0 : i32
        %dma_start3A_270 = arith.constant 0 : i32
        %dma_start3A_271 = tpu.memref_slice %arg2[%arg0, %dma_start3A_269, %dma_start3A_270] : memref<2x10240x128xf32, #tpu.memory_space<hbm>> -> memref<1x10240x128xf32, #tpu.memory_space<hbm>>
        %dma_start3A_272 = tpu.memref_squeeze %dma_start3A_271 : memref<1x10240x128xf32, #tpu.memory_space<hbm>> -> memref<10240x128xf32, #tpu.memory_space<hbm>>
        %dma_start3A_273 = arith.constant 0 : i32
        %dma_start3A_274 = arith.constant 0 : i32
        %dma_start3A_275 = tpu.memref_slice %dma_start3A_272[%dma_start3A_273, %dma_start3A_274] : memref<10240x128xf32, #tpu.memory_space<hbm>> -> memref<10240x128xf32, #tpu.memory_space<hbm>>
        tpu.enqueue_indirect_dma source(%dma_start3A_275 : memref<10240x128xf32, #tpu.memory_space<hbm>>) target(%arg8 : memref<128x128xf32, #tpu.memory_space<vmem>>) offsets(%dma_start3A_268 : memref<128xi32, #tpu.memory_space<vmem>>) semaphore(%arg11 : memref<!tpu.dma_semaphore, #tpu.memory_space<semaphore_mem>>)
        %dma_start3A_276 = arith.constant 0 : i32
        %dma_start3A_277 = tpu.memref_slice %arg7[%add3A_245, %dma_start3A_276] : memref<40x128xi32, #tpu.memory_space<vmem>> -> memref<1x128xi32, #tpu.memory_space<vmem>>
        %dma_start3A_278 = tpu.memref_squeeze %dma_start3A_277 : memref<1x128xi32, #tpu.memory_space<vmem>> -> memref<128xi32, #tpu.memory_space<vmem>>
        %dma_start3A_279 = arith.constant 0 : i32
        %dma_start3A_280 = arith.constant 0 : i32
        %dma_start3A_281 = tpu.memref_slice %arg10[%dma_start3A_279, %dma_start3A_280] : memref<10240x128xf32, #tpu.memory_space<vmem_shared>> -> memref<10240x128xf32, #tpu.memory_space<vmem_shared>>
        tpu.enqueue_indirect_dma source(%arg9 : memref<128x128xf32, #tpu.memory_space<vmem>>) target(%dma_start3A_281 : memref<10240x128xf32, #tpu.memory_space<vmem_shared>>) offsets(%dma_start3A_278 : memref<128xi32, #tpu.memory_space<vmem>>) semaphore(%arg14 : memref<!tpu.dma_semaphore, #tpu.memory_space<semaphore_mem>>) {add = true}
        %add3A_282 = arith.constant 6 : i32
        %add3A_283 = arith.addi %mul3A_61, %add3A_282 : i32
        %dma_wait3A_284 = arith.constant 0 : i32
        %dma_wait3A_285 = tpu.memref_slice %arg6[%add3A_283, %dma_wait3A_284] : memref<40x128xi32, #tpu.memory_space<vmem>> -> memref<1x128xi32, #tpu.memory_space<vmem>>
        %dma_wait3A_286 = tpu.memref_squeeze %dma_wait3A_285 : memref<1x128xi32, #tpu.memory_space<vmem>> -> memref<128xi32, #tpu.memory_space<vmem>>
        %dma_wait3A_287 = arith.constant 0 : i32
        %dma_wait3A_288 = arith.constant 0 : i32
        %dma_wait3A_289 = tpu.memref_slice %arg2[%arg0, %dma_wait3A_287, %dma_wait3A_288] : memref<2x10240x128xf32, #tpu.memory_space<hbm>> -> memref<1x10240x128xf32, #tpu.memory_space<hbm>>
        %dma_wait3A_290 = tpu.memref_squeeze %dma_wait3A_289 : memref<1x10240x128xf32, #tpu.memory_space<hbm>> -> memref<10240x128xf32, #tpu.memory_space<hbm>>
        %dma_wait3A_291 = arith.constant 0 : i32
        %dma_wait3A_292 = arith.constant 0 : i32
        %dma_wait3A_293 = tpu.memref_slice %dma_wait3A_290[%dma_wait3A_291, %dma_wait3A_292] : memref<10240x128xf32, #tpu.memory_space<hbm>> -> memref<10240x128xf32, #tpu.memory_space<hbm>>
        tpu.wait_indirect_dma semaphore(%arg11 : memref<!tpu.dma_semaphore, #tpu.memory_space<semaphore_mem>>) src(%dma_wait3A_293 : memref<10240x128xf32, #tpu.memory_space<hbm>>) dst(%arg8 : memref<128x128xf32, #tpu.memory_space<vmem>>)
        %sub3A_294 = arith.constant 1 : i32
        %sub3A_295 = arith.subi %add3A_283, %sub3A_294 : i32
        %dma_wait3A_296 = arith.constant 0 : i32
        %dma_wait3A_297 = tpu.memref_slice %arg7[%sub3A_295, %dma_wait3A_296] : memref<40x128xi32, #tpu.memory_space<vmem>> -> memref<1x128xi32, #tpu.memory_space<vmem>>
        %dma_wait3A_298 = tpu.memref_squeeze %dma_wait3A_297 : memref<1x128xi32, #tpu.memory_space<vmem>> -> memref<128xi32, #tpu.memory_space<vmem>>
        %dma_wait3A_299 = arith.constant 0 : i32
        %dma_wait3A_300 = arith.constant 0 : i32
        %dma_wait3A_301 = tpu.memref_slice %arg10[%dma_wait3A_299, %dma_wait3A_300] : memref<10240x128xf32, #tpu.memory_space<vmem_shared>> -> memref<10240x128xf32, #tpu.memory_space<vmem_shared>>
        tpu.wait_indirect_dma semaphore(%arg14 : memref<!tpu.dma_semaphore, #tpu.memory_space<semaphore_mem>>) src(%arg9 : memref<128x128xf32, #tpu.memory_space<vmem>>) dst(%dma_wait3A_301 : memref<10240x128xf32, #tpu.memory_space<vmem_shared>>)
        %add3A_302 = arith.constant 1 : i32
        %add3A_303 = arith.addi %add3A_283, %add3A_302 : i32
        %dma_start3A_304 = arith.constant 0 : i32
        %dma_start3A_305 = tpu.memref_slice %arg6[%add3A_303, %dma_start3A_304] : memref<40x128xi32, #tpu.memory_space<vmem>> -> memref<1x128xi32, #tpu.memory_space<vmem>>
        %dma_start3A_306 = tpu.memref_squeeze %dma_start3A_305 : memref<1x128xi32, #tpu.memory_space<vmem>> -> memref<128xi32, #tpu.memory_space<vmem>>
        %dma_start3A_307 = arith.constant 0 : i32
        %dma_start3A_308 = arith.constant 0 : i32
        %dma_start3A_309 = tpu.memref_slice %arg2[%arg0, %dma_start3A_307, %dma_start3A_308] : memref<2x10240x128xf32, #tpu.memory_space<hbm>> -> memref<1x10240x128xf32, #tpu.memory_space<hbm>>
        %dma_start3A_310 = tpu.memref_squeeze %dma_start3A_309 : memref<1x10240x128xf32, #tpu.memory_space<hbm>> -> memref<10240x128xf32, #tpu.memory_space<hbm>>
        %dma_start3A_311 = arith.constant 0 : i32
        %dma_start3A_312 = arith.constant 0 : i32
        %dma_start3A_313 = tpu.memref_slice %dma_start3A_310[%dma_start3A_311, %dma_start3A_312] : memref<10240x128xf32, #tpu.memory_space<hbm>> -> memref<10240x128xf32, #tpu.memory_space<hbm>>
        tpu.enqueue_indirect_dma source(%dma_start3A_313 : memref<10240x128xf32, #tpu.memory_space<hbm>>) target(%arg9 : memref<128x128xf32, #tpu.memory_space<vmem>>) offsets(%dma_start3A_306 : memref<128xi32, #tpu.memory_space<vmem>>) semaphore(%arg12 : memref<!tpu.dma_semaphore, #tpu.memory_space<semaphore_mem>>)
        %dma_start3A_314 = arith.constant 0 : i32
        %dma_start3A_315 = tpu.memref_slice %arg7[%add3A_283, %dma_start3A_314] : memref<40x128xi32, #tpu.memory_space<vmem>> -> memref<1x128xi32, #tpu.memory_space<vmem>>
        %dma_start3A_316 = tpu.memref_squeeze %dma_start3A_315 : memref<1x128xi32, #tpu.memory_space<vmem>> -> memref<128xi32, #tpu.memory_space<vmem>>
        %dma_start3A_317 = arith.constant 0 : i32
        %dma_start3A_318 = arith.constant 0 : i32
        %dma_start3A_319 = tpu.memref_slice %arg10[%dma_start3A_317, %dma_start3A_318] : memref<10240x128xf32, #tpu.memory_space<vmem_shared>> -> memref<10240x128xf32, #tpu.memory_space<vmem_shared>>
        tpu.enqueue_indirect_dma source(%arg8 : memref<128x128xf32, #tpu.memory_space<vmem>>) target(%dma_start3A_319 : memref<10240x128xf32, #tpu.memory_space<vmem_shared>>) offsets(%dma_start3A_316 : memref<128xi32, #tpu.memory_space<vmem>>) semaphore(%arg13 : memref<!tpu.dma_semaphore, #tpu.memory_space<semaphore_mem>>) {add = true}
        %add3A_320 = arith.constant 7 : i32
        %add3A_321 = arith.addi %mul3A_61, %add3A_320 : i32
        %dma_wait3A_322 = arith.constant 0 : i32
        %dma_wait3A_323 = tpu.memref_slice %arg6[%add3A_321, %dma_wait3A_322] : memref<40x128xi32, #tpu.memory_space<vmem>> -> memref<1x128xi32, #tpu.memory_space<vmem>>
        %dma_wait3A_324 = tpu.memref_squeeze %dma_wait3A_323 : memref<1x128xi32, #tpu.memory_space<vmem>> -> memref<128xi32, #tpu.memory_space<vmem>>
        %dma_wait3A_325 = arith.constant 0 : i32
        %dma_wait3A_326 = arith.constant 0 : i32
        %dma_wait3A_327 = tpu.memref_slice %arg2[%arg0, %dma_wait3A_325, %dma_wait3A_326] : memref<2x10240x128xf32, #tpu.memory_space<hbm>> -> memref<1x10240x128xf32, #tpu.memory_space<hbm>>
        %dma_wait3A_328 = tpu.memref_squeeze %dma_wait3A_327 : memref<1x10240x128xf32, #tpu.memory_space<hbm>> -> memref<10240x128xf32, #tpu.memory_space<hbm>>
        %dma_wait3A_329 = arith.constant 0 : i32
        %dma_wait3A_330 = arith.constant 0 : i32
        %dma_wait3A_331 = tpu.memref_slice %dma_wait3A_328[%dma_wait3A_329, %dma_wait3A_330] : memref<10240x128xf32, #tpu.memory_space<hbm>> -> memref<10240x128xf32, #tpu.memory_space<hbm>>
        tpu.wait_indirect_dma semaphore(%arg12 : memref<!tpu.dma_semaphore, #tpu.memory_space<semaphore_mem>>) src(%dma_wait3A_331 : memref<10240x128xf32, #tpu.memory_space<hbm>>) dst(%arg9 : memref<128x128xf32, #tpu.memory_space<vmem>>)
        %sub3A_332 = arith.constant 1 : i32
        %sub3A_333 = arith.subi %add3A_321, %sub3A_332 : i32
        %dma_wait3A_334 = arith.constant 0 : i32
        %dma_wait3A_335 = tpu.memref_slice %arg7[%sub3A_333, %dma_wait3A_334] : memref<40x128xi32, #tpu.memory_space<vmem>> -> memref<1x128xi32, #tpu.memory_space<vmem>>
        %dma_wait3A_336 = tpu.memref_squeeze %dma_wait3A_335 : memref<1x128xi32, #tpu.memory_space<vmem>> -> memref<128xi32, #tpu.memory_space<vmem>>
        %dma_wait3A_337 = arith.constant 0 : i32
        %dma_wait3A_338 = arith.constant 0 : i32
        %dma_wait3A_339 = tpu.memref_slice %arg10[%dma_wait3A_337, %dma_wait3A_338] : memref<10240x128xf32, #tpu.memory_space<vmem_shared>> -> memref<10240x128xf32, #tpu.memory_space<vmem_shared>>
        tpu.wait_indirect_dma semaphore(%arg13 : memref<!tpu.dma_semaphore, #tpu.memory_space<semaphore_mem>>) src(%arg8 : memref<128x128xf32, #tpu.memory_space<vmem>>) dst(%dma_wait3A_339 : memref<10240x128xf32, #tpu.memory_space<vmem_shared>>)
        %add3A_340 = arith.constant 1 : i32
        %add3A_341 = arith.addi %scan3A_58, %add3A_340 : i32
        %lt3A = arith.constant 5 : i32
        %lt3A_342 = arith.cmpi slt, %add3A_341, %lt3A : i32
        %convert_element_type3A_343 = arith.extui %lt3A_342 : i1 to i32
        %cond3A_344 = arith.constant 0 : i32
        %cond3A_345 = arith.cmpi ne, %convert_element_type3A_343, %cond3A_344 : i32
        scf.if %cond3A_345 {
          %add3A_353 = arith.constant 1 : i32
          %add3A_354 = arith.addi %add3A_321, %add3A_353 : i32
          %dma_start3A_355 = arith.constant 0 : i32
          %dma_start3A_356 = tpu.memref_slice %arg6[%add3A_354, %dma_start3A_355] : memref<40x128xi32, #tpu.memory_space<vmem>> -> memref<1x128xi32, #tpu.memory_space<vmem>>
          %dma_start3A_357 = tpu.memref_squeeze %dma_start3A_356 : memref<1x128xi32, #tpu.memory_space<vmem>> -> memref<128xi32, #tpu.memory_space<vmem>>
          %dma_start3A_358 = arith.constant 0 : i32
          %dma_start3A_359 = arith.constant 0 : i32
          %dma_start3A_360 = tpu.memref_slice %arg2[%arg0, %dma_start3A_358, %dma_start3A_359] : memref<2x10240x128xf32, #tpu.memory_space<hbm>> -> memref<1x10240x128xf32, #tpu.memory_space<hbm>>
          %dma_start3A_361 = tpu.memref_squeeze %dma_start3A_360 : memref<1x10240x128xf32, #tpu.memory_space<hbm>> -> memref<10240x128xf32, #tpu.memory_space<hbm>>
          %dma_start3A_362 = arith.constant 0 : i32
          %dma_start3A_363 = arith.constant 0 : i32
          %dma_start3A_364 = tpu.memref_slice %dma_start3A_361[%dma_start3A_362, %dma_start3A_363] : memref<10240x128xf32, #tpu.memory_space<hbm>> -> memref<10240x128xf32, #tpu.memory_space<hbm>>
          tpu.enqueue_indirect_dma source(%dma_start3A_364 : memref<10240x128xf32, #tpu.memory_space<hbm>>) target(%arg8 : memref<128x128xf32, #tpu.memory_space<vmem>>) offsets(%dma_start3A_357 : memref<128xi32, #tpu.memory_space<vmem>>) semaphore(%arg11 : memref<!tpu.dma_semaphore, #tpu.memory_space<semaphore_mem>>)
        } else {
        }
        %dma_start3A_346 = arith.constant 0 : i32
        %dma_start3A_347 = tpu.memref_slice %arg7[%add3A_321, %dma_start3A_346] : memref<40x128xi32, #tpu.memory_space<vmem>> -> memref<1x128xi32, #tpu.memory_space<vmem>>
        %dma_start3A_348 = tpu.memref_squeeze %dma_start3A_347 : memref<1x128xi32, #tpu.memory_space<vmem>> -> memref<128xi32, #tpu.memory_space<vmem>>
        %dma_start3A_349 = arith.constant 0 : i32
        %dma_start3A_350 = arith.constant 0 : i32
        %dma_start3A_351 = tpu.memref_slice %arg10[%dma_start3A_349, %dma_start3A_350] : memref<10240x128xf32, #tpu.memory_space<vmem_shared>> -> memref<10240x128xf32, #tpu.memory_space<vmem_shared>>
        tpu.enqueue_indirect_dma source(%arg9 : memref<128x128xf32, #tpu.memory_space<vmem>>) target(%dma_start3A_351 : memref<10240x128xf32, #tpu.memory_space<vmem_shared>>) offsets(%dma_start3A_348 : memref<128xi32, #tpu.memory_space<vmem>>) semaphore(%arg14 : memref<!tpu.dma_semaphore, #tpu.memory_space<semaphore_mem>>) {add = true}
        %scan3A_352 = arith.constant 0 : i32
        scf.yield %scan3A_352 : i32
      }
      %scan3A_50 = arith.constant 5 : i32
      %dma_wait3A = arith.constant 39 : i32
      %dma_wait3A_51 = arith.constant 0 : i32
      %dma_wait3A_52 = tpu.memref_slice %arg7[%dma_wait3A, %dma_wait3A_51] : memref<40x128xi32, #tpu.memory_space<vmem>> -> memref<1x128xi32, #tpu.memory_space<vmem>>
      %dma_wait3A_53 = tpu.memref_squeeze %dma_wait3A_52 : memref<1x128xi32, #tpu.memory_space<vmem>> -> memref<128xi32, #tpu.memory_space<vmem>>
      %dma_wait3A_54 = arith.constant 0 : i32
      %dma_wait3A_55 = arith.constant 0 : i32
      %dma_wait3A_56 = tpu.memref_slice %arg10[%dma_wait3A_54, %dma_wait3A_55] : memref<10240x128xf32, #tpu.memory_space<vmem_shared>> -> memref<10240x128xf32, #tpu.memory_space<vmem_shared>>
      tpu.wait_indirect_dma semaphore(%arg14 : memref<!tpu.dma_semaphore, #tpu.memory_space<semaphore_mem>>) src(%arg9 : memref<128x128xf32, #tpu.memory_space<vmem>>) dst(%dma_wait3A_56 : memref<10240x128xf32, #tpu.memory_space<vmem_shared>>)
      %scan3A_57 = arith.constant 0 : i32
      scf.yield %scan3A_57 : i32
    }
    %scan3A_20 = arith.constant 2 : i32
    %barrier3A_21 = arith.constant 0 : index
    tpu.barrier barrier_id(%barrier3A_21)
    %scan3A_22 = arith.constant 0 : i32
    %scan3A_23 = arith.constant 0 : i32
    %scan3A_24 = arith.constant 5 : i32
    %scan3A_25 = arith.addi %scan3A_23, %scan3A_24 : i32
    %scan3A_26 = arith.constant 1 : i32
    %scan3A_27 = scf.for %scan3A_29 = %scan3A_23 to %scan3A_25 step %scan3A_26 iter_args(%scan3A_30 = %scan3A_22) -> (i32)  : i32 {
      %mul3A = arith.constant 640 : i32
      %mul3A_31 = arith.muli %arg1, %mul3A : i32
      %mul3A_32 = arith.constant 128 : i32
      %mul3A_33 = arith.muli %scan3A_29, %mul3A_32 : i32
      %add3A = arith.addi %mul3A_31, %mul3A_33 : i32
      "tpu.region"() ({
        %run_scoped3A = tpu.sem_alloc : memref<!tpu.dma_semaphore, #tpu.memory_space<semaphore_mem>>
        %dma_start3A = arith.constant 0 : i32
        %dma_start3A_35 = arith.constant 0 : i32
        %dma_start3A_36 = tpu.memref_slice %arg5[%arg0, %dma_start3A, %dma_start3A_35] : memref<2x10240x128xf32, #tpu.memory_space<hbm>> -> memref<1x10240x128xf32, #tpu.memory_space<hbm>>
        %dma_start3A_37 = tpu.memref_squeeze %dma_start3A_36 : memref<1x10240x128xf32, #tpu.memory_space<hbm>> -> memref<10240x128xf32, #tpu.memory_space<hbm>>
        %dma_start3A_38 = arith.constant 0 : i32
        %dma_start3A_39 = tpu.memref_slice %dma_start3A_37[%add3A, %dma_start3A_38] : memref<10240x128xf32, #tpu.memory_space<hbm>> -> memref<128x128xf32, #tpu.memory_space<hbm>>
        %dma_start3A_40 = arith.constant 0 : i32
        %dma_start3A_41 = tpu.memref_slice %arg10[%add3A, %dma_start3A_40] : memref<10240x128xf32, #tpu.memory_space<vmem_shared>> -> memref<128x128xf32, #tpu.memory_space<vmem_shared>>
        tpu.enqueue_dma source(%dma_start3A_41 : memref<128x128xf32, #tpu.memory_space<vmem_shared>>) target(%dma_start3A_39 : memref<128x128xf32, #tpu.memory_space<hbm>>) target_semaphore(%run_scoped3A : memref<!tpu.dma_semaphore, #tpu.memory_space<semaphore_mem>>)
        %dma_wait3A = arith.constant 0 : i32
        %dma_wait3A_42 = arith.constant 0 : i32
        %dma_wait3A_43 = tpu.memref_slice %arg5[%arg0, %dma_wait3A, %dma_wait3A_42] : memref<2x10240x128xf32, #tpu.memory_space<hbm>> -> memref<1x10240x128xf32, #tpu.memory_space<hbm>>
        %dma_wait3A_44 = tpu.memref_squeeze %dma_wait3A_43 : memref<1x10240x128xf32, #tpu.memory_space<hbm>> -> memref<10240x128xf32, #tpu.memory_space<hbm>>
        %dma_wait3A_45 = arith.constant 0 : i32
        %dma_wait3A_46 = tpu.memref_slice %dma_wait3A_44[%add3A, %dma_wait3A_45] : memref<10240x128xf32, #tpu.memory_space<hbm>> -> memref<128x128xf32, #tpu.memory_space<hbm>>
        %dma_wait3A_47 = arith.constant 0 : i32
        %dma_wait3A_48 = tpu.memref_slice %arg10[%add3A, %dma_wait3A_47] : memref<10240x128xf32, #tpu.memory_space<vmem_shared>> -> memref<128x128xf32, #tpu.memory_space<vmem_shared>>
        tpu.wait_dma2 semaphore(%run_scoped3A : memref<!tpu.dma_semaphore, #tpu.memory_space<semaphore_mem>>) src(%dma_wait3A_48 : memref<128x128xf32, #tpu.memory_space<vmem_shared>>) dst(%dma_wait3A_46 : memref<128x128xf32, #tpu.memory_space<hbm>>)
        tpu.yield
      }) : () -> ()
      %scan3A_34 = arith.constant 0 : i32
      scf.yield %scan3A_34 : i32
    }
    %scan3A_28 = arith.constant 5 : i32
    return
  }
}

#map = affine_map<(d0, d1) -> (0, 0, 0)>
module attributes {stable_mosaic.version = 14 : i64} {
  func.func @_agg2_body(%arg0: i32, %arg1: i32, %arg2: memref<2x10240x128xf32, #tpu.memory_space<hbm>>, %arg3: memref<16x80x128xi32, #tpu.memory_space<hbm>>, %arg4: memref<16x80x128xi32, #tpu.memory_space<hbm>>, %arg5: memref<2x10240x128xf32, #tpu.memory_space<hbm>>, %arg6: memref<40x128xi32, #tpu.memory_space<vmem>>, %arg7: memref<40x128xi32, #tpu.memory_space<vmem>>, %arg8: memref<128x128xf32, #tpu.memory_space<vmem>>, %arg9: memref<128x128xf32, #tpu.memory_space<vmem>>, %arg10: memref<10240x128xf32, #tpu.memory_space<vmem_shared>>, %arg11: memref<!tpu.dma_semaphore, #tpu.memory_space<semaphore_mem>>, %arg12: memref<!tpu.dma_semaphore, #tpu.memory_space<semaphore_mem>>, %arg13: memref<!tpu.dma_semaphore, #tpu.memory_space<semaphore_mem>>, %arg14: memref<!tpu.dma_semaphore, #tpu.memory_space<semaphore_mem>>) attributes {dimension_semantics = [#tpu.dimension_semantics<core_parallel>, #tpu.dimension_semantics<subcore_parallel>], iteration_bounds = array<i64: 2, 16>, scalar_prefetch = 0 : i64, scratch_operands = 9 : i64, tpu.core_type = #tpu.core_type<sc_vector_subcore>, window_params = [{transform_indices = #map}, {transform_indices = #map}, {transform_indices = #map}, {transform_indices = #map}]} {
    %broadcast_in_dim3A = arith.constant 0.000000e+00 : f32
    %broadcast_in_dim3A_0 = vector.broadcast %broadcast_in_dim3A : f32 to vector<16xf32>
    %scan3A = arith.constant 0 : i32
    %scan3A_1 = arith.constant 0 : i32
    %scan3A_2 = arith.constant 128 : i32
    %scan3A_3 = arith.addi %scan3A_1, %scan3A_2 : i32
    %scan3A_4 = arith.constant 1 : i32
    %scan3A_5 = scf.for %scan3A_29 = %scan3A_1 to %scan3A_3 step %scan3A_4 iter_args(%scan3A_30 = %scan3A) -> (i32)  : i32 {
      %scan3A_31 = arith.constant 0 : i32
      %scan3A_32 = arith.constant 0 : i32
      %scan3A_33 = arith.constant 8 : i32
      %scan3A_34 = arith.addi %scan3A_32, %scan3A_33 : i32
      %scan3A_35 = arith.constant 1 : i32
      %scan3A_36 = scf.for %scan3A_39 = %scan3A_32 to %scan3A_34 step %scan3A_35 iter_args(%scan3A_40 = %scan3A_31) -> (i32)  : i32 {
        %mul3A = arith.constant 16 : i32
        %mul3A_41 = arith.muli %scan3A_39, %mul3A : i32
        %swap3A = arith.index_cast %scan3A_29 : i32 to index
        %swap3A_42 = arith.index_cast %mul3A_41 : i32 to index
        %swap3A_43 = tpu.vector_load %arg8[%swap3A, %swap3A_42] {strides = array<i32>} : memref<128x128xf32, #tpu.memory_space<vmem>>, vector<16xf32>,
        tpu.vector_store %arg8[%swap3A, %swap3A_42], %broadcast_in_dim3A_0 {strides = array<i32>} : memref<128x128xf32, #tpu.memory_space<vmem>>, vector<16xf32>,
        %scan3A_44 = arith.constant 0 : i32
        scf.yield %scan3A_44 : i32
      }
      %scan3A_37 = arith.constant 8 : i32
      %scan3A_38 = arith.constant 0 : i32
      scf.yield %scan3A_38 : i32
    }
    %scan3A_6 = arith.constant 128 : i32
    %scan3A_7 = arith.constant 0 : i32
    %scan3A_8 = arith.constant 0 : i32
    %scan3A_9 = arith.constant 5 : i32
    %scan3A_10 = arith.addi %scan3A_8, %scan3A_9 : i32
    %scan3A_11 = arith.constant 1 : i32
    %scan3A_12 = scf.for %scan3A_29 = %scan3A_8 to %scan3A_10 step %scan3A_11 iter_args(%scan3A_30 = %scan3A_7) -> (i32)  : i32 {
      %mul3A = arith.constant 640 : i32
      %mul3A_31 = arith.muli %arg1, %mul3A : i32
      %mul3A_32 = arith.constant 128 : i32
      %mul3A_33 = arith.muli %scan3A_29, %mul3A_32 : i32
      %add3A = arith.addi %mul3A_31, %mul3A_33 : i32
      "tpu.region"() ({
        %run_scoped3A = tpu.sem_alloc : memref<!tpu.dma_semaphore, #tpu.memory_space<semaphore_mem>>
        %dma_start3A = arith.constant 0 : i32
        %dma_start3A_35 = tpu.memref_slice %arg10[%add3A, %dma_start3A] : memref<10240x128xf32, #tpu.memory_space<vmem_shared>> -> memref<128x128xf32, #tpu.memory_space<vmem_shared>>
        %dma_start3A_36 = arith.constant 0 : i32
        %dma_start3A_37 = tpu.memref_slice %arg10[%add3A, %dma_start3A_36] : memref<10240x128xf32, #tpu.memory_space<vmem_shared>> -> memref<128x128xf32, #tpu.memory_space<vmem_shared>>
        tpu.enqueue_dma source(%arg8 : memref<128x128xf32, #tpu.memory_space<vmem>>) target(%dma_start3A_37 : memref<128x128xf32, #tpu.memory_space<vmem_shared>>) target_semaphore(%run_scoped3A : memref<!tpu.dma_semaphore, #tpu.memory_space<semaphore_mem>>)
        %dma_wait3A = arith.constant 0 : i32
        %dma_wait3A_38 = tpu.memref_slice %arg10[%add3A, %dma_wait3A] : memref<10240x128xf32, #tpu.memory_space<vmem_shared>> -> memref<128x128xf32, #tpu.memory_space<vmem_shared>>
        %dma_wait3A_39 = arith.constant 0 : i32
        %dma_wait3A_40 = tpu.memref_slice %arg10[%add3A, %dma_wait3A_39] : memref<10240x128xf32, #tpu.memory_space<vmem_shared>> -> memref<128x128xf32, #tpu.memory_space<vmem_shared>>
        tpu.wait_dma2 semaphore(%run_scoped3A : memref<!tpu.dma_semaphore, #tpu.memory_space<semaphore_mem>>) src(%arg8 : memref<128x128xf32, #tpu.memory_space<vmem>>) dst(%dma_wait3A_40 : memref<128x128xf32, #tpu.memory_space<vmem_shared>>)
        tpu.yield
      }) : () -> ()
      %scan3A_34 = arith.constant 0 : i32
      scf.yield %scan3A_34 : i32
    }
    %scan3A_13 = arith.constant 5 : i32
    %barrier3A = arith.constant 0 : index
    tpu.barrier barrier_id(%barrier3A)
    %scan3A_14 = arith.constant 0 : i32
    %scan3A_15 = arith.constant 0 : i32
    %scan3A_16 = arith.constant 2 : i32
    %scan3A_17 = arith.addi %scan3A_15, %scan3A_16 : i32
    %scan3A_18 = arith.constant 1 : i32
    %scan3A_19 = scf.for %scan3A_29 = %scan3A_15 to %scan3A_17 step %scan3A_18 iter_args(%scan3A_30 = %scan3A_14) -> (i32)  : i32 {
      %mul3A = arith.constant 40 : i32
      %mul3A_31 = arith.muli %scan3A_29, %mul3A : i32
      "tpu.region"() ({
        %run_scoped3A = tpu.sem_alloc : memref<!tpu.dma_semaphore, #tpu.memory_space<semaphore_mem>>
        %dma_start3A_58 = arith.constant 0 : i32
        %dma_start3A_59 = tpu.memref_slice %arg3[%arg1, %mul3A_31, %dma_start3A_58] : memref<16x80x128xi32, #tpu.memory_space<hbm>> -> memref<1x40x128xi32, #tpu.memory_space<hbm>>
        %dma_start3A_60 = tpu.memref_squeeze %dma_start3A_59 : memref<1x40x128xi32, #tpu.memory_space<hbm>> -> memref<40x128xi32, #tpu.memory_space<hbm>>
        %dma_start3A_61 = arith.constant 0 : i32
        %dma_start3A_62 = tpu.memref_slice %arg3[%arg1, %mul3A_31, %dma_start3A_61] : memref<16x80x128xi32, #tpu.memory_space<hbm>> -> memref<1x40x128xi32, #tpu.memory_space<hbm>>
        %dma_start3A_63 = tpu.memref_squeeze %dma_start3A_62 : memref<1x40x128xi32, #tpu.memory_space<hbm>> -> memref<40x128xi32, #tpu.memory_space<hbm>>
        tpu.enqueue_dma source(%dma_start3A_63 : memref<40x128xi32, #tpu.memory_space<hbm>>) target(%arg6 : memref<40x128xi32, #tpu.memory_space<vmem>>) target_semaphore(%run_scoped3A : memref<!tpu.dma_semaphore, #tpu.memory_space<semaphore_mem>>)
        %dma_wait3A_64 = arith.constant 0 : i32
        %dma_wait3A_65 = tpu.memref_slice %arg3[%arg1, %mul3A_31, %dma_wait3A_64] : memref<16x80x128xi32, #tpu.memory_space<hbm>> -> memref<1x40x128xi32, #tpu.memory_space<hbm>>
        %dma_wait3A_66 = tpu.memref_squeeze %dma_wait3A_65 : memref<1x40x128xi32, #tpu.memory_space<hbm>> -> memref<40x128xi32, #tpu.memory_space<hbm>>
        %dma_wait3A_67 = arith.constant 0 : i32
        %dma_wait3A_68 = tpu.memref_slice %arg3[%arg1, %mul3A_31, %dma_wait3A_67] : memref<16x80x128xi32, #tpu.memory_space<hbm>> -> memref<1x40x128xi32, #tpu.memory_space<hbm>>
        %dma_wait3A_69 = tpu.memref_squeeze %dma_wait3A_68 : memref<1x40x128xi32, #tpu.memory_space<hbm>> -> memref<40x128xi32, #tpu.memory_space<hbm>>
        tpu.wait_dma2 semaphore(%run_scoped3A : memref<!tpu.dma_semaphore, #tpu.memory_space<semaphore_mem>>) src(%dma_wait3A_69 : memref<40x128xi32, #tpu.memory_space<hbm>>) dst(%arg6 : memref<40x128xi32, #tpu.memory_space<vmem>>)
        tpu.yield
      }) : () -> ()
      %mul3A_32 = arith.constant 40 : i32
      %mul3A_33 = arith.muli %scan3A_29, %mul3A_32 : i32
      "tpu.region"() ({
        %run_scoped3A = tpu.sem_alloc : memref<!tpu.dma_semaphore, #tpu.memory_space<semaphore_mem>>
        %dma_start3A_58 = arith.constant 0 : i32
        %dma_start3A_59 = tpu.memref_slice %arg4[%arg1, %mul3A_33, %dma_start3A_58] : memref<16x80x128xi32, #tpu.memory_space<hbm>> -> memref<1x40x128xi32, #tpu.memory_space<hbm>>
        %dma_start3A_60 = tpu.memref_squeeze %dma_start3A_59 : memref<1x40x128xi32, #tpu.memory_space<hbm>> -> memref<40x128xi32, #tpu.memory_space<hbm>>
        %dma_start3A_61 = arith.constant 0 : i32
        %dma_start3A_62 = tpu.memref_slice %arg4[%arg1, %mul3A_33, %dma_start3A_61] : memref<16x80x128xi32, #tpu.memory_space<hbm>> -> memref<1x40x128xi32, #tpu.memory_space<hbm>>
        %dma_start3A_63 = tpu.memref_squeeze %dma_start3A_62 : memref<1x40x128xi32, #tpu.memory_space<hbm>> -> memref<40x128xi32, #tpu.memory_space<hbm>>
        tpu.enqueue_dma source(%dma_start3A_63 : memref<40x128xi32, #tpu.memory_space<hbm>>) target(%arg7 : memref<40x128xi32, #tpu.memory_space<vmem>>) target_semaphore(%run_scoped3A : memref<!tpu.dma_semaphore, #tpu.memory_space<semaphore_mem>>)
        %dma_wait3A_64 = arith.constant 0 : i32
        %dma_wait3A_65 = tpu.memref_slice %arg4[%arg1, %mul3A_33, %dma_wait3A_64] : memref<16x80x128xi32, #tpu.memory_space<hbm>> -> memref<1x40x128xi32, #tpu.memory_space<hbm>>
        %dma_wait3A_66 = tpu.memref_squeeze %dma_wait3A_65 : memref<1x40x128xi32, #tpu.memory_space<hbm>> -> memref<40x128xi32, #tpu.memory_space<hbm>>
        %dma_wait3A_67 = arith.constant 0 : i32
        %dma_wait3A_68 = tpu.memref_slice %arg4[%arg1, %mul3A_33, %dma_wait3A_67] : memref<16x80x128xi32, #tpu.memory_space<hbm>> -> memref<1x40x128xi32, #tpu.memory_space<hbm>>
        %dma_wait3A_69 = tpu.memref_squeeze %dma_wait3A_68 : memref<1x40x128xi32, #tpu.memory_space<hbm>> -> memref<40x128xi32, #tpu.memory_space<hbm>>
        tpu.wait_dma2 semaphore(%run_scoped3A : memref<!tpu.dma_semaphore, #tpu.memory_space<semaphore_mem>>) src(%dma_wait3A_69 : memref<40x128xi32, #tpu.memory_space<hbm>>) dst(%arg7 : memref<40x128xi32, #tpu.memory_space<vmem>>)
        tpu.yield
      }) : () -> ()
      %dma_start3A = arith.constant 0 : i32
      %dma_start3A_34 = arith.constant 0 : i32
      %dma_start3A_35 = tpu.memref_slice %arg6[%dma_start3A, %dma_start3A_34] : memref<40x128xi32, #tpu.memory_space<vmem>> -> memref<1x128xi32, #tpu.memory_space<vmem>>
      %dma_start3A_36 = tpu.memref_squeeze %dma_start3A_35 : memref<1x128xi32, #tpu.memory_space<vmem>> -> memref<128xi32, #tpu.memory_space<vmem>>
      %dma_start3A_37 = arith.constant 0 : i32
      %dma_start3A_38 = arith.constant 0 : i32
      %dma_start3A_39 = tpu.memref_slice %arg2[%arg0, %dma_start3A_37, %dma_start3A_38] : memref<2x10240x128xf32, #tpu.memory_space<hbm>> -> memref<1x10240x128xf32, #tpu.memory_space<hbm>>
      %dma_start3A_40 = tpu.memref_squeeze %dma_start3A_39 : memref<1x10240x128xf32, #tpu.memory_space<hbm>> -> memref<10240x128xf32, #tpu.memory_space<hbm>>
      %dma_start3A_41 = arith.constant 0 : i32
      %dma_start3A_42 = arith.constant 0 : i32
      %dma_start3A_43 = tpu.memref_slice %dma_start3A_40[%dma_start3A_41, %dma_start3A_42] : memref<10240x128xf32, #tpu.memory_space<hbm>> -> memref<10240x128xf32, #tpu.memory_space<hbm>>
      tpu.enqueue_indirect_dma source(%dma_start3A_43 : memref<10240x128xf32, #tpu.memory_space<hbm>>) target(%arg8 : memref<128x128xf32, #tpu.memory_space<vmem>>) offsets(%dma_start3A_36 : memref<128xi32, #tpu.memory_space<vmem>>) semaphore(%arg11 : memref<!tpu.dma_semaphore, #tpu.memory_space<semaphore_mem>>)
      %scan3A_44 = arith.constant 0 : i32
      %scan3A_45 = arith.constant 0 : i32
      %scan3A_46 = arith.constant 5 : i32
      %scan3A_47 = arith.addi %scan3A_45, %scan3A_46 : i32
      %scan3A_48 = arith.constant 1 : i32
      %scan3A_49 = scf.for %scan3A_58 = %scan3A_45 to %scan3A_47 step %scan3A_48 iter_args(%scan3A_59 = %scan3A_44) -> (i32)  : i32 {
        %mul3A_60 = arith.constant 8 : i32
        %mul3A_61 = arith.muli %scan3A_58, %mul3A_60 : i32
        %add3A = arith.constant 0 : i32
        %add3A_62 = arith.addi %mul3A_61, %add3A : i32
        %dma_wait3A_63 = arith.constant 0 : i32
        %dma_wait3A_64 = tpu.memref_slice %arg6[%add3A_62, %dma_wait3A_63] : memref<40x128xi32, #tpu.memory_space<vmem>> -> memref<1x128xi32, #tpu.memory_space<vmem>>
        %dma_wait3A_65 = tpu.memref_squeeze %dma_wait3A_64 : memref<1x128xi32, #tpu.memory_space<vmem>> -> memref<128xi32, #tpu.memory_space<vmem>>
        %dma_wait3A_66 = arith.constant 0 : i32
        %dma_wait3A_67 = arith.constant 0 : i32
        %dma_wait3A_68 = tpu.memref_slice %arg2[%arg0, %dma_wait3A_66, %dma_wait3A_67] : memref<2x10240x128xf32, #tpu.memory_space<hbm>> -> memref<1x10240x128xf32, #tpu.memory_space<hbm>>
        %dma_wait3A_69 = tpu.memref_squeeze %dma_wait3A_68 : memref<1x10240x128xf32, #tpu.memory_space<hbm>> -> memref<10240x128xf32, #tpu.memory_space<hbm>>
        %dma_wait3A_70 = arith.constant 0 : i32
        %dma_wait3A_71 = arith.constant 0 : i32
        %dma_wait3A_72 = tpu.memref_slice %dma_wait3A_69[%dma_wait3A_70, %dma_wait3A_71] : memref<10240x128xf32, #tpu.memory_space<hbm>> -> memref<10240x128xf32, #tpu.memory_space<hbm>>
        tpu.wait_indirect_dma semaphore(%arg11 : memref<!tpu.dma_semaphore, #tpu.memory_space<semaphore_mem>>) src(%dma_wait3A_72 : memref<10240x128xf32, #tpu.memory_space<hbm>>) dst(%arg8 : memref<128x128xf32, #tpu.memory_space<vmem>>)
        %gt3A = arith.constant 0 : i32
        %gt3A_73 = arith.cmpi sgt, %scan3A_58, %gt3A : i32
        %convert_element_type3A = arith.extui %gt3A_73 : i1 to i32
        %cond3A = arith.constant 0 : i32
        %cond3A_74 = arith.cmpi ne, %convert_element_type3A, %cond3A : i32
        scf.if %cond3A_74 {
          %sub3A_353 = arith.constant 1 : i32
          %sub3A_354 = arith.subi %add3A_62, %sub3A_353 : i32
          %dma_wait3A_355 = arith.constant 0 : i32
          %dma_wait3A_356 = tpu.memref_slice %arg7[%sub3A_354, %dma_wait3A_355] : memref<40x128xi32, #tpu.memory_space<vmem>> -> memref<1x128xi32, #tpu.memory_space<vmem>>
          %dma_wait3A_357 = tpu.memref_squeeze %dma_wait3A_356 : memref<1x128xi32, #tpu.memory_space<vmem>> -> memref<128xi32, #tpu.memory_space<vmem>>
          %dma_wait3A_358 = arith.constant 0 : i32
          %dma_wait3A_359 = arith.constant 0 : i32
          %dma_wait3A_360 = tpu.memref_slice %arg10[%dma_wait3A_358, %dma_wait3A_359] : memref<10240x128xf32, #tpu.memory_space<vmem_shared>> -> memref<10240x128xf32, #tpu.memory_space<vmem_shared>>
          tpu.wait_indirect_dma semaphore(%arg14 : memref<!tpu.dma_semaphore, #tpu.memory_space<semaphore_mem>>) src(%arg9 : memref<128x128xf32, #tpu.memory_space<vmem>>) dst(%dma_wait3A_360 : memref<10240x128xf32, #tpu.memory_space<vmem_shared>>)
        } else {
        }
        %add3A_75 = arith.constant 1 : i32
        %add3A_76 = arith.addi %add3A_62, %add3A_75 : i32
        %dma_start3A_77 = arith.constant 0 : i32
        %dma_start3A_78 = tpu.memref_slice %arg6[%add3A_76, %dma_start3A_77] : memref<40x128xi32, #tpu.memory_space<vmem>> -> memref<1x128xi32, #tpu.memory_space<vmem>>
        %dma_start3A_79 = tpu.memref_squeeze %dma_start3A_78 : memref<1x128xi32, #tpu.memory_space<vmem>> -> memref<128xi32, #tpu.memory_space<vmem>>
        %dma_start3A_80 = arith.constant 0 : i32
        %dma_start3A_81 = arith.constant 0 : i32
        %dma_start3A_82 = tpu.memref_slice %arg2[%arg0, %dma_start3A_80, %dma_start3A_81] : memref<2x10240x128xf32, #tpu.memory_space<hbm>> -> memref<1x10240x128xf32, #tpu.memory_space<hbm>>
        %dma_start3A_83 = tpu.memref_squeeze %dma_start3A_82 : memref<1x10240x128xf32, #tpu.memory_space<hbm>> -> memref<10240x128xf32, #tpu.memory_space<hbm>>
        %dma_start3A_84 = arith.constant 0 : i32
        %dma_start3A_85 = arith.constant 0 : i32
        %dma_start3A_86 = tpu.memref_slice %dma_start3A_83[%dma_start3A_84, %dma_start3A_85] : memref<10240x128xf32, #tpu.memory_space<hbm>> -> memref<10240x128xf32, #tpu.memory_space<hbm>>
        tpu.enqueue_indirect_dma source(%dma_start3A_86 : memref<10240x128xf32, #tpu.memory_space<hbm>>) target(%arg9 : memref<128x128xf32, #tpu.memory_space<vmem>>) offsets(%dma_start3A_79 : memref<128xi32, #tpu.memory_space<vmem>>) semaphore(%arg12 : memref<!tpu.dma_semaphore, #tpu.memory_space<semaphore_mem>>)
        %dma_start3A_87 = arith.constant 0 : i32
        %dma_start3A_88 = tpu.memref_slice %arg7[%add3A_62, %dma_start3A_87] : memref<40x128xi32, #tpu.memory_space<vmem>> -> memref<1x128xi32, #tpu.memory_space<vmem>>
        %dma_start3A_89 = tpu.memref_squeeze %dma_start3A_88 : memref<1x128xi32, #tpu.memory_space<vmem>> -> memref<128xi32, #tpu.memory_space<vmem>>
        %dma_start3A_90 = arith.constant 0 : i32
        %dma_start3A_91 = arith.constant 0 : i32
        %dma_start3A_92 = tpu.memref_slice %arg10[%dma_start3A_90, %dma_start3A_91] : memref<10240x128xf32, #tpu.memory_space<vmem_shared>> -> memref<10240x128xf32, #tpu.memory_space<vmem_shared>>
        tpu.enqueue_indirect_dma source(%arg8 : memref<128x128xf32, #tpu.memory_space<vmem>>) target(%dma_start3A_92 : memref<10240x128xf32, #tpu.memory_space<vmem_shared>>) offsets(%dma_start3A_89 : memref<128xi32, #tpu.memory_space<vmem>>) semaphore(%arg13 : memref<!tpu.dma_semaphore, #tpu.memory_space<semaphore_mem>>) {add = true}
        %add3A_93 = arith.constant 1 : i32
        %add3A_94 = arith.addi %mul3A_61, %add3A_93 : i32
        %dma_wait3A_95 = arith.constant 0 : i32
        %dma_wait3A_96 = tpu.memref_slice %arg6[%add3A_94, %dma_wait3A_95] : memref<40x128xi32, #tpu.memory_space<vmem>> -> memref<1x128xi32, #tpu.memory_space<vmem>>
        %dma_wait3A_97 = tpu.memref_squeeze %dma_wait3A_96 : memref<1x128xi32, #tpu.memory_space<vmem>> -> memref<128xi32, #tpu.memory_space<vmem>>
        %dma_wait3A_98 = arith.constant 0 : i32
        %dma_wait3A_99 = arith.constant 0 : i32
        %dma_wait3A_100 = tpu.memref_slice %arg2[%arg0, %dma_wait3A_98, %dma_wait3A_99] : memref<2x10240x128xf32, #tpu.memory_space<hbm>> -> memref<1x10240x128xf32, #tpu.memory_space<hbm>>
        %dma_wait3A_101 = tpu.memref_squeeze %dma_wait3A_100 : memref<1x10240x128xf32, #tpu.memory_space<hbm>> -> memref<10240x128xf32, #tpu.memory_space<hbm>>
        %dma_wait3A_102 = arith.constant 0 : i32
        %dma_wait3A_103 = arith.constant 0 : i32
        %dma_wait3A_104 = tpu.memref_slice %dma_wait3A_101[%dma_wait3A_102, %dma_wait3A_103] : memref<10240x128xf32, #tpu.memory_space<hbm>> -> memref<10240x128xf32, #tpu.memory_space<hbm>>
        tpu.wait_indirect_dma semaphore(%arg12 : memref<!tpu.dma_semaphore, #tpu.memory_space<semaphore_mem>>) src(%dma_wait3A_104 : memref<10240x128xf32, #tpu.memory_space<hbm>>) dst(%arg9 : memref<128x128xf32, #tpu.memory_space<vmem>>)
        %sub3A = arith.constant 1 : i32
        %sub3A_105 = arith.subi %add3A_94, %sub3A : i32
        %dma_wait3A_106 = arith.constant 0 : i32
        %dma_wait3A_107 = tpu.memref_slice %arg7[%sub3A_105, %dma_wait3A_106] : memref<40x128xi32, #tpu.memory_space<vmem>> -> memref<1x128xi32, #tpu.memory_space<vmem>>
        %dma_wait3A_108 = tpu.memref_squeeze %dma_wait3A_107 : memref<1x128xi32, #tpu.memory_space<vmem>> -> memref<128xi32, #tpu.memory_space<vmem>>
        %dma_wait3A_109 = arith.constant 0 : i32
        %dma_wait3A_110 = arith.constant 0 : i32
        %dma_wait3A_111 = tpu.memref_slice %arg10[%dma_wait3A_109, %dma_wait3A_110] : memref<10240x128xf32, #tpu.memory_space<vmem_shared>> -> memref<10240x128xf32, #tpu.memory_space<vmem_shared>>
        tpu.wait_indirect_dma semaphore(%arg13 : memref<!tpu.dma_semaphore, #tpu.memory_space<semaphore_mem>>) src(%arg8 : memref<128x128xf32, #tpu.memory_space<vmem>>) dst(%dma_wait3A_111 : memref<10240x128xf32, #tpu.memory_space<vmem_shared>>)
        %add3A_112 = arith.constant 1 : i32
        %add3A_113 = arith.addi %add3A_94, %add3A_112 : i32
        %dma_start3A_114 = arith.constant 0 : i32
        %dma_start3A_115 = tpu.memref_slice %arg6[%add3A_113, %dma_start3A_114] : memref<40x128xi32, #tpu.memory_space<vmem>> -> memref<1x128xi32, #tpu.memory_space<vmem>>
        %dma_start3A_116 = tpu.memref_squeeze %dma_start3A_115 : memref<1x128xi32, #tpu.memory_space<vmem>> -> memref<128xi32, #tpu.memory_space<vmem>>
        %dma_start3A_117 = arith.constant 0 : i32
        %dma_start3A_118 = arith.constant 0 : i32
        %dma_start3A_119 = tpu.memref_slice %arg2[%arg0, %dma_start3A_117, %dma_start3A_118] : memref<2x10240x128xf32, #tpu.memory_space<hbm>> -> memref<1x10240x128xf32, #tpu.memory_space<hbm>>
        %dma_start3A_120 = tpu.memref_squeeze %dma_start3A_119 : memref<1x10240x128xf32, #tpu.memory_space<hbm>> -> memref<10240x128xf32, #tpu.memory_space<hbm>>
        %dma_start3A_121 = arith.constant 0 : i32
        %dma_start3A_122 = arith.constant 0 : i32
        %dma_start3A_123 = tpu.memref_slice %dma_start3A_120[%dma_start3A_121, %dma_start3A_122] : memref<10240x128xf32, #tpu.memory_space<hbm>> -> memref<10240x128xf32, #tpu.memory_space<hbm>>
        tpu.enqueue_indirect_dma source(%dma_start3A_123 : memref<10240x128xf32, #tpu.memory_space<hbm>>) target(%arg8 : memref<128x128xf32, #tpu.memory_space<vmem>>) offsets(%dma_start3A_116 : memref<128xi32, #tpu.memory_space<vmem>>) semaphore(%arg11 : memref<!tpu.dma_semaphore, #tpu.memory_space<semaphore_mem>>)
        %dma_start3A_124 = arith.constant 0 : i32
        %dma_start3A_125 = tpu.memref_slice %arg7[%add3A_94, %dma_start3A_124] : memref<40x128xi32, #tpu.memory_space<vmem>> -> memref<1x128xi32, #tpu.memory_space<vmem>>
        %dma_start3A_126 = tpu.memref_squeeze %dma_start3A_125 : memref<1x128xi32, #tpu.memory_space<vmem>> -> memref<128xi32, #tpu.memory_space<vmem>>
        %dma_start3A_127 = arith.constant 0 : i32
        %dma_start3A_128 = arith.constant 0 : i32
        %dma_start3A_129 = tpu.memref_slice %arg10[%dma_start3A_127, %dma_start3A_128] : memref<10240x128xf32, #tpu.memory_space<vmem_shared>> -> memref<10240x128xf32, #tpu.memory_space<vmem_shared>>
        tpu.enqueue_indirect_dma source(%arg9 : memref<128x128xf32, #tpu.memory_space<vmem>>) target(%dma_start3A_129 : memref<10240x128xf32, #tpu.memory_space<vmem_shared>>) offsets(%dma_start3A_126 : memref<128xi32, #tpu.memory_space<vmem>>) semaphore(%arg14 : memref<!tpu.dma_semaphore, #tpu.memory_space<semaphore_mem>>) {add = true}
        %add3A_130 = arith.constant 2 : i32
        %add3A_131 = arith.addi %mul3A_61, %add3A_130 : i32
        %dma_wait3A_132 = arith.constant 0 : i32
        %dma_wait3A_133 = tpu.memref_slice %arg6[%add3A_131, %dma_wait3A_132] : memref<40x128xi32, #tpu.memory_space<vmem>> -> memref<1x128xi32, #tpu.memory_space<vmem>>
        %dma_wait3A_134 = tpu.memref_squeeze %dma_wait3A_133 : memref<1x128xi32, #tpu.memory_space<vmem>> -> memref<128xi32, #tpu.memory_space<vmem>>
        %dma_wait3A_135 = arith.constant 0 : i32
        %dma_wait3A_136 = arith.constant 0 : i32
        %dma_wait3A_137 = tpu.memref_slice %arg2[%arg0, %dma_wait3A_135, %dma_wait3A_136] : memref<2x10240x128xf32, #tpu.memory_space<hbm>> -> memref<1x10240x128xf32, #tpu.memory_space<hbm>>
        %dma_wait3A_138 = tpu.memref_squeeze %dma_wait3A_137 : memref<1x10240x128xf32, #tpu.memory_space<hbm>> -> memref<10240x128xf32, #tpu.memory_space<hbm>>
        %dma_wait3A_139 = arith.constant 0 : i32
        %dma_wait3A_140 = arith.constant 0 : i32
        %dma_wait3A_141 = tpu.memref_slice %dma_wait3A_138[%dma_wait3A_139, %dma_wait3A_140] : memref<10240x128xf32, #tpu.memory_space<hbm>> -> memref<10240x128xf32, #tpu.memory_space<hbm>>
        tpu.wait_indirect_dma semaphore(%arg11 : memref<!tpu.dma_semaphore, #tpu.memory_space<semaphore_mem>>) src(%dma_wait3A_141 : memref<10240x128xf32, #tpu.memory_space<hbm>>) dst(%arg8 : memref<128x128xf32, #tpu.memory_space<vmem>>)
        %sub3A_142 = arith.constant 1 : i32
        %sub3A_143 = arith.subi %add3A_131, %sub3A_142 : i32
        %dma_wait3A_144 = arith.constant 0 : i32
        %dma_wait3A_145 = tpu.memref_slice %arg7[%sub3A_143, %dma_wait3A_144] : memref<40x128xi32, #tpu.memory_space<vmem>> -> memref<1x128xi32, #tpu.memory_space<vmem>>
        %dma_wait3A_146 = tpu.memref_squeeze %dma_wait3A_145 : memref<1x128xi32, #tpu.memory_space<vmem>> -> memref<128xi32, #tpu.memory_space<vmem>>
        %dma_wait3A_147 = arith.constant 0 : i32
        %dma_wait3A_148 = arith.constant 0 : i32
        %dma_wait3A_149 = tpu.memref_slice %arg10[%dma_wait3A_147, %dma_wait3A_148] : memref<10240x128xf32, #tpu.memory_space<vmem_shared>> -> memref<10240x128xf32, #tpu.memory_space<vmem_shared>>
        tpu.wait_indirect_dma semaphore(%arg14 : memref<!tpu.dma_semaphore, #tpu.memory_space<semaphore_mem>>) src(%arg9 : memref<128x128xf32, #tpu.memory_space<vmem>>) dst(%dma_wait3A_149 : memref<10240x128xf32, #tpu.memory_space<vmem_shared>>)
        %add3A_150 = arith.constant 1 : i32
        %add3A_151 = arith.addi %add3A_131, %add3A_150 : i32
        %dma_start3A_152 = arith.constant 0 : i32
        %dma_start3A_153 = tpu.memref_slice %arg6[%add3A_151, %dma_start3A_152] : memref<40x128xi32, #tpu.memory_space<vmem>> -> memref<1x128xi32, #tpu.memory_space<vmem>>
        %dma_start3A_154 = tpu.memref_squeeze %dma_start3A_153 : memref<1x128xi32, #tpu.memory_space<vmem>> -> memref<128xi32, #tpu.memory_space<vmem>>
        %dma_start3A_155 = arith.constant 0 : i32
        %dma_start3A_156 = arith.constant 0 : i32
        %dma_start3A_157 = tpu.memref_slice %arg2[%arg0, %dma_start3A_155, %dma_start3A_156] : memref<2x10240x128xf32, #tpu.memory_space<hbm>> -> memref<1x10240x128xf32, #tpu.memory_space<hbm>>
        %dma_start3A_158 = tpu.memref_squeeze %dma_start3A_157 : memref<1x10240x128xf32, #tpu.memory_space<hbm>> -> memref<10240x128xf32, #tpu.memory_space<hbm>>
        %dma_start3A_159 = arith.constant 0 : i32
        %dma_start3A_160 = arith.constant 0 : i32
        %dma_start3A_161 = tpu.memref_slice %dma_start3A_158[%dma_start3A_159, %dma_start3A_160] : memref<10240x128xf32, #tpu.memory_space<hbm>> -> memref<10240x128xf32, #tpu.memory_space<hbm>>
        tpu.enqueue_indirect_dma source(%dma_start3A_161 : memref<10240x128xf32, #tpu.memory_space<hbm>>) target(%arg9 : memref<128x128xf32, #tpu.memory_space<vmem>>) offsets(%dma_start3A_154 : memref<128xi32, #tpu.memory_space<vmem>>) semaphore(%arg12 : memref<!tpu.dma_semaphore, #tpu.memory_space<semaphore_mem>>)
        %dma_start3A_162 = arith.constant 0 : i32
        %dma_start3A_163 = tpu.memref_slice %arg7[%add3A_131, %dma_start3A_162] : memref<40x128xi32, #tpu.memory_space<vmem>> -> memref<1x128xi32, #tpu.memory_space<vmem>>
        %dma_start3A_164 = tpu.memref_squeeze %dma_start3A_163 : memref<1x128xi32, #tpu.memory_space<vmem>> -> memref<128xi32, #tpu.memory_space<vmem>>
        %dma_start3A_165 = arith.constant 0 : i32
        %dma_start3A_166 = arith.constant 0 : i32
        %dma_start3A_167 = tpu.memref_slice %arg10[%dma_start3A_165, %dma_start3A_166] : memref<10240x128xf32, #tpu.memory_space<vmem_shared>> -> memref<10240x128xf32, #tpu.memory_space<vmem_shared>>
        tpu.enqueue_indirect_dma source(%arg8 : memref<128x128xf32, #tpu.memory_space<vmem>>) target(%dma_start3A_167 : memref<10240x128xf32, #tpu.memory_space<vmem_shared>>) offsets(%dma_start3A_164 : memref<128xi32, #tpu.memory_space<vmem>>) semaphore(%arg13 : memref<!tpu.dma_semaphore, #tpu.memory_space<semaphore_mem>>) {add = true}
        %add3A_168 = arith.constant 3 : i32
        %add3A_169 = arith.addi %mul3A_61, %add3A_168 : i32
        %dma_wait3A_170 = arith.constant 0 : i32
        %dma_wait3A_171 = tpu.memref_slice %arg6[%add3A_169, %dma_wait3A_170] : memref<40x128xi32, #tpu.memory_space<vmem>> -> memref<1x128xi32, #tpu.memory_space<vmem>>
        %dma_wait3A_172 = tpu.memref_squeeze %dma_wait3A_171 : memref<1x128xi32, #tpu.memory_space<vmem>> -> memref<128xi32, #tpu.memory_space<vmem>>
        %dma_wait3A_173 = arith.constant 0 : i32
        %dma_wait3A_174 = arith.constant 0 : i32
        %dma_wait3A_175 = tpu.memref_slice %arg2[%arg0, %dma_wait3A_173, %dma_wait3A_174] : memref<2x10240x128xf32, #tpu.memory_space<hbm>> -> memref<1x10240x128xf32, #tpu.memory_space<hbm>>
        %dma_wait3A_176 = tpu.memref_squeeze %dma_wait3A_175 : memref<1x10240x128xf32, #tpu.memory_space<hbm>> -> memref<10240x128xf32, #tpu.memory_space<hbm>>
        %dma_wait3A_177 = arith.constant 0 : i32
        %dma_wait3A_178 = arith.constant 0 : i32
        %dma_wait3A_179 = tpu.memref_slice %dma_wait3A_176[%dma_wait3A_177, %dma_wait3A_178] : memref<10240x128xf32, #tpu.memory_space<hbm>> -> memref<10240x128xf32, #tpu.memory_space<hbm>>
        tpu.wait_indirect_dma semaphore(%arg12 : memref<!tpu.dma_semaphore, #tpu.memory_space<semaphore_mem>>) src(%dma_wait3A_179 : memref<10240x128xf32, #tpu.memory_space<hbm>>) dst(%arg9 : memref<128x128xf32, #tpu.memory_space<vmem>>)
        %sub3A_180 = arith.constant 1 : i32
        %sub3A_181 = arith.subi %add3A_169, %sub3A_180 : i32
        %dma_wait3A_182 = arith.constant 0 : i32
        %dma_wait3A_183 = tpu.memref_slice %arg7[%sub3A_181, %dma_wait3A_182] : memref<40x128xi32, #tpu.memory_space<vmem>> -> memref<1x128xi32, #tpu.memory_space<vmem>>
        %dma_wait3A_184 = tpu.memref_squeeze %dma_wait3A_183 : memref<1x128xi32, #tpu.memory_space<vmem>> -> memref<128xi32, #tpu.memory_space<vmem>>
        %dma_wait3A_185 = arith.constant 0 : i32
        %dma_wait3A_186 = arith.constant 0 : i32
        %dma_wait3A_187 = tpu.memref_slice %arg10[%dma_wait3A_185, %dma_wait3A_186] : memref<10240x128xf32, #tpu.memory_space<vmem_shared>> -> memref<10240x128xf32, #tpu.memory_space<vmem_shared>>
        tpu.wait_indirect_dma semaphore(%arg13 : memref<!tpu.dma_semaphore, #tpu.memory_space<semaphore_mem>>) src(%arg8 : memref<128x128xf32, #tpu.memory_space<vmem>>) dst(%dma_wait3A_187 : memref<10240x128xf32, #tpu.memory_space<vmem_shared>>)
        %add3A_188 = arith.constant 1 : i32
        %add3A_189 = arith.addi %add3A_169, %add3A_188 : i32
        %dma_start3A_190 = arith.constant 0 : i32
        %dma_start3A_191 = tpu.memref_slice %arg6[%add3A_189, %dma_start3A_190] : memref<40x128xi32, #tpu.memory_space<vmem>> -> memref<1x128xi32, #tpu.memory_space<vmem>>
        %dma_start3A_192 = tpu.memref_squeeze %dma_start3A_191 : memref<1x128xi32, #tpu.memory_space<vmem>> -> memref<128xi32, #tpu.memory_space<vmem>>
        %dma_start3A_193 = arith.constant 0 : i32
        %dma_start3A_194 = arith.constant 0 : i32
        %dma_start3A_195 = tpu.memref_slice %arg2[%arg0, %dma_start3A_193, %dma_start3A_194] : memref<2x10240x128xf32, #tpu.memory_space<hbm>> -> memref<1x10240x128xf32, #tpu.memory_space<hbm>>
        %dma_start3A_196 = tpu.memref_squeeze %dma_start3A_195 : memref<1x10240x128xf32, #tpu.memory_space<hbm>> -> memref<10240x128xf32, #tpu.memory_space<hbm>>
        %dma_start3A_197 = arith.constant 0 : i32
        %dma_start3A_198 = arith.constant 0 : i32
        %dma_start3A_199 = tpu.memref_slice %dma_start3A_196[%dma_start3A_197, %dma_start3A_198] : memref<10240x128xf32, #tpu.memory_space<hbm>> -> memref<10240x128xf32, #tpu.memory_space<hbm>>
        tpu.enqueue_indirect_dma source(%dma_start3A_199 : memref<10240x128xf32, #tpu.memory_space<hbm>>) target(%arg8 : memref<128x128xf32, #tpu.memory_space<vmem>>) offsets(%dma_start3A_192 : memref<128xi32, #tpu.memory_space<vmem>>) semaphore(%arg11 : memref<!tpu.dma_semaphore, #tpu.memory_space<semaphore_mem>>)
        %dma_start3A_200 = arith.constant 0 : i32
        %dma_start3A_201 = tpu.memref_slice %arg7[%add3A_169, %dma_start3A_200] : memref<40x128xi32, #tpu.memory_space<vmem>> -> memref<1x128xi32, #tpu.memory_space<vmem>>
        %dma_start3A_202 = tpu.memref_squeeze %dma_start3A_201 : memref<1x128xi32, #tpu.memory_space<vmem>> -> memref<128xi32, #tpu.memory_space<vmem>>
        %dma_start3A_203 = arith.constant 0 : i32
        %dma_start3A_204 = arith.constant 0 : i32
        %dma_start3A_205 = tpu.memref_slice %arg10[%dma_start3A_203, %dma_start3A_204] : memref<10240x128xf32, #tpu.memory_space<vmem_shared>> -> memref<10240x128xf32, #tpu.memory_space<vmem_shared>>
        tpu.enqueue_indirect_dma source(%arg9 : memref<128x128xf32, #tpu.memory_space<vmem>>) target(%dma_start3A_205 : memref<10240x128xf32, #tpu.memory_space<vmem_shared>>) offsets(%dma_start3A_202 : memref<128xi32, #tpu.memory_space<vmem>>) semaphore(%arg14 : memref<!tpu.dma_semaphore, #tpu.memory_space<semaphore_mem>>) {add = true}
        %add3A_206 = arith.constant 4 : i32
        %add3A_207 = arith.addi %mul3A_61, %add3A_206 : i32
        %dma_wait3A_208 = arith.constant 0 : i32
        %dma_wait3A_209 = tpu.memref_slice %arg6[%add3A_207, %dma_wait3A_208] : memref<40x128xi32, #tpu.memory_space<vmem>> -> memref<1x128xi32, #tpu.memory_space<vmem>>
        %dma_wait3A_210 = tpu.memref_squeeze %dma_wait3A_209 : memref<1x128xi32, #tpu.memory_space<vmem>> -> memref<128xi32, #tpu.memory_space<vmem>>
        %dma_wait3A_211 = arith.constant 0 : i32
        %dma_wait3A_212 = arith.constant 0 : i32
        %dma_wait3A_213 = tpu.memref_slice %arg2[%arg0, %dma_wait3A_211, %dma_wait3A_212] : memref<2x10240x128xf32, #tpu.memory_space<hbm>> -> memref<1x10240x128xf32, #tpu.memory_space<hbm>>
        %dma_wait3A_214 = tpu.memref_squeeze %dma_wait3A_213 : memref<1x10240x128xf32, #tpu.memory_space<hbm>> -> memref<10240x128xf32, #tpu.memory_space<hbm>>
        %dma_wait3A_215 = arith.constant 0 : i32
        %dma_wait3A_216 = arith.constant 0 : i32
        %dma_wait3A_217 = tpu.memref_slice %dma_wait3A_214[%dma_wait3A_215, %dma_wait3A_216] : memref<10240x128xf32, #tpu.memory_space<hbm>> -> memref<10240x128xf32, #tpu.memory_space<hbm>>
        tpu.wait_indirect_dma semaphore(%arg11 : memref<!tpu.dma_semaphore, #tpu.memory_space<semaphore_mem>>) src(%dma_wait3A_217 : memref<10240x128xf32, #tpu.memory_space<hbm>>) dst(%arg8 : memref<128x128xf32, #tpu.memory_space<vmem>>)
        %sub3A_218 = arith.constant 1 : i32
        %sub3A_219 = arith.subi %add3A_207, %sub3A_218 : i32
        %dma_wait3A_220 = arith.constant 0 : i32
        %dma_wait3A_221 = tpu.memref_slice %arg7[%sub3A_219, %dma_wait3A_220] : memref<40x128xi32, #tpu.memory_space<vmem>> -> memref<1x128xi32, #tpu.memory_space<vmem>>
        %dma_wait3A_222 = tpu.memref_squeeze %dma_wait3A_221 : memref<1x128xi32, #tpu.memory_space<vmem>> -> memref<128xi32, #tpu.memory_space<vmem>>
        %dma_wait3A_223 = arith.constant 0 : i32
        %dma_wait3A_224 = arith.constant 0 : i32
        %dma_wait3A_225 = tpu.memref_slice %arg10[%dma_wait3A_223, %dma_wait3A_224] : memref<10240x128xf32, #tpu.memory_space<vmem_shared>> -> memref<10240x128xf32, #tpu.memory_space<vmem_shared>>
        tpu.wait_indirect_dma semaphore(%arg14 : memref<!tpu.dma_semaphore, #tpu.memory_space<semaphore_mem>>) src(%arg9 : memref<128x128xf32, #tpu.memory_space<vmem>>) dst(%dma_wait3A_225 : memref<10240x128xf32, #tpu.memory_space<vmem_shared>>)
        %add3A_226 = arith.constant 1 : i32
        %add3A_227 = arith.addi %add3A_207, %add3A_226 : i32
        %dma_start3A_228 = arith.constant 0 : i32
        %dma_start3A_229 = tpu.memref_slice %arg6[%add3A_227, %dma_start3A_228] : memref<40x128xi32, #tpu.memory_space<vmem>> -> memref<1x128xi32, #tpu.memory_space<vmem>>
        %dma_start3A_230 = tpu.memref_squeeze %dma_start3A_229 : memref<1x128xi32, #tpu.memory_space<vmem>> -> memref<128xi32, #tpu.memory_space<vmem>>
        %dma_start3A_231 = arith.constant 0 : i32
        %dma_start3A_232 = arith.constant 0 : i32
        %dma_start3A_233 = tpu.memref_slice %arg2[%arg0, %dma_start3A_231, %dma_start3A_232] : memref<2x10240x128xf32, #tpu.memory_space<hbm>> -> memref<1x10240x128xf32, #tpu.memory_space<hbm>>
        %dma_start3A_234 = tpu.memref_squeeze %dma_start3A_233 : memref<1x10240x128xf32, #tpu.memory_space<hbm>> -> memref<10240x128xf32, #tpu.memory_space<hbm>>
        %dma_start3A_235 = arith.constant 0 : i32
        %dma_start3A_236 = arith.constant 0 : i32
        %dma_start3A_237 = tpu.memref_slice %dma_start3A_234[%dma_start3A_235, %dma_start3A_236] : memref<10240x128xf32, #tpu.memory_space<hbm>> -> memref<10240x128xf32, #tpu.memory_space<hbm>>
        tpu.enqueue_indirect_dma source(%dma_start3A_237 : memref<10240x128xf32, #tpu.memory_space<hbm>>) target(%arg9 : memref<128x128xf32, #tpu.memory_space<vmem>>) offsets(%dma_start3A_230 : memref<128xi32, #tpu.memory_space<vmem>>) semaphore(%arg12 : memref<!tpu.dma_semaphore, #tpu.memory_space<semaphore_mem>>)
        %dma_start3A_238 = arith.constant 0 : i32
        %dma_start3A_239 = tpu.memref_slice %arg7[%add3A_207, %dma_start3A_238] : memref<40x128xi32, #tpu.memory_space<vmem>> -> memref<1x128xi32, #tpu.memory_space<vmem>>
        %dma_start3A_240 = tpu.memref_squeeze %dma_start3A_239 : memref<1x128xi32, #tpu.memory_space<vmem>> -> memref<128xi32, #tpu.memory_space<vmem>>
        %dma_start3A_241 = arith.constant 0 : i32
        %dma_start3A_242 = arith.constant 0 : i32
        %dma_start3A_243 = tpu.memref_slice %arg10[%dma_start3A_241, %dma_start3A_242] : memref<10240x128xf32, #tpu.memory_space<vmem_shared>> -> memref<10240x128xf32, #tpu.memory_space<vmem_shared>>
        tpu.enqueue_indirect_dma source(%arg8 : memref<128x128xf32, #tpu.memory_space<vmem>>) target(%dma_start3A_243 : memref<10240x128xf32, #tpu.memory_space<vmem_shared>>) offsets(%dma_start3A_240 : memref<128xi32, #tpu.memory_space<vmem>>) semaphore(%arg13 : memref<!tpu.dma_semaphore, #tpu.memory_space<semaphore_mem>>) {add = true}
        %add3A_244 = arith.constant 5 : i32
        %add3A_245 = arith.addi %mul3A_61, %add3A_244 : i32
        %dma_wait3A_246 = arith.constant 0 : i32
        %dma_wait3A_247 = tpu.memref_slice %arg6[%add3A_245, %dma_wait3A_246] : memref<40x128xi32, #tpu.memory_space<vmem>> -> memref<1x128xi32, #tpu.memory_space<vmem>>
        %dma_wait3A_248 = tpu.memref_squeeze %dma_wait3A_247 : memref<1x128xi32, #tpu.memory_space<vmem>> -> memref<128xi32, #tpu.memory_space<vmem>>
        %dma_wait3A_249 = arith.constant 0 : i32
        %dma_wait3A_250 = arith.constant 0 : i32
        %dma_wait3A_251 = tpu.memref_slice %arg2[%arg0, %dma_wait3A_249, %dma_wait3A_250] : memref<2x10240x128xf32, #tpu.memory_space<hbm>> -> memref<1x10240x128xf32, #tpu.memory_space<hbm>>
        %dma_wait3A_252 = tpu.memref_squeeze %dma_wait3A_251 : memref<1x10240x128xf32, #tpu.memory_space<hbm>> -> memref<10240x128xf32, #tpu.memory_space<hbm>>
        %dma_wait3A_253 = arith.constant 0 : i32
        %dma_wait3A_254 = arith.constant 0 : i32
        %dma_wait3A_255 = tpu.memref_slice %dma_wait3A_252[%dma_wait3A_253, %dma_wait3A_254] : memref<10240x128xf32, #tpu.memory_space<hbm>> -> memref<10240x128xf32, #tpu.memory_space<hbm>>
        tpu.wait_indirect_dma semaphore(%arg12 : memref<!tpu.dma_semaphore, #tpu.memory_space<semaphore_mem>>) src(%dma_wait3A_255 : memref<10240x128xf32, #tpu.memory_space<hbm>>) dst(%arg9 : memref<128x128xf32, #tpu.memory_space<vmem>>)
        %sub3A_256 = arith.constant 1 : i32
        %sub3A_257 = arith.subi %add3A_245, %sub3A_256 : i32
        %dma_wait3A_258 = arith.constant 0 : i32
        %dma_wait3A_259 = tpu.memref_slice %arg7[%sub3A_257, %dma_wait3A_258] : memref<40x128xi32, #tpu.memory_space<vmem>> -> memref<1x128xi32, #tpu.memory_space<vmem>>
        %dma_wait3A_260 = tpu.memref_squeeze %dma_wait3A_259 : memref<1x128xi32, #tpu.memory_space<vmem>> -> memref<128xi32, #tpu.memory_space<vmem>>
        %dma_wait3A_261 = arith.constant 0 : i32
        %dma_wait3A_262 = arith.constant 0 : i32
        %dma_wait3A_263 = tpu.memref_slice %arg10[%dma_wait3A_261, %dma_wait3A_262] : memref<10240x128xf32, #tpu.memory_space<vmem_shared>> -> memref<10240x128xf32, #tpu.memory_space<vmem_shared>>
        tpu.wait_indirect_dma semaphore(%arg13 : memref<!tpu.dma_semaphore, #tpu.memory_space<semaphore_mem>>) src(%arg8 : memref<128x128xf32, #tpu.memory_space<vmem>>) dst(%dma_wait3A_263 : memref<10240x128xf32, #tpu.memory_space<vmem_shared>>)
        %add3A_264 = arith.constant 1 : i32
        %add3A_265 = arith.addi %add3A_245, %add3A_264 : i32
        %dma_start3A_266 = arith.constant 0 : i32
        %dma_start3A_267 = tpu.memref_slice %arg6[%add3A_265, %dma_start3A_266] : memref<40x128xi32, #tpu.memory_space<vmem>> -> memref<1x128xi32, #tpu.memory_space<vmem>>
        %dma_start3A_268 = tpu.memref_squeeze %dma_start3A_267 : memref<1x128xi32, #tpu.memory_space<vmem>> -> memref<128xi32, #tpu.memory_space<vmem>>
        %dma_start3A_269 = arith.constant 0 : i32
        %dma_start3A_270 = arith.constant 0 : i32
        %dma_start3A_271 = tpu.memref_slice %arg2[%arg0, %dma_start3A_269, %dma_start3A_270] : memref<2x10240x128xf32, #tpu.memory_space<hbm>> -> memref<1x10240x128xf32, #tpu.memory_space<hbm>>
        %dma_start3A_272 = tpu.memref_squeeze %dma_start3A_271 : memref<1x10240x128xf32, #tpu.memory_space<hbm>> -> memref<10240x128xf32, #tpu.memory_space<hbm>>
        %dma_start3A_273 = arith.constant 0 : i32
        %dma_start3A_274 = arith.constant 0 : i32
        %dma_start3A_275 = tpu.memref_slice %dma_start3A_272[%dma_start3A_273, %dma_start3A_274] : memref<10240x128xf32, #tpu.memory_space<hbm>> -> memref<10240x128xf32, #tpu.memory_space<hbm>>
        tpu.enqueue_indirect_dma source(%dma_start3A_275 : memref<10240x128xf32, #tpu.memory_space<hbm>>) target(%arg8 : memref<128x128xf32, #tpu.memory_space<vmem>>) offsets(%dma_start3A_268 : memref<128xi32, #tpu.memory_space<vmem>>) semaphore(%arg11 : memref<!tpu.dma_semaphore, #tpu.memory_space<semaphore_mem>>)
        %dma_start3A_276 = arith.constant 0 : i32
        %dma_start3A_277 = tpu.memref_slice %arg7[%add3A_245, %dma_start3A_276] : memref<40x128xi32, #tpu.memory_space<vmem>> -> memref<1x128xi32, #tpu.memory_space<vmem>>
        %dma_start3A_278 = tpu.memref_squeeze %dma_start3A_277 : memref<1x128xi32, #tpu.memory_space<vmem>> -> memref<128xi32, #tpu.memory_space<vmem>>
        %dma_start3A_279 = arith.constant 0 : i32
        %dma_start3A_280 = arith.constant 0 : i32
        %dma_start3A_281 = tpu.memref_slice %arg10[%dma_start3A_279, %dma_start3A_280] : memref<10240x128xf32, #tpu.memory_space<vmem_shared>> -> memref<10240x128xf32, #tpu.memory_space<vmem_shared>>
        tpu.enqueue_indirect_dma source(%arg9 : memref<128x128xf32, #tpu.memory_space<vmem>>) target(%dma_start3A_281 : memref<10240x128xf32, #tpu.memory_space<vmem_shared>>) offsets(%dma_start3A_278 : memref<128xi32, #tpu.memory_space<vmem>>) semaphore(%arg14 : memref<!tpu.dma_semaphore, #tpu.memory_space<semaphore_mem>>) {add = true}
        %add3A_282 = arith.constant 6 : i32
        %add3A_283 = arith.addi %mul3A_61, %add3A_282 : i32
        %dma_wait3A_284 = arith.constant 0 : i32
        %dma_wait3A_285 = tpu.memref_slice %arg6[%add3A_283, %dma_wait3A_284] : memref<40x128xi32, #tpu.memory_space<vmem>> -> memref<1x128xi32, #tpu.memory_space<vmem>>
        %dma_wait3A_286 = tpu.memref_squeeze %dma_wait3A_285 : memref<1x128xi32, #tpu.memory_space<vmem>> -> memref<128xi32, #tpu.memory_space<vmem>>
        %dma_wait3A_287 = arith.constant 0 : i32
        %dma_wait3A_288 = arith.constant 0 : i32
        %dma_wait3A_289 = tpu.memref_slice %arg2[%arg0, %dma_wait3A_287, %dma_wait3A_288] : memref<2x10240x128xf32, #tpu.memory_space<hbm>> -> memref<1x10240x128xf32, #tpu.memory_space<hbm>>
        %dma_wait3A_290 = tpu.memref_squeeze %dma_wait3A_289 : memref<1x10240x128xf32, #tpu.memory_space<hbm>> -> memref<10240x128xf32, #tpu.memory_space<hbm>>
        %dma_wait3A_291 = arith.constant 0 : i32
        %dma_wait3A_292 = arith.constant 0 : i32
        %dma_wait3A_293 = tpu.memref_slice %dma_wait3A_290[%dma_wait3A_291, %dma_wait3A_292] : memref<10240x128xf32, #tpu.memory_space<hbm>> -> memref<10240x128xf32, #tpu.memory_space<hbm>>
        tpu.wait_indirect_dma semaphore(%arg11 : memref<!tpu.dma_semaphore, #tpu.memory_space<semaphore_mem>>) src(%dma_wait3A_293 : memref<10240x128xf32, #tpu.memory_space<hbm>>) dst(%arg8 : memref<128x128xf32, #tpu.memory_space<vmem>>)
        %sub3A_294 = arith.constant 1 : i32
        %sub3A_295 = arith.subi %add3A_283, %sub3A_294 : i32
        %dma_wait3A_296 = arith.constant 0 : i32
        %dma_wait3A_297 = tpu.memref_slice %arg7[%sub3A_295, %dma_wait3A_296] : memref<40x128xi32, #tpu.memory_space<vmem>> -> memref<1x128xi32, #tpu.memory_space<vmem>>
        %dma_wait3A_298 = tpu.memref_squeeze %dma_wait3A_297 : memref<1x128xi32, #tpu.memory_space<vmem>> -> memref<128xi32, #tpu.memory_space<vmem>>
        %dma_wait3A_299 = arith.constant 0 : i32
        %dma_wait3A_300 = arith.constant 0 : i32
        %dma_wait3A_301 = tpu.memref_slice %arg10[%dma_wait3A_299, %dma_wait3A_300] : memref<10240x128xf32, #tpu.memory_space<vmem_shared>> -> memref<10240x128xf32, #tpu.memory_space<vmem_shared>>
        tpu.wait_indirect_dma semaphore(%arg14 : memref<!tpu.dma_semaphore, #tpu.memory_space<semaphore_mem>>) src(%arg9 : memref<128x128xf32, #tpu.memory_space<vmem>>) dst(%dma_wait3A_301 : memref<10240x128xf32, #tpu.memory_space<vmem_shared>>)
        %add3A_302 = arith.constant 1 : i32
        %add3A_303 = arith.addi %add3A_283, %add3A_302 : i32
        %dma_start3A_304 = arith.constant 0 : i32
        %dma_start3A_305 = tpu.memref_slice %arg6[%add3A_303, %dma_start3A_304] : memref<40x128xi32, #tpu.memory_space<vmem>> -> memref<1x128xi32, #tpu.memory_space<vmem>>
        %dma_start3A_306 = tpu.memref_squeeze %dma_start3A_305 : memref<1x128xi32, #tpu.memory_space<vmem>> -> memref<128xi32, #tpu.memory_space<vmem>>
        %dma_start3A_307 = arith.constant 0 : i32
        %dma_start3A_308 = arith.constant 0 : i32
        %dma_start3A_309 = tpu.memref_slice %arg2[%arg0, %dma_start3A_307, %dma_start3A_308] : memref<2x10240x128xf32, #tpu.memory_space<hbm>> -> memref<1x10240x128xf32, #tpu.memory_space<hbm>>
        %dma_start3A_310 = tpu.memref_squeeze %dma_start3A_309 : memref<1x10240x128xf32, #tpu.memory_space<hbm>> -> memref<10240x128xf32, #tpu.memory_space<hbm>>
        %dma_start3A_311 = arith.constant 0 : i32
        %dma_start3A_312 = arith.constant 0 : i32
        %dma_start3A_313 = tpu.memref_slice %dma_start3A_310[%dma_start3A_311, %dma_start3A_312] : memref<10240x128xf32, #tpu.memory_space<hbm>> -> memref<10240x128xf32, #tpu.memory_space<hbm>>
        tpu.enqueue_indirect_dma source(%dma_start3A_313 : memref<10240x128xf32, #tpu.memory_space<hbm>>) target(%arg9 : memref<128x128xf32, #tpu.memory_space<vmem>>) offsets(%dma_start3A_306 : memref<128xi32, #tpu.memory_space<vmem>>) semaphore(%arg12 : memref<!tpu.dma_semaphore, #tpu.memory_space<semaphore_mem>>)
        %dma_start3A_314 = arith.constant 0 : i32
        %dma_start3A_315 = tpu.memref_slice %arg7[%add3A_283, %dma_start3A_314] : memref<40x128xi32, #tpu.memory_space<vmem>> -> memref<1x128xi32, #tpu.memory_space<vmem>>
        %dma_start3A_316 = tpu.memref_squeeze %dma_start3A_315 : memref<1x128xi32, #tpu.memory_space<vmem>> -> memref<128xi32, #tpu.memory_space<vmem>>
        %dma_start3A_317 = arith.constant 0 : i32
        %dma_start3A_318 = arith.constant 0 : i32
        %dma_start3A_319 = tpu.memref_slice %arg10[%dma_start3A_317, %dma_start3A_318] : memref<10240x128xf32, #tpu.memory_space<vmem_shared>> -> memref<10240x128xf32, #tpu.memory_space<vmem_shared>>
        tpu.enqueue_indirect_dma source(%arg8 : memref<128x128xf32, #tpu.memory_space<vmem>>) target(%dma_start3A_319 : memref<10240x128xf32, #tpu.memory_space<vmem_shared>>) offsets(%dma_start3A_316 : memref<128xi32, #tpu.memory_space<vmem>>) semaphore(%arg13 : memref<!tpu.dma_semaphore, #tpu.memory_space<semaphore_mem>>) {add = true}
        %add3A_320 = arith.constant 7 : i32
        %add3A_321 = arith.addi %mul3A_61, %add3A_320 : i32
        %dma_wait3A_322 = arith.constant 0 : i32
        %dma_wait3A_323 = tpu.memref_slice %arg6[%add3A_321, %dma_wait3A_322] : memref<40x128xi32, #tpu.memory_space<vmem>> -> memref<1x128xi32, #tpu.memory_space<vmem>>
        %dma_wait3A_324 = tpu.memref_squeeze %dma_wait3A_323 : memref<1x128xi32, #tpu.memory_space<vmem>> -> memref<128xi32, #tpu.memory_space<vmem>>
        %dma_wait3A_325 = arith.constant 0 : i32
        %dma_wait3A_326 = arith.constant 0 : i32
        %dma_wait3A_327 = tpu.memref_slice %arg2[%arg0, %dma_wait3A_325, %dma_wait3A_326] : memref<2x10240x128xf32, #tpu.memory_space<hbm>> -> memref<1x10240x128xf32, #tpu.memory_space<hbm>>
        %dma_wait3A_328 = tpu.memref_squeeze %dma_wait3A_327 : memref<1x10240x128xf32, #tpu.memory_space<hbm>> -> memref<10240x128xf32, #tpu.memory_space<hbm>>
        %dma_wait3A_329 = arith.constant 0 : i32
        %dma_wait3A_330 = arith.constant 0 : i32
        %dma_wait3A_331 = tpu.memref_slice %dma_wait3A_328[%dma_wait3A_329, %dma_wait3A_330] : memref<10240x128xf32, #tpu.memory_space<hbm>> -> memref<10240x128xf32, #tpu.memory_space<hbm>>
        tpu.wait_indirect_dma semaphore(%arg12 : memref<!tpu.dma_semaphore, #tpu.memory_space<semaphore_mem>>) src(%dma_wait3A_331 : memref<10240x128xf32, #tpu.memory_space<hbm>>) dst(%arg9 : memref<128x128xf32, #tpu.memory_space<vmem>>)
        %sub3A_332 = arith.constant 1 : i32
        %sub3A_333 = arith.subi %add3A_321, %sub3A_332 : i32
        %dma_wait3A_334 = arith.constant 0 : i32
        %dma_wait3A_335 = tpu.memref_slice %arg7[%sub3A_333, %dma_wait3A_334] : memref<40x128xi32, #tpu.memory_space<vmem>> -> memref<1x128xi32, #tpu.memory_space<vmem>>
        %dma_wait3A_336 = tpu.memref_squeeze %dma_wait3A_335 : memref<1x128xi32, #tpu.memory_space<vmem>> -> memref<128xi32, #tpu.memory_space<vmem>>
        %dma_wait3A_337 = arith.constant 0 : i32
        %dma_wait3A_338 = arith.constant 0 : i32
        %dma_wait3A_339 = tpu.memref_slice %arg10[%dma_wait3A_337, %dma_wait3A_338] : memref<10240x128xf32, #tpu.memory_space<vmem_shared>> -> memref<10240x128xf32, #tpu.memory_space<vmem_shared>>
        tpu.wait_indirect_dma semaphore(%arg13 : memref<!tpu.dma_semaphore, #tpu.memory_space<semaphore_mem>>) src(%arg8 : memref<128x128xf32, #tpu.memory_space<vmem>>) dst(%dma_wait3A_339 : memref<10240x128xf32, #tpu.memory_space<vmem_shared>>)
        %add3A_340 = arith.constant 1 : i32
        %add3A_341 = arith.addi %scan3A_58, %add3A_340 : i32
        %lt3A = arith.constant 5 : i32
        %lt3A_342 = arith.cmpi slt, %add3A_341, %lt3A : i32
        %convert_element_type3A_343 = arith.extui %lt3A_342 : i1 to i32
        %cond3A_344 = arith.constant 0 : i32
        %cond3A_345 = arith.cmpi ne, %convert_element_type3A_343, %cond3A_344 : i32
        scf.if %cond3A_345 {
          %add3A_353 = arith.constant 1 : i32
          %add3A_354 = arith.addi %add3A_321, %add3A_353 : i32
          %dma_start3A_355 = arith.constant 0 : i32
          %dma_start3A_356 = tpu.memref_slice %arg6[%add3A_354, %dma_start3A_355] : memref<40x128xi32, #tpu.memory_space<vmem>> -> memref<1x128xi32, #tpu.memory_space<vmem>>
          %dma_start3A_357 = tpu.memref_squeeze %dma_start3A_356 : memref<1x128xi32, #tpu.memory_space<vmem>> -> memref<128xi32, #tpu.memory_space<vmem>>
          %dma_start3A_358 = arith.constant 0 : i32
          %dma_start3A_359 = arith.constant 0 : i32
          %dma_start3A_360 = tpu.memref_slice %arg2[%arg0, %dma_start3A_358, %dma_start3A_359] : memref<2x10240x128xf32, #tpu.memory_space<hbm>> -> memref<1x10240x128xf32, #tpu.memory_space<hbm>>
          %dma_start3A_361 = tpu.memref_squeeze %dma_start3A_360 : memref<1x10240x128xf32, #tpu.memory_space<hbm>> -> memref<10240x128xf32, #tpu.memory_space<hbm>>
          %dma_start3A_362 = arith.constant 0 : i32
          %dma_start3A_363 = arith.constant 0 : i32
          %dma_start3A_364 = tpu.memref_slice %dma_start3A_361[%dma_start3A_362, %dma_start3A_363] : memref<10240x128xf32, #tpu.memory_space<hbm>> -> memref<10240x128xf32, #tpu.memory_space<hbm>>
          tpu.enqueue_indirect_dma source(%dma_start3A_364 : memref<10240x128xf32, #tpu.memory_space<hbm>>) target(%arg8 : memref<128x128xf32, #tpu.memory_space<vmem>>) offsets(%dma_start3A_357 : memref<128xi32, #tpu.memory_space<vmem>>) semaphore(%arg11 : memref<!tpu.dma_semaphore, #tpu.memory_space<semaphore_mem>>)
        } else {
        }
        %dma_start3A_346 = arith.constant 0 : i32
        %dma_start3A_347 = tpu.memref_slice %arg7[%add3A_321, %dma_start3A_346] : memref<40x128xi32, #tpu.memory_space<vmem>> -> memref<1x128xi32, #tpu.memory_space<vmem>>
        %dma_start3A_348 = tpu.memref_squeeze %dma_start3A_347 : memref<1x128xi32, #tpu.memory_space<vmem>> -> memref<128xi32, #tpu.memory_space<vmem>>
        %dma_start3A_349 = arith.constant 0 : i32
        %dma_start3A_350 = arith.constant 0 : i32
        %dma_start3A_351 = tpu.memref_slice %arg10[%dma_start3A_349, %dma_start3A_350] : memref<10240x128xf32, #tpu.memory_space<vmem_shared>> -> memref<10240x128xf32, #tpu.memory_space<vmem_shared>>
        tpu.enqueue_indirect_dma source(%arg9 : memref<128x128xf32, #tpu.memory_space<vmem>>) target(%dma_start3A_351 : memref<10240x128xf32, #tpu.memory_space<vmem_shared>>) offsets(%dma_start3A_348 : memref<128xi32, #tpu.memory_space<vmem>>) semaphore(%arg14 : memref<!tpu.dma_semaphore, #tpu.memory_space<semaphore_mem>>) {add = true}
        %scan3A_352 = arith.constant 0 : i32
        scf.yield %scan3A_352 : i32
      }
      %scan3A_50 = arith.constant 5 : i32
      %dma_wait3A = arith.constant 39 : i32
      %dma_wait3A_51 = arith.constant 0 : i32
      %dma_wait3A_52 = tpu.memref_slice %arg7[%dma_wait3A, %dma_wait3A_51] : memref<40x128xi32, #tpu.memory_space<vmem>> -> memref<1x128xi32, #tpu.memory_space<vmem>>
      %dma_wait3A_53 = tpu.memref_squeeze %dma_wait3A_52 : memref<1x128xi32, #tpu.memory_space<vmem>> -> memref<128xi32, #tpu.memory_space<vmem>>
      %dma_wait3A_54 = arith.constant 0 : i32
      %dma_wait3A_55 = arith.constant 0 : i32
      %dma_wait3A_56 = tpu.memref_slice %arg10[%dma_wait3A_54, %dma_wait3A_55] : memref<10240x128xf32, #tpu.memory_space<vmem_shared>> -> memref<10240x128xf32, #tpu.memory_space<vmem_shared>>
      tpu.wait_indirect_dma semaphore(%arg14 : memref<!tpu.dma_semaphore, #tpu.memory_space<semaphore_mem>>) src(%arg9 : memref<128x128xf32, #tpu.memory_space<vmem>>) dst(%dma_wait3A_56 : memref<10240x128xf32, #tpu.memory_space<vmem_shared>>)
      %scan3A_57 = arith.constant 0 : i32
      scf.yield %scan3A_57 : i32
    }
    %scan3A_20 = arith.constant 2 : i32
    %barrier3A_21 = arith.constant 0 : index
    tpu.barrier barrier_id(%barrier3A_21)
    %scan3A_22 = arith.constant 0 : i32
    %scan3A_23 = arith.constant 0 : i32
    %scan3A_24 = arith.constant 5 : i32
    %scan3A_25 = arith.addi %scan3A_23, %scan3A_24 : i32
    %scan3A_26 = arith.constant 1 : i32
    %scan3A_27 = scf.for %scan3A_29 = %scan3A_23 to %scan3A_25 step %scan3A_26 iter_args(%scan3A_30 = %scan3A_22) -> (i32)  : i32 {
      %mul3A = arith.constant 640 : i32
      %mul3A_31 = arith.muli %arg1, %mul3A : i32
      %mul3A_32 = arith.constant 128 : i32
      %mul3A_33 = arith.muli %scan3A_29, %mul3A_32 : i32
      %add3A = arith.addi %mul3A_31, %mul3A_33 : i32
      "tpu.region"() ({
        %run_scoped3A = tpu.sem_alloc : memref<!tpu.dma_semaphore, #tpu.memory_space<semaphore_mem>>
        %dma_start3A = arith.constant 0 : i32
        %dma_start3A_35 = arith.constant 0 : i32
        %dma_start3A_36 = tpu.memref_slice %arg5[%arg0, %dma_start3A, %dma_start3A_35] : memref<2x10240x128xf32, #tpu.memory_space<hbm>> -> memref<1x10240x128xf32, #tpu.memory_space<hbm>>
        %dma_start3A_37 = tpu.memref_squeeze %dma_start3A_36 : memref<1x10240x128xf32, #tpu.memory_space<hbm>> -> memref<10240x128xf32, #tpu.memory_space<hbm>>
        %dma_start3A_38 = arith.constant 0 : i32
        %dma_start3A_39 = tpu.memref_slice %dma_start3A_37[%add3A, %dma_start3A_38] : memref<10240x128xf32, #tpu.memory_space<hbm>> -> memref<128x128xf32, #tpu.memory_space<hbm>>
        %dma_start3A_40 = arith.constant 0 : i32
        %dma_start3A_41 = tpu.memref_slice %arg10[%add3A, %dma_start3A_40] : memref<10240x128xf32, #tpu.memory_space<vmem_shared>> -> memref<128x128xf32, #tpu.memory_space<vmem_shared>>
        tpu.enqueue_dma source(%dma_start3A_41 : memref<128x128xf32, #tpu.memory_space<vmem_shared>>) target(%dma_start3A_39 : memref<128x128xf32, #tpu.memory_space<hbm>>) target_semaphore(%run_scoped3A : memref<!tpu.dma_semaphore, #tpu.memory_space<semaphore_mem>>)
        %dma_wait3A = arith.constant 0 : i32
        %dma_wait3A_42 = arith.constant 0 : i32
        %dma_wait3A_43 = tpu.memref_slice %arg5[%arg0, %dma_wait3A, %dma_wait3A_42] : memref<2x10240x128xf32, #tpu.memory_space<hbm>> -> memref<1x10240x128xf32, #tpu.memory_space<hbm>>
        %dma_wait3A_44 = tpu.memref_squeeze %dma_wait3A_43 : memref<1x10240x128xf32, #tpu.memory_space<hbm>> -> memref<10240x128xf32, #tpu.memory_space<hbm>>
        %dma_wait3A_45 = arith.constant 0 : i32
        %dma_wait3A_46 = tpu.memref_slice %dma_wait3A_44[%add3A, %dma_wait3A_45] : memref<10240x128xf32, #tpu.memory_space<hbm>> -> memref<128x128xf32, #tpu.memory_space<hbm>>
        %dma_wait3A_47 = arith.constant 0 : i32
        %dma_wait3A_48 = tpu.memref_slice %arg10[%add3A, %dma_wait3A_47] : memref<10240x128xf32, #tpu.memory_space<vmem_shared>> -> memref<128x128xf32, #tpu.memory_space<vmem_shared>>
        tpu.wait_dma2 semaphore(%run_scoped3A : memref<!tpu.dma_semaphore, #tpu.memory_space<semaphore_mem>>) src(%dma_wait3A_48 : memref<128x128xf32, #tpu.memory_space<vmem_shared>>) dst(%dma_wait3A_46 : memref<128x128xf32, #tpu.memory_space<hbm>>)
        tpu.yield
      }) : () -> ()
      %scan3A_34 = arith.constant 0 : i32
      scf.yield %scan3A_34 : i32
    }
    %scan3A_28 = arith.constant 5 : i32
    return
  }
}

module attributes {stable_mosaic.version = 14 : i64} {
  func.func @_scale_body(%arg0: memref<32x2x10240xf32, #tpu.memory_space<vmem>>, %arg1: memref<10240x2xf32, #tpu.memory_space<vmem>>) attributes {dimension_semantics = [], scalar_prefetch = 0 : i64, scratch_operands = 0 : i64, tpu.core_type = #tpu.core_type<tc>} {
    %get3A = arith.constant 0 : index
    %get3A_0 = arith.constant 0 : index
    %get3A_1 = arith.constant 0 : index
    %get3A_2 = vector.load %arg0[%get3A, %get3A_0, %get3A_1] : memref<32x2x10240xf32, #tpu.memory_space<vmem>>, vector<32x2x10240xf32>
    %reduce_sum3A = arith.constant dense<0.000000e+00> : vector<2x10240xf32>
    %reduce_sum3A_3 = vector.multi_reduction <add>, %get3A_2, %reduce_sum3A [0] : vector<32x2x10240xf32> to vector<2x10240xf32>
    %iota3A = tpu.iota {dimensions = array<i32: 0>} : vector<2x2xi32>
    %iota3A_4 = tpu.iota {dimensions = array<i32: 1>} : vector<2x2xi32>
    %add3A = arith.constant 0 : i32
    %add3A_5 = vector.broadcast %add3A : i32 to vector<2x2xi32>
    %add3A_6 = arith.addi %iota3A, %add3A_5 : vector<2x2xi32>
    %eq3A = arith.cmpi eq, %add3A_6, %iota3A_4 : vector<2x2xi32>
    %convert_element_type3A = arith.extui %eq3A : vector<2x2xi1> to vector<2x2xi32>
    %convert_element_type3A_7 = arith.sitofp %convert_element_type3A : vector<2x2xi32> to vector<2x2xf32>
    %dot_general3A = arith.constant dense<0.000000e+00> : vector<10240x2xf32>
    %dot_general3A_8 = tpu.matmul %reduce_sum3A_3, %convert_element_type3A_7, %dot_general3A {dimension_numbers = #tpu.dot_dimension_numbers<[0], [0], [1], [1], [0, 1, 1, 1], [], []>, transpose_lhs_hint = false} : vector<2x10240xf32>, vector<2x2xf32>, vector<10240x2xf32> -> vector<10240x2xf32>
    %swap3A = arith.constant 0 : index
    %swap3A_9 = arith.constant 0 : index
    %swap3A_10 = vector.load %arg1[%swap3A, %swap3A_9] : memref<10240x2xf32, #tpu.memory_space<vmem>>, vector<10240x2xf32>
    tpu.vector_store %arg1[%swap3A, %swap3A_9], %dot_general3A_8 {strides = array<i32>} : memref<10240x2xf32, #tpu.memory_space<vmem>>, vector<10240x2xf32>,
    return
  }
}

module attributes {stable_mosaic.version = 14 : i64} {
  func.func @_pre_body(%arg0: i32, %arg1: memref<512x128xf32, #tpu.memory_space<vmem>>, %arg2: memref<128x128xf32, #tpu.memory_space<vmem>>, %arg3: memref<512x2xf32, #tpu.memory_space<vmem>>, %arg4: memref<2x512x128xf32, #tpu.memory_space<vmem>>) attributes {dimension_semantics = [#tpu.dimension_semantics<arbitrary>], iteration_bounds = array<i64: 20>, scalar_prefetch = 0 : i64, scratch_operands = 0 : i64, tpu.core_type = #tpu.core_type<tc>, window_params = [{transform_indices = @transform_0, window_bounds = array<i64: 512, 128>}, {pipeline_mode = #tpu.pipeline_mode<synchronous>, transform_indices = @transform_1, window_bounds = array<i64: 128, 128>}, {transform_indices = @transform_2, window_bounds = array<i64: 512, 2>}, {transform_indices = @transform_3, window_bounds = array<i64: 2, 512, 128>}]} {
    %get3A = arith.constant 0 : index
    %get3A_0 = arith.constant 0 : index
    %get3A_1 = vector.load %arg1[%get3A, %get3A_0] : memref<512x128xf32, #tpu.memory_space<vmem>>, vector<512x128xf32>
    %get3A_2 = arith.constant 0 : index
    %get3A_3 = arith.constant 0 : index
    %get3A_4 = vector.load %arg2[%get3A_2, %get3A_3] : memref<128x128xf32, #tpu.memory_space<vmem>>, vector<128x128xf32>
    %dot_general3A = arith.constant dense<0.000000e+00> : vector<512x128xf32>
    %dot_general3A_5 = tpu.matmul %get3A_1, %get3A_4, %dot_general3A {dimension_numbers = #tpu.dot_dimension_numbers<[1], [0], [0], [1], [0, 0, 1, 1], [], []>, transpose_lhs_hint = false} : vector<512x128xf32>, vector<128x128xf32>, vector<512x128xf32> -> vector<512x128xf32>
    %get3A_6 = arith.constant 0 : index
    %get3A_7 = arith.constant 0 : index
    %get3A_8 = vector.load %arg3[%get3A_6, %get3A_7] : memref<512x2xf32, #tpu.memory_space<vmem>>, vector<512x1xf32>
    %mul3A = vector.broadcast %get3A_8 : vector<512x1xf32> to vector<512x128xf32>
    %mul3A_9 = arith.mulf %dot_general3A_5, %mul3A : vector<512x128xf32>
    %swap3A = arith.constant 0 : index
    %swap3A_10 = arith.constant 0 : index
    %swap3A_11 = arith.constant 0 : index
    %swap3A_12 = vector.load %arg4[%swap3A, %swap3A_10, %swap3A_11] : memref<2x512x128xf32, #tpu.memory_space<vmem>>, vector<1x512x128xf32>
    %swap3A_13 = vector.shape_cast %swap3A_12 : vector<1x512x128xf32> to vector<512x128xf32>
    %swap3A_14 = vector.shape_cast %mul3A_9 : vector<512x128xf32> to vector<1x512x128xf32>
    tpu.vector_store %arg4[%swap3A, %swap3A_10, %swap3A_11], %swap3A_14 {strides = array<i32>} : memref<2x512x128xf32, #tpu.memory_space<vmem>>, vector<1x512x128xf32>,
    %swap3A_15 = arith.constant 1 : index
    %swap3A_16 = arith.constant 0 : index
    %swap3A_17 = arith.constant 0 : index
    %swap3A_18 = vector.load %arg4[%swap3A_15, %swap3A_16, %swap3A_17] : memref<2x512x128xf32, #tpu.memory_space<vmem>>, vector<1x512x128xf32>
    %swap3A_19 = vector.shape_cast %swap3A_18 : vector<1x512x128xf32> to vector<512x128xf32>
    %swap3A_20 = vector.shape_cast %mul3A_9 : vector<512x128xf32> to vector<1x512x128xf32>
    tpu.vector_store %arg4[%swap3A_15, %swap3A_16, %swap3A_17], %swap3A_20 {strides = array<i32>} : memref<2x512x128xf32, #tpu.memory_space<vmem>>, vector<1x512x128xf32>,
    return
  }
  func.func @transform_0(%arg0: i32) -> (i32, i32) {
    %c0_i32 = arith.constant 0 : i32
    %c0_i32_0 = arith.constant 0 : i32
    return %arg0, %c0_i32 : i32, i32
  }
  func.func @transform_1(%arg0: i32) -> (i32, i32) {
    %c0_i32 = arith.constant 0 : i32
    %c0_i32_0 = arith.constant 0 : i32
    %c0_i32_1 = arith.constant 0 : i32
    return %c0_i32, %c0_i32_0 : i32, i32
  }
  func.func @transform_2(%arg0: i32) -> (i32, i32) {
    %c0_i32 = arith.constant 0 : i32
    %c0_i32_0 = arith.constant 0 : i32
    return %arg0, %c0_i32 : i32, i32
  }
  func.func @transform_3(%arg0: i32) -> (i32, i32, i32) {
    %c0_i32 = arith.constant 0 : i32
    %c0_i32_0 = arith.constant 0 : i32
    %c0_i32_1 = arith.constant 0 : i32
    return %c0_i32, %arg0, %c0_i32_0 : i32, i32, i32
  }
}

module attributes {stable_mosaic.version = 14 : i64} {
  func.func @_cbnorm_body(%arg0: memref<1024x128xf32, #tpu.memory_space<vmem>>, %arg1: memref<1024x128xf32, #tpu.memory_space<vmem>>) attributes {dimension_semantics = [], scalar_prefetch = 0 : i64, scratch_operands = 0 : i64, tpu.core_type = #tpu.core_type<tc>} {
    %get3A = arith.constant 0 : index
    %get3A_0 = arith.constant 0 : index
    %get3A_1 = vector.load %arg0[%get3A, %get3A_0] : memref<1024x128xf32, #tpu.memory_space<vmem>>, vector<1024x128xf32>
    %mul3A = arith.mulf %get3A_1, %get3A_1 : vector<1024x128xf32>
    %reduce_sum3A = arith.constant dense<0.000000e+00> : vector<1024xf32>
    %reduce_sum3A_2 = vector.multi_reduction <add>, %mul3A, %reduce_sum3A [1] : vector<1024x128xf32> to vector<1024xf32>
    %broadcast_in_dim3A = vector.shape_cast %reduce_sum3A_2 : vector<1024xf32> to vector<1024x1xf32>
    %sqrt3A = math.sqrt %broadcast_in_dim3A : vector<1024x1xf32>
    %max3A = arith.constant 9.99999996E-13 : f32
    %max3A_3 = vector.broadcast %max3A : f32 to vector<1024x1xf32>
    %max3A_4 = arith.maximumf %sqrt3A, %max3A_3 : vector<1024x1xf32>
    %div3A = vector.broadcast %max3A_4 : vector<1024x1xf32> to vector<1024x128xf32>
    %div3A_5 = arith.divf %get3A_1, %div3A : vector<1024x128xf32>
    %swap3A = arith.constant 0 : index
    %swap3A_6 = arith.constant 0 : index
    %swap3A_7 = vector.load %arg1[%swap3A, %swap3A_6] : memref<1024x128xf32, #tpu.memory_space<vmem>>, vector<1024x128xf32>
    tpu.vector_store %arg1[%swap3A, %swap3A_6], %div3A_5 {strides = array<i32>} : memref<1024x128xf32, #tpu.memory_space<vmem>>, vector<1024x128xf32>,
    return
  }
}

module attributes {stable_mosaic.version = 14 : i64} {
  func.func @_main_body(%arg0: i32, %arg1: memref<2x512x128xf32, #tpu.memory_space<vmem>>, %arg2: memref<512x2xf32, #tpu.memory_space<vmem>>, %arg3: memref<1x128xf32, #tpu.memory_space<vmem>>, %arg4: memref<1024x128xf32, #tpu.memory_space<vmem>>, %arg5: memref<128x128xf32, #tpu.memory_space<vmem>>, %arg6: memref<1x128xf32, #tpu.memory_space<vmem>>, %arg7: memref<128x128xf32, #tpu.memory_space<vmem>>, %arg8: memref<1x128xf32, #tpu.memory_space<vmem>>, %arg9: memref<128x128xf32, #tpu.memory_space<vmem>>, %arg10: memref<512x1024xf32, #tpu.memory_space<vmem>>, %arg11: memref<512x1xi32, #tpu.memory_space<vmem>>, %arg12: memref<2x512x128xf32, #tpu.memory_space<vmem>>, %arg13: memref<128x128xf32, #tpu.memory_space<vmem>>, %arg14: memref<1x128xf32, #tpu.memory_space<vmem>>, %arg15: memref<1x1xf32, #tpu.memory_space<vmem>>, %arg16: memref<1x1xf32, #tpu.memory_space<vmem>>) attributes {dimension_semantics = [#tpu.dimension_semantics<arbitrary>], iteration_bounds = array<i64: 20>, scalar_prefetch = 0 : i64, scratch_operands = 0 : i64, tpu.core_type = #tpu.core_type<tc>, window_params = [{transform_indices = @transform_0, window_bounds = array<i64: 2, 512, 128>}, {transform_indices = @transform_1, window_bounds = array<i64: 512, 2>}, {pipeline_mode = #tpu.pipeline_mode<synchronous>, transform_indices = @transform_2, window_bounds = array<i64: 1, 128>}, {pipeline_mode = #tpu.pipeline_mode<synchronous>, transform_indices = @transform_3, window_bounds = array<i64: 1024, 128>}, {pipeline_mode = #tpu.pipeline_mode<synchronous>, transform_indices = @transform_4, window_bounds = array<i64: 128, 128>}, {pipeline_mode = #tpu.pipeline_mode<synchronous>, transform_indices = @transform_5, window_bounds = array<i64: 1, 128>}, {pipeline_mode = #tpu.pipeline_mode<synchronous>, transform_indices = @transform_6, window_bounds = array<i64: 128, 128>}, {pipeline_mode = #tpu.pipeline_mode<synchronous>, transform_indices = @transform_7, window_bounds = array<i64: 1, 128>}, {pipeline_mode = #tpu.pipeline_mode<synchronous>, transform_indices = @transform_8, window_bounds = array<i64: 128, 128>}, {transform_indices = @transform_9, window_bounds = array<i64: 512, 1024>}, {transform_indices = @transform_10, window_bounds = array<i64: 512, 1>}, {transform_indices = @transform_11, window_bounds = array<i64: 2, 512, 128>}, {pipeline_mode = #tpu.pipeline_mode<synchronous>, transform_indices = @transform_12, window_bounds = array<i64: 128, 128>}, {pipeline_mode = #tpu.pipeline_mode<synchronous>, transform_indices = @transform_13, window_bounds = array<i64: 1, 128>}, {pipeline_mode = #tpu.pipeline_mode<synchronous>, transform_indices = @transform_14, window_bounds = array<i64: 1, 1>}, {pipeline_mode = #tpu.pipeline_mode<synchronous>, transform_indices = @transform_15, window_bounds = array<i64: 1, 1>}]} {
    %get3A = arith.constant 0 : index
    %get3A_0 = arith.constant 0 : index
    %get3A_1 = arith.constant 0 : index
    %get3A_2 = vector.load %arg1[%get3A, %get3A_0, %get3A_1] : memref<2x512x128xf32, #tpu.memory_space<vmem>>, vector<1x512x128xf32>
    %get3A_3 = vector.shape_cast %get3A_2 : vector<1x512x128xf32> to vector<512x128xf32>
    %get3A_4 = arith.constant 0 : index
    %get3A_5 = arith.constant 1 : index
    %get3A_6 = vector.load %arg2[%get3A_4, %get3A_5] : memref<512x2xf32, #tpu.memory_space<vmem>>, vector<512x1xf32>
    %mul3A = vector.broadcast %get3A_6 : vector<512x1xf32> to vector<512x128xf32>
    %mul3A_7 = arith.mulf %get3A_3, %mul3A : vector<512x128xf32>
    %get3A_8 = arith.constant 0 : index
    %get3A_9 = arith.constant 0 : index
    %get3A_10 = vector.load %arg3[%get3A_8, %get3A_9] : memref<1x128xf32, #tpu.memory_space<vmem>>, vector<1x128xf32>
    %add3A = vector.broadcast %get3A_10 : vector<1x128xf32> to vector<512x128xf32>
    %add3A_11 = arith.addf %mul3A_7, %add3A : vector<512x128xf32>
    %max3A = arith.constant 0.000000e+00 : f32
    %max3A_12 = vector.broadcast %max3A : f32 to vector<512x128xf32>
    %max3A_13 = arith.maximumf %add3A_11, %max3A_12 : vector<512x128xf32>
    %mul3A_14 = arith.mulf %max3A_13, %max3A_13 : vector<512x128xf32>
    %reduce_sum3A = arith.constant dense<0.000000e+00> : vector<512xf32>
    %reduce_sum3A_15 = vector.multi_reduction <add>, %mul3A_14, %reduce_sum3A [1] : vector<512x128xf32> to vector<512xf32>
    %broadcast_in_dim3A = vector.shape_cast %reduce_sum3A_15 : vector<512xf32> to vector<512x1xf32>
    %sqrt3A = math.sqrt %broadcast_in_dim3A : vector<512x1xf32>
    %max3A_16 = arith.constant 9.99999996E-13 : f32
    %max3A_17 = vector.broadcast %max3A_16 : f32 to vector<512x1xf32>
    %max3A_18 = arith.maximumf %sqrt3A, %max3A_17 : vector<512x1xf32>
    %div3A = vector.broadcast %max3A_18 : vector<512x1xf32> to vector<512x128xf32>
    %div3A_19 = arith.divf %max3A_13, %div3A : vector<512x128xf32>
    %get3A_20 = arith.constant 0 : index
    %get3A_21 = arith.constant 0 : index
    %get3A_22 = vector.load %arg4[%get3A_20, %get3A_21] : memref<1024x128xf32, #tpu.memory_space<vmem>>, vector<1024x128xf32>
    %dot_general3A = arith.constant dense<0.000000e+00> : vector<512x1024xf32>
    %dot_general3A_23 = tpu.matmul %div3A_19, %get3A_22, %dot_general3A {dimension_numbers = #tpu.dot_dimension_numbers<[1], [1], [0], [0], [0, 0, 1, 0], [], []>, transpose_lhs_hint = false} : vector<512x128xf32>, vector<1024x128xf32>, vector<512x1024xf32> -> vector<512x1024xf32>
    %swap3A = arith.constant 0 : index
    %swap3A_24 = arith.constant 0 : index
    %swap3A_25 = vector.load %arg10[%swap3A, %swap3A_24] : memref<512x1024xf32, #tpu.memory_space<vmem>>, vector<512x1024xf32>
    tpu.vector_store %arg10[%swap3A, %swap3A_24], %dot_general3A_23 {strides = array<i32>} : memref<512x1024xf32, #tpu.memory_space<vmem>>, vector<512x1024xf32>,
    %reduce_max3A = arith.constant dense<0xFF800000> : vector<512xf32>
    %reduce_max3A_26 = vector.multi_reduction <maximumf>, %dot_general3A_23, %reduce_max3A [1] : vector<512x1024xf32> to vector<512xf32>
    %broadcast_in_dim3A_27 = vector.shape_cast %reduce_max3A_26 : vector<512xf32> to vector<512x1xf32>
    %iota3A = tpu.iota {dimensions = array<i32: 1>} : vector<512x1024xi32>
    %eq3A = vector.broadcast %broadcast_in_dim3A_27 : vector<512x1xf32> to vector<512x1024xf32>
    %eq3A_28 = arith.cmpf oeq, %dot_general3A_23, %eq3A : vector<512x1024xf32>
    %jit3A = arith.constant 1073741824 : i32
    %broadcast_in_dim3A_29 = vector.broadcast %jit3A : i32 to vector<512x1024xi32>
    %select_n3A = arith.select %eq3A_28, %iota3A, %broadcast_in_dim3A_29 : vector<512x1024xi1>, vector<512x1024xi32>
    %reduce_min3A = arith.constant dense<2147483647> : vector<512xi32>
    %reduce_min3A_30 = vector.multi_reduction <minsi>, %select_n3A, %reduce_min3A [1] : vector<512x1024xi32> to vector<512xi32>
    %broadcast_in_dim3A_31 = vector.shape_cast %reduce_min3A_30 : vector<512xi32> to vector<512x1xi32>
    %swap3A_32 = arith.constant 0 : index
    %swap3A_33 = arith.constant 0 : index
    %swap3A_34 = vector.load %arg11[%swap3A_32, %swap3A_33] : memref<512x1xi32, #tpu.memory_space<vmem>>, vector<512x1xi32>
    tpu.vector_store %arg11[%swap3A_32, %swap3A_33], %broadcast_in_dim3A_31 {strides = array<i32>} : memref<512x1xi32, #tpu.memory_space<vmem>>, vector<512x1xi32>,
    %eq3A_35 = vector.broadcast %broadcast_in_dim3A_31 : vector<512x1xi32> to vector<512x1024xi32>
    %eq3A_36 = arith.cmpi eq, %iota3A, %eq3A_35 : vector<512x1024xi32>
    %convert_element_type3A = arith.extui %eq3A_36 : vector<512x1024xi1> to vector<512x1024xi32>
    %convert_element_type3A_37 = arith.sitofp %convert_element_type3A : vector<512x1024xi32> to vector<512x1024xf32>
    %dot_general3A_38 = arith.constant dense<0.000000e+00> : vector<512x128xf32>
    %dot_general3A_39 = tpu.matmul %convert_element_type3A_37, %get3A_22, %dot_general3A_38 {dimension_numbers = #tpu.dot_dimension_numbers<[1], [0], [0], [1], [0, 0, 1, 1], [], []>, transpose_lhs_hint = false} : vector<512x1024xf32>, vector<1024x128xf32>, vector<512x128xf32> -> vector<512x128xf32>
    %sub3A = arith.subf %dot_general3A_39, %div3A_19 : vector<512x128xf32>
    %add3A_40 = arith.addf %div3A_19, %sub3A : vector<512x128xf32>
    %iota3A_41 = tpu.iota {dimensions = array<i32: 0>} : vector<512x1xi32>
    %mul3A_42 = arith.constant 512 : i32
    %mul3A_43 = arith.muli %arg0, %mul3A_42 : i32
    %add3A_44 = vector.broadcast %mul3A_43 : i32 to vector<512x1xi32>
    %add3A_45 = arith.addi %iota3A_41, %add3A_44 : vector<512x1xi32>
    %lt3A = arith.constant 10000 : i32
    %lt3A_46 = vector.broadcast %lt3A : i32 to vector<512x1xi32>
    %lt3A_47 = arith.cmpi slt, %add3A_45, %lt3A_46 : vector<512x1xi32>
    %convert_element_type3A_48 = arith.extui %lt3A_47 : vector<512x1xi1> to vector<512x1xi32>
    %convert_element_type3A_49 = arith.sitofp %convert_element_type3A_48 : vector<512x1xi32> to vector<512x1xf32>
    %sub3A_50 = arith.subf %dot_general3A_39, %div3A_19 : vector<512x128xf32>
    %mul3A_51 = vector.broadcast %convert_element_type3A_49 : vector<512x1xf32> to vector<512x128xf32>
    %mul3A_52 = arith.mulf %sub3A_50, %mul3A_51 : vector<512x128xf32>
    %mul3A_53 = arith.mulf %mul3A_52, %mul3A_52 : vector<512x128xf32>
    %reduce_sum3A_54 = vector.shape_cast %mul3A_53 : vector<512x128xf32> to vector<1x512x128xf32>
    %reduce_sum3A_55 = arith.constant dense<0.000000e+00> : vector<1xf32>
    %reduce_sum3A_56 = vector.multi_reduction <add>, %reduce_sum3A_54, %reduce_sum3A_55 [1, 2] : vector<1x512x128xf32> to vector<1xf32>
    %reduce_sum3A_57 = vector.shape_cast %reduce_sum3A_56 : vector<1xf32> to vector<1x1x1xf32>
    %reduce_sum3A_58 = vector.extract %reduce_sum3A_57[0, 0, 0] : f32 from vector<1x1x1xf32>
    %get3A_59 = arith.constant 0 : index
    %get3A_60 = arith.constant 0 : index
    %get3A_61 = vector.load %arg7[%get3A_59, %get3A_60] : memref<128x128xf32, #tpu.memory_space<vmem>>, vector<128x128xf32>
    %dot_general3A_62 = arith.constant dense<0.000000e+00> : vector<512x128xf32>
    %dot_general3A_63 = tpu.matmul %add3A_40, %get3A_61, %dot_general3A_62 {dimension_numbers = #tpu.dot_dimension_numbers<[1], [0], [0], [1], [0, 0, 1, 1], [], []>, transpose_lhs_hint = false} : vector<512x128xf32>, vector<128x128xf32>, vector<512x128xf32> -> vector<512x128xf32>
    %get3A_64 = arith.constant 0 : index
    %get3A_65 = arith.constant 0 : index
    %get3A_66 = vector.load %arg8[%get3A_64, %get3A_65] : memref<1x128xf32, #tpu.memory_space<vmem>>, vector<1x128xf32>
    %add3A_67 = vector.broadcast %get3A_66 : vector<1x128xf32> to vector<512x128xf32>
    %add3A_68 = arith.addf %dot_general3A_63, %add3A_67 : vector<512x128xf32>
    %sub3A_69 = arith.subf %max3A_13, %add3A_68 : vector<512x128xf32>
    %mul3A_70 = vector.broadcast %convert_element_type3A_49 : vector<512x1xf32> to vector<512x128xf32>
    %mul3A_71 = arith.mulf %sub3A_69, %mul3A_70 : vector<512x128xf32>
    %mul3A_72 = arith.mulf %mul3A_71, %mul3A_71 : vector<512x128xf32>
    %reduce_sum3A_73 = vector.shape_cast %mul3A_72 : vector<512x128xf32> to vector<1x512x128xf32>
    %reduce_sum3A_74 = arith.constant dense<0.000000e+00> : vector<1xf32>
    %reduce_sum3A_75 = vector.multi_reduction <add>, %reduce_sum3A_73, %reduce_sum3A_74 [1, 2] : vector<1x512x128xf32> to vector<1xf32>
    %reduce_sum3A_76 = vector.shape_cast %reduce_sum3A_75 : vector<1xf32> to vector<1x1x1xf32>
    %reduce_sum3A_77 = vector.extract %reduce_sum3A_76[0, 0, 0] : f32 from vector<1x1x1xf32>
    %get3A_78 = arith.constant 0 : index
    %get3A_79 = arith.constant 0 : index
    %get3A_80 = vector.load %arg5[%get3A_78, %get3A_79] : memref<128x128xf32, #tpu.memory_space<vmem>>, vector<128x128xf32>
    %dot_general3A_81 = arith.constant dense<0.000000e+00> : vector<512x128xf32>
    %dot_general3A_82 = tpu.matmul %add3A_40, %get3A_80, %dot_general3A_81 {dimension_numbers = #tpu.dot_dimension_numbers<[1], [0], [0], [1], [0, 0, 1, 1], [], []>, transpose_lhs_hint = false} : vector<512x128xf32>, vector<128x128xf32>, vector<512x128xf32> -> vector<512x128xf32>
    %get3A_83 = arith.constant 0 : index
    %get3A_84 = arith.constant 0 : index
    %get3A_85 = vector.load %arg6[%get3A_83, %get3A_84] : memref<1x128xf32, #tpu.memory_space<vmem>>, vector<1x128xf32>
    %add3A_86 = vector.broadcast %get3A_85 : vector<1x128xf32> to vector<512x128xf32>
    %add3A_87 = arith.addf %dot_general3A_82, %add3A_86 : vector<512x128xf32>
    %mul3A_88 = vector.broadcast %convert_element_type3A_49 : vector<512x1xf32> to vector<512x128xf32>
    %mul3A_89 = arith.mulf %add3A_87, %mul3A_88 : vector<512x128xf32>
    %swap3A_90 = arith.constant 1 : index
    %swap3A_91 = arith.constant 0 : index
    %swap3A_92 = arith.constant 0 : index
    %swap3A_93 = vector.load %arg12[%swap3A_90, %swap3A_91, %swap3A_92] : memref<2x512x128xf32, #tpu.memory_space<vmem>>, vector<1x512x128xf32>
    %swap3A_94 = vector.shape_cast %swap3A_93 : vector<1x512x128xf32> to vector<512x128xf32>
    %swap3A_95 = vector.shape_cast %mul3A_89 : vector<512x128xf32> to vector<1x512x128xf32>
    tpu.vector_store %arg12[%swap3A_90, %swap3A_91, %swap3A_92], %swap3A_95 {strides = array<i32>} : memref<2x512x128xf32, #tpu.memory_space<vmem>>, vector<1x512x128xf32>,
    %get3A_96 = arith.constant 0 : index
    %get3A_97 = arith.constant 0 : index
    %get3A_98 = vector.load %arg9[%get3A_96, %get3A_97] : memref<128x128xf32, #tpu.memory_space<vmem>>, vector<128x128xf32>
    %dot_general3A_99 = arith.constant dense<0.000000e+00> : vector<512x128xf32>
    %dot_general3A_100 = tpu.matmul %mul3A_89, %get3A_98, %dot_general3A_99 {dimension_numbers = #tpu.dot_dimension_numbers<[1], [0], [0], [1], [0, 0, 1, 1], [], []>, transpose_lhs_hint = false} : vector<512x128xf32>, vector<128x128xf32>, vector<512x128xf32> -> vector<512x128xf32>
    %get3A_101 = arith.constant 0 : index
    %get3A_102 = arith.constant 0 : index
    %get3A_103 = vector.load %arg2[%get3A_101, %get3A_102] : memref<512x2xf32, #tpu.memory_space<vmem>>, vector<512x1xf32>
    %mul3A_104 = vector.broadcast %get3A_103 : vector<512x1xf32> to vector<512x128xf32>
    %mul3A_105 = arith.mulf %dot_general3A_100, %mul3A_104 : vector<512x128xf32>
    %swap3A_106 = arith.constant 0 : index
    %swap3A_107 = arith.constant 0 : index
    %swap3A_108 = arith.constant 0 : index
    %swap3A_109 = vector.load %arg12[%swap3A_106, %swap3A_107, %swap3A_108] : memref<2x512x128xf32, #tpu.memory_space<vmem>>, vector<1x512x128xf32>
    %swap3A_110 = vector.shape_cast %swap3A_109 : vector<1x512x128xf32> to vector<512x128xf32>
    %swap3A_111 = vector.shape_cast %mul3A_105 : vector<512x128xf32> to vector<1x512x128xf32>
    tpu.vector_store %arg12[%swap3A_106, %swap3A_107, %swap3A_108], %swap3A_111 {strides = array<i32>} : memref<2x512x128xf32, #tpu.memory_space<vmem>>, vector<1x512x128xf32>,
    %dot_general3A_112 = arith.constant dense<0.000000e+00> : vector<128x128xf32>
    %dot_general3A_113 = tpu.matmul %mul3A_89, %mul3A_89, %dot_general3A_112 {dimension_numbers = #tpu.dot_dimension_numbers<[0], [0], [1], [1], [0, 1, 1, 1], [], []>, transpose_lhs_hint = false} : vector<512x128xf32>, vector<512x128xf32>, vector<128x128xf32> -> vector<128x128xf32>
    %reduce_sum3A_114 = arith.constant dense<0.000000e+00> : vector<128xf32>
    %reduce_sum3A_115 = vector.multi_reduction <add>, %mul3A_89, %reduce_sum3A_114 [0] : vector<512x128xf32> to vector<128xf32>
    %broadcast_in_dim3A_116 = vector.shape_cast %reduce_sum3A_115 : vector<128xf32> to vector<1x128xf32>
    %reshape3A = vector.broadcast %reduce_sum3A_58 : f32 to vector<1x1xf32>
    %reshape3A_117 = vector.broadcast %reduce_sum3A_77 : f32 to vector<1x1xf32>
    %eq3A_118 = arith.constant 0 : i32
    %eq3A_119 = arith.cmpi eq, %arg0, %eq3A_118 : i32
    %convert_element_type3A_120 = arith.extui %eq3A_119 : i1 to i32
    %cond3A = arith.constant 0 : i32
    %cond3A_121 = arith.cmpi ne, %convert_element_type3A_120, %cond3A : i32
    scf.if %cond3A_121 {
      %swap3A_126 = arith.constant 0 : index
      %swap3A_127 = arith.constant 0 : index
      %swap3A_128 = vector.load %arg13[%swap3A_126, %swap3A_127] : memref<128x128xf32, #tpu.memory_space<vmem>>, vector<128x128xf32>
      tpu.vector_store %arg13[%swap3A_126, %swap3A_127], %dot_general3A_113 {strides = array<i32>} : memref<128x128xf32, #tpu.memory_space<vmem>>, vector<128x128xf32>,
      %swap3A_129 = arith.constant 0 : index
      %swap3A_130 = arith.constant 0 : index
      %swap3A_131 = vector.load %arg14[%swap3A_129, %swap3A_130] : memref<1x128xf32, #tpu.memory_space<vmem>>, vector<1x128xf32>
      tpu.vector_store %arg14[%swap3A_129, %swap3A_130], %broadcast_in_dim3A_116 {strides = array<i32>} : memref<1x128xf32, #tpu.memory_space<vmem>>, vector<1x128xf32>,
      %swap3A_132 = arith.constant 0 : index
      %swap3A_133 = arith.constant 0 : index
      %swap3A_134 = vector.load %arg15[%swap3A_132, %swap3A_133] : memref<1x1xf32, #tpu.memory_space<vmem>>, vector<1x1xf32>
      tpu.vector_store %arg15[%swap3A_132, %swap3A_133], %reshape3A {strides = array<i32>} : memref<1x1xf32, #tpu.memory_space<vmem>>, vector<1x1xf32>,
      %swap3A_135 = arith.constant 0 : index
      %swap3A_136 = arith.constant 0 : index
      %swap3A_137 = vector.load %arg16[%swap3A_135, %swap3A_136] : memref<1x1xf32, #tpu.memory_space<vmem>>, vector<1x1xf32>
      tpu.vector_store %arg16[%swap3A_135, %swap3A_136], %reshape3A_117 {strides = array<i32>} : memref<1x1xf32, #tpu.memory_space<vmem>>, vector<1x1xf32>,
    } else {
    }
    %gt3A = arith.constant 0 : i32
    %gt3A_122 = arith.cmpi sgt, %arg0, %gt3A : i32
    %convert_element_type3A_123 = arith.extui %gt3A_122 : i1 to i32
    %cond3A_124 = arith.constant 0 : i32
    %cond3A_125 = arith.cmpi ne, %convert_element_type3A_123, %cond3A_124 : i32
    scf.if %cond3A_125 {
      %get3A_126 = arith.constant 0 : index
      %get3A_127 = arith.constant 0 : index
      %get3A_128 = vector.load %arg13[%get3A_126, %get3A_127] : memref<128x128xf32, #tpu.memory_space<vmem>>, vector<128x128xf32>
      %add3A_129 = arith.addf %get3A_128, %dot_general3A_113 : vector<128x128xf32>
      %swap3A_130 = arith.constant 0 : index
      %swap3A_131 = arith.constant 0 : index
      %swap3A_132 = vector.load %arg13[%swap3A_130, %swap3A_131] : memref<128x128xf32, #tpu.memory_space<vmem>>, vector<128x128xf32>
      tpu.vector_store %arg13[%swap3A_130, %swap3A_131], %add3A_129 {strides = array<i32>} : memref<128x128xf32, #tpu.memory_space<vmem>>, vector<128x128xf32>,
      %get3A_133 = arith.constant 0 : index
      %get3A_134 = arith.constant 0 : index
      %get3A_135 = vector.load %arg14[%get3A_133, %get3A_134] : memref<1x128xf32, #tpu.memory_space<vmem>>, vector<1x128xf32>
      %add3A_136 = arith.addf %get3A_135, %broadcast_in_dim3A_116 : vector<1x128xf32>
      %swap3A_137 = arith.constant 0 : index
      %swap3A_138 = arith.constant 0 : index
      %swap3A_139 = vector.load %arg14[%swap3A_137, %swap3A_138] : memref<1x128xf32, #tpu.memory_space<vmem>>, vector<1x128xf32>
      tpu.vector_store %arg14[%swap3A_137, %swap3A_138], %add3A_136 {strides = array<i32>} : memref<1x128xf32, #tpu.memory_space<vmem>>, vector<1x128xf32>,
      %get3A_140 = arith.constant 0 : index
      %get3A_141 = arith.constant 0 : index
      %get3A_142 = vector.load %arg15[%get3A_140, %get3A_141] : memref<1x1xf32, #tpu.memory_space<vmem>>, vector<1x1xf32>
      %add3A_143 = arith.addf %get3A_142, %reshape3A : vector<1x1xf32>
      %swap3A_144 = arith.constant 0 : index
      %swap3A_145 = arith.constant 0 : index
      %swap3A_146 = vector.load %arg15[%swap3A_144, %swap3A_145] : memref<1x1xf32, #tpu.memory_space<vmem>>, vector<1x1xf32>
      tpu.vector_store %arg15[%swap3A_144, %swap3A_145], %add3A_143 {strides = array<i32>} : memref<1x1xf32, #tpu.memory_space<vmem>>, vector<1x1xf32>,
      %get3A_147 = arith.constant 0 : index
      %get3A_148 = arith.constant 0 : index
      %get3A_149 = vector.load %arg16[%get3A_147, %get3A_148] : memref<1x1xf32, #tpu.memory_space<vmem>>, vector<1x1xf32>
      %add3A_150 = arith.addf %get3A_149, %reshape3A_117 : vector<1x1xf32>
      %swap3A_151 = arith.constant 0 : index
      %swap3A_152 = arith.constant 0 : index
      %swap3A_153 = vector.load %arg16[%swap3A_151, %swap3A_152] : memref<1x1xf32, #tpu.memory_space<vmem>>, vector<1x1xf32>
      tpu.vector_store %arg16[%swap3A_151, %swap3A_152], %add3A_150 {strides = array<i32>} : memref<1x1xf32, #tpu.memory_space<vmem>>, vector<1x1xf32>,
    } else {
    }
    return
  }
  func.func @transform_0(%arg0: i32) -> (i32, i32, i32) {
    %c0_i32 = arith.constant 0 : i32
    %c0_i32_0 = arith.constant 0 : i32
    %c0_i32_1 = arith.constant 0 : i32
    return %c0_i32, %arg0, %c0_i32_0 : i32, i32, i32
  }
  func.func @transform_1(%arg0: i32) -> (i32, i32) {
    %c0_i32 = arith.constant 0 : i32
    %c0_i32_0 = arith.constant 0 : i32
    return %arg0, %c0_i32 : i32, i32
  }
  func.func @transform_2(%arg0: i32) -> (i32, i32) {
    %c0_i32 = arith.constant 0 : i32
    %c0_i32_0 = arith.constant 0 : i32
    %c0_i32_1 = arith.constant 0 : i32
    return %c0_i32, %c0_i32_0 : i32, i32
  }
  func.func @transform_3(%arg0: i32) -> (i32, i32) {
    %c0_i32 = arith.constant 0 : i32
    %c0_i32_0 = arith.constant 0 : i32
    %c0_i32_1 = arith.constant 0 : i32
    return %c0_i32, %c0_i32_0 : i32, i32
  }
  func.func @transform_4(%arg0: i32) -> (i32, i32) {
    %c0_i32 = arith.constant 0 : i32
    %c0_i32_0 = arith.constant 0 : i32
    %c0_i32_1 = arith.constant 0 : i32
    return %c0_i32, %c0_i32_0 : i32, i32
  }
  func.func @transform_5(%arg0: i32) -> (i32, i32) {
    %c0_i32 = arith.constant 0 : i32
    %c0_i32_0 = arith.constant 0 : i32
    %c0_i32_1 = arith.constant 0 : i32
    return %c0_i32, %c0_i32_0 : i32, i32
  }
  func.func @transform_6(%arg0: i32) -> (i32, i32) {
    %c0_i32 = arith.constant 0 : i32
    %c0_i32_0 = arith.constant 0 : i32
    %c0_i32_1 = arith.constant 0 : i32
    return %c0_i32, %c0_i32_0 : i32, i32
  }
  func.func @transform_7(%arg0: i32) -> (i32, i32) {
    %c0_i32 = arith.constant 0 : i32
    %c0_i32_0 = arith.constant 0 : i32
    %c0_i32_1 = arith.constant 0 : i32
    return %c0_i32, %c0_i32_0 : i32, i32
  }
  func.func @transform_8(%arg0: i32) -> (i32, i32) {
    %c0_i32 = arith.constant 0 : i32
    %c0_i32_0 = arith.constant 0 : i32
    %c0_i32_1 = arith.constant 0 : i32
    return %c0_i32, %c0_i32_0 : i32, i32
  }
  func.func @transform_9(%arg0: i32) -> (i32, i32) {
    %c0_i32 = arith.constant 0 : i32
    %c0_i32_0 = arith.constant 0 : i32
    return %arg0, %c0_i32 : i32, i32
  }
  func.func @transform_10(%arg0: i32) -> (i32, i32) {
    %c0_i32 = arith.constant 0 : i32
    %c0_i32_0 = arith.constant 0 : i32
    return %arg0, %c0_i32 : i32, i32
  }
  func.func @transform_11(%arg0: i32) -> (i32, i32, i32) {
    %c0_i32 = arith.constant 0 : i32
    %c0_i32_0 = arith.constant 0 : i32
    %c0_i32_1 = arith.constant 0 : i32
    return %c0_i32, %arg0, %c0_i32_0 : i32, i32, i32
  }
  func.func @transform_12(%arg0: i32) -> (i32, i32) {
    %c0_i32 = arith.constant 0 : i32
    %c0_i32_0 = arith.constant 0 : i32
    %c0_i32_1 = arith.constant 0 : i32
    return %c0_i32, %c0_i32_0 : i32, i32
  }
  func.func @transform_13(%arg0: i32) -> (i32, i32) {
    %c0_i32 = arith.constant 0 : i32
    %c0_i32_0 = arith.constant 0 : i32
    %c0_i32_1 = arith.constant 0 : i32
    return %c0_i32, %c0_i32_0 : i32, i32
  }
  func.func @transform_14(%arg0: i32) -> (i32, i32) {
    %c0_i32 = arith.constant 0 : i32
    %c0_i32_0 = arith.constant 0 : i32
    %c0_i32_1 = arith.constant 0 : i32
    return %c0_i32, %c0_i32_0 : i32, i32
  }
  func.func @transform_15(%arg0: i32) -> (i32, i32) {
    %c0_i32 = arith.constant 0 : i32
    %c0_i32_0 = arith.constant 0 : i32
    %c0_i32_1 = arith.constant 0 : i32
    return %c0_i32, %c0_i32_0 : i32, i32
  }
}

module attributes {stable_mosaic.version = 14 : i64} {
  func.func @_minmax_body(%arg0: i32, %arg1: i32, %arg2: memref<1x512x128xf32, #tpu.memory_space<vmem>>, %arg3: memref<1x512x128xf32, #tpu.memory_space<vmem>>, %arg4: memref<1x1xf32, #tpu.memory_space<vmem>>, %arg5: memref<1x1xf32, #tpu.memory_space<vmem>>) attributes {dimension_semantics = [#tpu.dimension_semantics<arbitrary>, #tpu.dimension_semantics<arbitrary>], iteration_bounds = array<i64: 20, 20>, scalar_prefetch = 0 : i64, scratch_operands = 0 : i64, tpu.core_type = #tpu.core_type<tc>, window_params = [{transform_indices = @transform_0, window_bounds = array<i64: 1, 512, 128>}, {transform_indices = @transform_1, window_bounds = array<i64: 1, 512, 128>}, {pipeline_mode = #tpu.pipeline_mode<synchronous>, transform_indices = @transform_2, window_bounds = array<i64: 1, 1>}, {pipeline_mode = #tpu.pipeline_mode<synchronous>, transform_indices = @transform_3, window_bounds = array<i64: 1, 1>}]} {
    %le3A = arith.cmpi sle, %arg1, %arg0 : i32
    %convert_element_type3A = arith.extui %le3A : i1 to i32
    %cond3A = arith.constant 0 : i32
    %cond3A_0 = arith.cmpi ne, %convert_element_type3A, %cond3A : i32
    scf.if %cond3A_0 {
      %get3A = arith.constant 0 : index
      %get3A_1 = arith.constant 0 : index
      %get3A_2 = arith.constant 0 : index
      %get3A_3 = vector.load %arg2[%get3A, %get3A_1, %get3A_2] : memref<1x512x128xf32, #tpu.memory_space<vmem>>, vector<1x512x128xf32>
      %get3A_4 = vector.shape_cast %get3A_3 : vector<1x512x128xf32> to vector<512x128xf32>
      %get3A_5 = arith.constant 0 : index
      %get3A_6 = arith.constant 0 : index
      %get3A_7 = arith.constant 0 : index
      %get3A_8 = vector.load %arg3[%get3A_5, %get3A_6, %get3A_7] : memref<1x512x128xf32, #tpu.memory_space<vmem>>, vector<1x512x128xf32>
      %get3A_9 = vector.shape_cast %get3A_8 : vector<1x512x128xf32> to vector<512x128xf32>
      %dot_general3A = arith.constant dense<0.000000e+00> : vector<512x512xf32>
      %dot_general3A_10 = tpu.matmul %get3A_4, %get3A_9, %dot_general3A {dimension_numbers = #tpu.dot_dimension_numbers<[1], [1], [0], [0], [0, 0, 1, 0], [], []>, transpose_lhs_hint = false} : vector<512x128xf32>, vector<512x128xf32>, vector<512x512xf32> -> vector<512x512xf32>
      %iota3A = tpu.iota {dimensions = array<i32: 0>} : vector<512x512xi32>
      %mul3A = arith.constant 512 : i32
      %mul3A_11 = arith.muli %arg0, %mul3A : i32
      %add3A = vector.broadcast %mul3A_11 : i32 to vector<512x512xi32>
      %add3A_12 = arith.addi %iota3A, %add3A : vector<512x512xi32>
      %iota3A_13 = tpu.iota {dimensions = array<i32: 1>} : vector<512x512xi32>
      %mul3A_14 = arith.constant 512 : i32
      %mul3A_15 = arith.muli %arg1, %mul3A_14 : i32
      %add3A_16 = vector.broadcast %mul3A_15 : i32 to vector<512x512xi32>
      %add3A_17 = arith.addi %iota3A_13, %add3A_16 : vector<512x512xi32>
      %lt3A = arith.constant 10000 : i32
      %lt3A_18 = vector.broadcast %lt3A : i32 to vector<512x512xi32>
      %lt3A_19 = arith.cmpi slt, %add3A_12, %lt3A_18 : vector<512x512xi32>
      %lt3A_20 = arith.constant 10000 : i32
      %lt3A_21 = vector.broadcast %lt3A_20 : i32 to vector<512x512xi32>
      %lt3A_22 = arith.cmpi slt, %add3A_17, %lt3A_21 : vector<512x512xi32>
      %and3A = arith.andi %lt3A_19, %lt3A_22 : vector<512x512xi1>
      %jit3A = arith.constant 0xFF800000 : f32
      %broadcast_in_dim3A = vector.broadcast %jit3A : f32 to vector<512x512xf32>
      %select_n3A = arith.select %and3A, %dot_general3A_10, %broadcast_in_dim3A : vector<512x512xi1>, vector<512x512xf32>
      %reduce_max3A = vector.shape_cast %select_n3A : vector<512x512xf32> to vector<1x512x512xf32>
      %reduce_max3A_23 = arith.constant dense<0xFF800000> : vector<1xf32>
      %reduce_max3A_24 = vector.multi_reduction <maximumf>, %reduce_max3A, %reduce_max3A_23 [1, 2] : vector<1x512x512xf32> to vector<1xf32>
      %reduce_max3A_25 = vector.shape_cast %reduce_max3A_24 : vector<1xf32> to vector<1x1x1xf32>
      %reduce_max3A_26 = vector.extract %reduce_max3A_25[0, 0, 0] : f32 from vector<1x1x1xf32>
      %reshape3A = vector.broadcast %reduce_max3A_26 : f32 to vector<1x1xf32>
      %jit3A_27 = arith.constant 0x7F800000 : f32
      %broadcast_in_dim3A_28 = vector.broadcast %jit3A_27 : f32 to vector<512x512xf32>
      %select_n3A_29 = arith.select %and3A, %dot_general3A_10, %broadcast_in_dim3A_28 : vector<512x512xi1>, vector<512x512xf32>
      %reduce_min3A = vector.shape_cast %select_n3A_29 : vector<512x512xf32> to vector<1x512x512xf32>
      %reduce_min3A_30 = arith.constant dense<0x7F800000> : vector<1xf32>
      %reduce_min3A_31 = vector.multi_reduction <minimumf>, %reduce_min3A, %reduce_min3A_30 [1, 2] : vector<1x512x512xf32> to vector<1xf32>
      %reduce_min3A_32 = vector.shape_cast %reduce_min3A_31 : vector<1xf32> to vector<1x1x1xf32>
      %reduce_min3A_33 = vector.extract %reduce_min3A_32[0, 0, 0] : f32 from vector<1x1x1xf32>
      %reshape3A_34 = vector.broadcast %reduce_min3A_33 : f32 to vector<1x1xf32>
      %eq3A = arith.constant 0 : i32
      %eq3A_35 = arith.cmpi eq, %arg0, %eq3A : i32
      %eq3A_36 = arith.constant 0 : i32
      %eq3A_37 = arith.cmpi eq, %arg1, %eq3A_36 : i32
      %and3A_38 = arith.andi %eq3A_35, %eq3A_37 : i1
      %convert_element_type3A_39 = arith.extui %and3A_38 : i1 to i32
      %cond3A_40 = arith.constant 0 : i32
      %cond3A_41 = arith.cmpi ne, %convert_element_type3A_39, %cond3A_40 : i32
      scf.if %cond3A_41 {
        %swap3A = arith.constant 0 : index
        %swap3A_46 = arith.constant 0 : index
        %swap3A_47 = vector.load %arg4[%swap3A, %swap3A_46] : memref<1x1xf32, #tpu.memory_space<vmem>>, vector<1x1xf32>
        tpu.vector_store %arg4[%swap3A, %swap3A_46], %reshape3A_34 {strides = array<i32>} : memref<1x1xf32, #tpu.memory_space<vmem>>, vector<1x1xf32>,
        %swap3A_48 = arith.constant 0 : index
        %swap3A_49 = arith.constant 0 : index
        %swap3A_50 = vector.load %arg5[%swap3A_48, %swap3A_49] : memref<1x1xf32, #tpu.memory_space<vmem>>, vector<1x1xf32>
        tpu.vector_store %arg5[%swap3A_48, %swap3A_49], %reshape3A {strides = array<i32>} : memref<1x1xf32, #tpu.memory_space<vmem>>, vector<1x1xf32>,
      } else {
      }
      %gt3A = arith.constant 0 : i32
      %gt3A_42 = arith.cmpi sgt, %arg0, %gt3A : i32
      %convert_element_type3A_43 = arith.extui %gt3A_42 : i1 to i32
      %cond3A_44 = arith.constant 0 : i32
      %cond3A_45 = arith.cmpi ne, %convert_element_type3A_43, %cond3A_44 : i32
      scf.if %cond3A_45 {
        %get3A_46 = arith.constant 0 : index
        %get3A_47 = arith.constant 0 : index
        %get3A_48 = vector.load %arg4[%get3A_46, %get3A_47] : memref<1x1xf32, #tpu.memory_space<vmem>>, vector<1x1xf32>
        %min3A = arith.minimumf %get3A_48, %reshape3A_34 : vector<1x1xf32>
        %swap3A = arith.constant 0 : index
        %swap3A_49 = arith.constant 0 : index
        %swap3A_50 = vector.load %arg4[%swap3A, %swap3A_49] : memref<1x1xf32, #tpu.memory_space<vmem>>, vector<1x1xf32>
        tpu.vector_store %arg4[%swap3A, %swap3A_49], %min3A {strides = array<i32>} : memref<1x1xf32, #tpu.memory_space<vmem>>, vector<1x1xf32>,
        %get3A_51 = arith.constant 0 : index
        %get3A_52 = arith.constant 0 : index
        %get3A_53 = vector.load %arg5[%get3A_51, %get3A_52] : memref<1x1xf32, #tpu.memory_space<vmem>>, vector<1x1xf32>
        %max3A = arith.maximumf %get3A_53, %reshape3A : vector<1x1xf32>
        %swap3A_54 = arith.constant 0 : index
        %swap3A_55 = arith.constant 0 : index
        %swap3A_56 = vector.load %arg5[%swap3A_54, %swap3A_55] : memref<1x1xf32, #tpu.memory_space<vmem>>, vector<1x1xf32>
        tpu.vector_store %arg5[%swap3A_54, %swap3A_55], %max3A {strides = array<i32>} : memref<1x1xf32, #tpu.memory_space<vmem>>, vector<1x1xf32>,
      } else {
      }
    } else {
    }
    return
  }
  func.func @transform_0(%arg0: i32, %arg1: i32) -> (i32, i32, i32) {
    %c1_i32 = arith.constant 1 : i32
    %c0_i32 = arith.constant 0 : i32
    %c0_i32_0 = arith.constant 0 : i32
    return %c1_i32, %arg0, %c0_i32 : i32, i32, i32
  }
  func.func @transform_1(%arg0: i32, %arg1: i32) -> (i32, i32, i32) {
    %c1_i32 = arith.constant 1 : i32
    %c0_i32 = arith.constant 0 : i32
    %c0_i32_0 = arith.constant 0 : i32
    return %c1_i32, %arg1, %c0_i32 : i32, i32, i32
  }
  func.func @transform_2(%arg0: i32, %arg1: i32) -> (i32, i32) {
    %c0_i32 = arith.constant 0 : i32
    %c0_i32_0 = arith.constant 0 : i32
    %c0_i32_1 = arith.constant 0 : i32
    return %c0_i32, %c0_i32_0 : i32, i32
  }
  func.func @transform_3(%arg0: i32, %arg1: i32) -> (i32, i32) {
    %c0_i32 = arith.constant 0 : i32
    %c0_i32_0 = arith.constant 0 : i32
    %c0_i32_1 = arith.constant 0 : i32
    return %c0_i32, %c0_i32_0 : i32, i32
  }
}

module attributes {stable_mosaic.version = 14 : i64} {
  func.func @_final_body(%arg0: i32, %arg1: memref<2x512x128xf32, #tpu.memory_space<vmem>>, %arg2: memref<1x512x128xf32, #tpu.memory_space<vmem>>, %arg3: memref<512x2xf32, #tpu.memory_space<vmem>>, %arg4: memref<1x128xf32, #tpu.memory_space<vmem>>, %arg5: memref<128x64xf32, #tpu.memory_space<vmem>>, %arg6: memref<1x64xf32, #tpu.memory_space<vmem>>, %arg7: memref<512x64xf32, #tpu.memory_space<vmem>>, %arg8: memref<1x1xf32, #tpu.memory_space<vmem>>) attributes {dimension_semantics = [#tpu.dimension_semantics<arbitrary>], iteration_bounds = array<i64: 20>, scalar_prefetch = 0 : i64, scratch_operands = 0 : i64, tpu.core_type = #tpu.core_type<tc>, window_params = [{transform_indices = @transform_0, window_bounds = array<i64: 2, 512, 128>}, {transform_indices = @transform_1, window_bounds = array<i64: 1, 512, 128>}, {transform_indices = @transform_2, window_bounds = array<i64: 512, 2>}, {pipeline_mode = #tpu.pipeline_mode<synchronous>, transform_indices = @transform_3, window_bounds = array<i64: 1, 128>}, {pipeline_mode = #tpu.pipeline_mode<synchronous>, transform_indices = @transform_4, window_bounds = array<i64: 128, 64>}, {pipeline_mode = #tpu.pipeline_mode<synchronous>, transform_indices = @transform_5, window_bounds = array<i64: 1, 64>}, {transform_indices = @transform_6, window_bounds = array<i64: 512, 64>}, {pipeline_mode = #tpu.pipeline_mode<synchronous>, transform_indices = @transform_7, window_bounds = array<i64: 1, 1>}]} {
    %get3A = arith.constant 0 : index
    %get3A_0 = arith.constant 0 : index
    %get3A_1 = arith.constant 0 : index
    %get3A_2 = vector.load %arg1[%get3A, %get3A_0, %get3A_1] : memref<2x512x128xf32, #tpu.memory_space<vmem>>, vector<1x512x128xf32>
    %get3A_3 = vector.shape_cast %get3A_2 : vector<1x512x128xf32> to vector<512x128xf32>
    %get3A_4 = arith.constant 0 : index
    %get3A_5 = arith.constant 1 : index
    %get3A_6 = vector.load %arg3[%get3A_4, %get3A_5] : memref<512x2xf32, #tpu.memory_space<vmem>>, vector<512x1xf32>
    %mul3A = vector.broadcast %get3A_6 : vector<512x1xf32> to vector<512x128xf32>
    %mul3A_7 = arith.mulf %get3A_3, %mul3A : vector<512x128xf32>
    %get3A_8 = arith.constant 0 : index
    %get3A_9 = arith.constant 0 : index
    %get3A_10 = vector.load %arg4[%get3A_8, %get3A_9] : memref<1x128xf32, #tpu.memory_space<vmem>>, vector<1x128xf32>
    %add3A = vector.broadcast %get3A_10 : vector<1x128xf32> to vector<512x128xf32>
    %add3A_11 = arith.addf %mul3A_7, %add3A : vector<512x128xf32>
    %max3A = arith.constant 0.000000e+00 : f32
    %max3A_12 = vector.broadcast %max3A : f32 to vector<512x128xf32>
    %max3A_13 = arith.maximumf %add3A_11, %max3A_12 : vector<512x128xf32>
    %get3A_14 = arith.constant 0 : index
    %get3A_15 = arith.constant 0 : index
    %get3A_16 = vector.load %arg5[%get3A_14, %get3A_15] : memref<128x64xf32, #tpu.memory_space<vmem>>, vector<128x64xf32>
    %dot_general3A = arith.constant dense<0.000000e+00> : vector<512x64xf32>
    %dot_general3A_17 = tpu.matmul %max3A_13, %get3A_16, %dot_general3A {dimension_numbers = #tpu.dot_dimension_numbers<[1], [0], [0], [1], [0, 0, 1, 1], [], []>, transpose_lhs_hint = false} : vector<512x128xf32>, vector<128x64xf32>, vector<512x64xf32> -> vector<512x64xf32>
    %get3A_18 = arith.constant 0 : index
    %get3A_19 = arith.constant 0 : index
    %get3A_20 = vector.load %arg6[%get3A_18, %get3A_19] : memref<1x64xf32, #tpu.memory_space<vmem>>, vector<1x64xf32>
    %add3A_21 = vector.broadcast %get3A_20 : vector<1x64xf32> to vector<512x64xf32>
    %add3A_22 = arith.addf %dot_general3A_17, %add3A_21 : vector<512x64xf32>
    %swap3A = arith.constant 0 : index
    %swap3A_23 = arith.constant 0 : index
    %swap3A_24 = vector.load %arg7[%swap3A, %swap3A_23] : memref<512x64xf32, #tpu.memory_space<vmem>>, vector<512x64xf32>
    tpu.vector_store %arg7[%swap3A, %swap3A_23], %add3A_22 {strides = array<i32>} : memref<512x64xf32, #tpu.memory_space<vmem>>, vector<512x64xf32>,
    %get3A_25 = arith.constant 1 : index
    %get3A_26 = arith.constant 0 : index
    %get3A_27 = arith.constant 0 : index
    %get3A_28 = vector.load %arg1[%get3A_25, %get3A_26, %get3A_27] : memref<2x512x128xf32, #tpu.memory_space<vmem>>, vector<1x512x128xf32>
    %get3A_29 = vector.shape_cast %get3A_28 : vector<1x512x128xf32> to vector<512x128xf32>
    %get3A_30 = arith.constant 0 : index
    %get3A_31 = arith.constant 0 : index
    %get3A_32 = arith.constant 0 : index
    %get3A_33 = vector.load %arg2[%get3A_30, %get3A_31, %get3A_32] : memref<1x512x128xf32, #tpu.memory_space<vmem>>, vector<1x512x128xf32>
    %get3A_34 = vector.shape_cast %get3A_33 : vector<1x512x128xf32> to vector<512x128xf32>
    %mul3A_35 = arith.mulf %get3A_29, %get3A_34 : vector<512x128xf32>
    %reduce_sum3A = vector.shape_cast %mul3A_35 : vector<512x128xf32> to vector<1x512x128xf32>
    %reduce_sum3A_36 = arith.constant dense<0.000000e+00> : vector<1xf32>
    %reduce_sum3A_37 = vector.multi_reduction <add>, %reduce_sum3A, %reduce_sum3A_36 [1, 2] : vector<1x512x128xf32> to vector<1xf32>
    %reduce_sum3A_38 = vector.shape_cast %reduce_sum3A_37 : vector<1xf32> to vector<1x1x1xf32>
    %reduce_sum3A_39 = vector.extract %reduce_sum3A_38[0, 0, 0] : f32 from vector<1x1x1xf32>
    %reshape3A = vector.broadcast %reduce_sum3A_39 : f32 to vector<1x1xf32>
    %eq3A = arith.constant 0 : i32
    %eq3A_40 = arith.cmpi eq, %arg0, %eq3A : i32
    %convert_element_type3A = arith.extui %eq3A_40 : i1 to i32
    %cond3A = arith.constant 0 : i32
    %cond3A_41 = arith.cmpi ne, %convert_element_type3A, %cond3A : i32
    scf.if %cond3A_41 {
      %swap3A_46 = arith.constant 0 : index
      %swap3A_47 = arith.constant 0 : index
      %swap3A_48 = vector.load %arg8[%swap3A_46, %swap3A_47] : memref<1x1xf32, #tpu.memory_space<vmem>>, vector<1x1xf32>
      tpu.vector_store %arg8[%swap3A_46, %swap3A_47], %reshape3A {strides = array<i32>} : memref<1x1xf32, #tpu.memory_space<vmem>>, vector<1x1xf32>,
    } else {
    }
    %gt3A = arith.constant 0 : i32
    %gt3A_42 = arith.cmpi sgt, %arg0, %gt3A : i32
    %convert_element_type3A_43 = arith.extui %gt3A_42 : i1 to i32
    %cond3A_44 = arith.constant 0 : i32
    %cond3A_45 = arith.cmpi ne, %convert_element_type3A_43, %cond3A_44 : i32
    scf.if %cond3A_45 {
      %get3A_46 = arith.constant 0 : index
      %get3A_47 = arith.constant 0 : index
      %get3A_48 = vector.load %arg8[%get3A_46, %get3A_47] : memref<1x1xf32, #tpu.memory_space<vmem>>, vector<1x1xf32>
      %add3A_49 = arith.addf %get3A_48, %reshape3A : vector<1x1xf32>
      %swap3A_50 = arith.constant 0 : index
      %swap3A_51 = arith.constant 0 : index
      %swap3A_52 = vector.load %arg8[%swap3A_50, %swap3A_51] : memref<1x1xf32, #tpu.memory_space<vmem>>, vector<1x1xf32>
      tpu.vector_store %arg8[%swap3A_50, %swap3A_51], %add3A_49 {strides = array<i32>} : memref<1x1xf32, #tpu.memory_space<vmem>>, vector<1x1xf32>,
    } else {
    }
    return
  }
  func.func @transform_0(%arg0: i32) -> (i32, i32, i32) {
    %c0_i32 = arith.constant 0 : i32
    %c0_i32_0 = arith.constant 0 : i32
    %c0_i32_1 = arith.constant 0 : i32
    return %c0_i32, %arg0, %c0_i32_0 : i32, i32, i32
  }
  func.func @transform_1(%arg0: i32) -> (i32, i32, i32) {
    %c1_i32 = arith.constant 1 : i32
    %c0_i32 = arith.constant 0 : i32
    %c0_i32_0 = arith.constant 0 : i32
    return %c1_i32, %arg0, %c0_i32 : i32, i32, i32
  }
  func.func @transform_2(%arg0: i32) -> (i32, i32) {
    %c0_i32 = arith.constant 0 : i32
    %c0_i32_0 = arith.constant 0 : i32
    return %arg0, %c0_i32 : i32, i32
  }
  func.func @transform_3(%arg0: i32) -> (i32, i32) {
    %c0_i32 = arith.constant 0 : i32
    %c0_i32_0 = arith.constant 0 : i32
    %c0_i32_1 = arith.constant 0 : i32
    return %c0_i32, %c0_i32_0 : i32, i32
  }
  func.func @transform_4(%arg0: i32) -> (i32, i32) {
    %c0_i32 = arith.constant 0 : i32
    %c0_i32_0 = arith.constant 0 : i32
    %c0_i32_1 = arith.constant 0 : i32
    return %c0_i32, %c0_i32_0 : i32, i32
  }
  func.func @transform_5(%arg0: i32) -> (i32, i32) {
    %c0_i32 = arith.constant 0 : i32
    %c0_i32_0 = arith.constant 0 : i32
    %c0_i32_1 = arith.constant 0 : i32
    return %c0_i32, %c0_i32_0 : i32, i32
  }
  func.func @transform_6(%arg0: i32) -> (i32, i32) {
    %c0_i32 = arith.constant 0 : i32
    %c0_i32_0 = arith.constant 0 : i32
    return %arg0, %c0_i32 : i32, i32
  }
  func.func @transform_7(%arg0: i32) -> (i32, i32) {
    %c0_i32 = arith.constant 0 : i32
    %c0_i32_0 = arith.constant 0 : i32
    %c0_i32_1 = arith.constant 0 : i32
    return %c0_i32, %c0_i32_0 : i32, i32
  }
}

</mosaic_0001>

<sc_bundles>
// kernel: kernel.11.cloned.1.call-start
scs
__scs_entry_jumppad:
0x0: {  	(pc) =	sbr.rel $0x88, $3  }
0x1: {  	(tag) =	ssettag $0x0;
	lr =	simm.s32 $0x1  }
0x2: {  	[smem:$0x3F94] =	sst lr;
	_ =	strace $0xD0000000  }
0x3: {  	_ = 	snop  }
0x4: {  	_ = 	snop  }
0x5: {  	_ = 	snop  }
0x6: {  	_ = 	snop  }
0x7: {  	_ = 	snop  }
__scs_overlays_trampoline_lowered:
0x8: {  	[smem:$0x3FA3] =	sst s0  }
0x9: {  	[smem:$0x3FA4] =	sst s1  }
0xa: {  	[smem:$0x3FA5] =	sst s2  }
0xb: {  	[smem:$0x3FA6] =	sst s3  }
0xc: {  	[smem:$0x3FA7] =	sst s4  }
0xd: {  	[smem:$0x3FA8] =	sst s5  }
0xe: {  	[smem:$0x3FA9] =	sst s6  }
0xf: {  	[smem:$0x3FAA] =	sst s7  }
0x10: {  	[smem:$0x3FAB] =	sst s8  }
0x11: {  	[smem:$0x3FAC] =	sst s9;
	s0 =	simm.s32 @!p0 $0x0  }
0x12: {  	s1 =	sld [smem:$0x3F92];
	s0 =	simm.s32 @p0 $0x1  }
0x13: {  	[smem:$0x3FAD] =	sst s0;
	s0 =	simm.s32 @!p1 $0x0  }
0x14: {  	s2 =	sld [smem:$0x3F91];
	s0 =	simm.s32 @p1 $0x1  }
0x15: {  	[smem:$0x3FAE] =	sst s0;
	s0 =	simm.s32 @!p2 $0x0  }
0x16: {  	s3 =	sld [smem:$0x3FDB];
	s0 =	simm.s32 @p2 $0x1  }
0x17: {  	s4 =	simm.s32 $0x1BF5;
	[smem:$0x3FB0] =	sst s0  }
0x18: {  	s0 =	sld [smem:$0x3F93];
	_ =	swait.ge [sflag:s4], $0x0  }
0x19: {  	s7 =	sld [smem:$0x3F94]  }
0x1a: {  	s8 =	sadd.s32 $0xFFFFE003, lr  }
0x1b: {  	s9 =	sadd.s32 $0xFFFFFEF7, lr;
	s5 =	simm.s32 $0xFFFFFFFF;
	p2 =	slt.u32 s8, $0xFFFFF086  }
0x1c: {  	p1 =	slt.u32 s9, $0xF7A;
	s5 =	simm.s32 @!p2 $0x0  }
0x1d: {  	s5 =	simm.s32 @p1 $0x1;
	p0 =	seq.s32 s7, s2  }
0x1e: {  	s7 =	smul.u32 @!p0 $0xF7A, s2;
	p2 =	seq.s32 @!p0 s5, $0x0  }
0x1f: {  	s9 =	smul.u32 $0xF7A, s1;
	s8 =	simm.s32 @!p0 $0x1BF5;
	p2 =	por !p2, p0  }
0x20: {  	[sflag:s8] =	ssyncset.s32 @!p0 $0xFFFFF086;
	s6 =	sadd.s32 @!p0 s3, s7;
	s7 =	simm.s32 @!p0 $0x108  }
0x21: {  	s3 =	sadd.s32 s3, s9;
	s6 =	sadd.s32 @!p0 $0x88, s6;
	s7 =	simm.s32 @p2 $0x1082  }
0x22: {  	[simem:s7], [sflag:s8] =	dma.local @!p0 [hbm:s6], $0xF7A  }
0x23: {  	s9 =	sor.u32 $0xD0000000, s2;
	s6 =	simm.s32 $0x108;
	_ =	swait.ge @!p0 [sflag:s8], $0x0  }
0x24: {  	s3 =	sadd.s32 $0x88, s3;
	s6 =	simm.s32 @!p1 $0x1082;
	[sflag:s4] =	ssyncset.s32 $0xFFFFF086  }
0x25: {  	[simem:s6], [sflag:s4] =	dma.local [hbm:s3], $0xF7A  }
0x26: {  	[smem:$0x3F94] =	sst s1;
	(tag) =	ssettag s2;
	_ =	strace s9  }
0x27: {  	s1 =	sld [smem:$0x3FA4]  }
0x28: {  	s2 =	sld [smem:$0x3FA5]  }
0x29: {  	s4 =	sld [smem:$0x3FA7]  }
0x2a: {  	p0 =	seq.s32 s5, $0x0;
	s5 =	sld [smem:$0x3FA8]  }
0x2b: {  	s6 =	sld [smem:$0x3FA9]  }
0x2c: {  	s7 =	sld [smem:$0x3FAA]  }
0x2d: {  	s3 =	simm.s32 $0x108;
	s8 =	sld [smem:$0x3FAB]  }
0x2e: {  	s3 =	simm.s32 @!p0 $0x1082;
	s9 =	sld [smem:$0x3FAC]  }
0x2f: {  	lr =	sadd.s32 s0, s3;
	s0 =	sld [smem:$0x3FA3]  }
0x30: {  	s3 =	sld [smem:$0x3FA6]  }
0x31: {  	[smem:$0x3FAF] =	sst s10  }
0x32: {  	s10 =	sld [smem:$0x3FAD];
	_ =	sdelay $0x3  }
0x33: {  	p0 =	seq.s32 s10, $0x1;
	s10 =	sld [smem:$0x3FAF];
	_ =	sdelay $0x3  }
0x34: {  	[smem:$0x3FAF] =	sst s10  }
0x35: {  	s10 =	sld [smem:$0x3FAE];
	_ =	sdelay $0x3  }
0x36: {  	p1 =	seq.s32 s10, $0x1;
	s10 =	sld [smem:$0x3FAF];
	_ =	sdelay $0x3  }
0x37: {  	[smem:$0x3FAF] =	sst s10  }
0x38: {  	s10 =	sld [smem:$0x3FB0]  }
0x39: {  	_ = 	snop;
	(pc) =	sbr.ind lr, $3  }
0x3a: {  	_ = 	snop  }
0x3b: {  	_ = 	snop  }
0x3c: {  	p2 =	seq.s32 s10, $0x1;
	s10 =	sld [smem:$0x3FAF]  }
0x3d: {  	_ =	shalt  }
0x3e: {  	_ =	shalt  }
0x3f: {  	_ =	shalt  }
0x40: {  	_ =	shalt  }
0x41: {  	_ =	shalt  }
0x42: {  	_ =	shalt  }
0x43: {  	_ =	shalt  }
0x44: {  	_ =	shalt  }
0x45: {  	_ =	shalt  }
0x46: {  	_ =	shalt  }
0x47: {  	_ =	shalt  }
0x48: {  	_ =	shalt  }
0x49: {  	_ =	shalt  }
0x4a: {  	_ =	shalt  }
0x4b: {  	_ =	shalt  }
0x4c: {  	_ =	shalt  }
0x4d: {  	_ =	shalt  }
0x4e: {  	_ =	shalt  }
0x4f: {  	_ =	shalt  }
0x50: {  	_ =	shalt  }
0x51: {  	_ =	shalt  }
0x52: {  	_ =	shalt  }
0x53: {  	_ =	shalt  }
0x54: {  	_ =	shalt  }
0x55: {  	_ =	shalt  }
0x56: {  	_ =	shalt  }
0x57: {  	_ =	shalt  }
0x58: {  	_ =	shalt  }
0x59: {  	_ =	shalt  }
0x5a: {  	_ =	shalt  }
0x5b: {  	_ =	shalt  }
0x5c: {  	_ =	shalt  }
0x5d: {  	_ =	shalt  }
0x5e: {  	_ =	shalt  }
0x5f: {  	_ =	shalt  }
0x60: {  	_ =	shalt  }
0x61: {  	_ =	shalt  }
0x62: {  	_ =	shalt  }
0x63: {  	_ =	shalt  }
0x64: {  	_ =	shalt  }
0x65: {  	_ =	shalt  }
0x66: {  	_ =	shalt  }
0x67: {  	_ =	shalt  }
0x68: {  	_ =	shalt  }
0x69: {  	_ =	shalt  }
0x6a: {  	_ =	shalt  }
0x6b: {  	_ =	shalt  }
0x6c: {  	_ =	shalt  }
0x6d: {  	_ =	shalt  }
0x6e: {  	_ =	shalt  }
0x6f: {  	_ =	shalt  }
0x70: {  	_ =	shalt  }
0x71: {  	_ =	shalt  }
0x72: {  	_ =	shalt  }
0x73: {  	_ =	shalt  }
0x74: {  	_ =	shalt  }
0x75: {  	_ =	shalt  }
0x76: {  	_ =	shalt  }
0x77: {  	_ =	shalt  }
0x78: {  	_ =	shalt  }
0x79: {  	_ =	shalt  }
0x7a: {  	_ =	shalt  }
0x7b: {  	_ =	shalt  }
0x7c: {  	_ =	shalt  }
0x7d: {  	_ =	shalt  }
0x7e: {  	_ =	shalt  }
0x7f: {  	_ =	shalt  }
0x80: {  	_ =	shalt  }
0x81: {  	_ =	shalt  }
0x82: {  	_ =	shalt  }
0x83: {  	_ =	shalt  }
0x84: {  	_ =	shalt  }
0x85: {  	_ =	shalt  }
0x86: {  	_ =	shalt  }
0x87: {  	_ =	shalt  }
.Lfunc_end0:
.L_simem_size_0:
called_computation_lowered:
.L_overlay_start_0:
0x88: {  	s2 =	sld [smem:$0x3FD9]  }
0x89: {  	s3 =	sld [smem:$0x3FFE];
	_ =	sdelay $0x1  }
0x8a: {  	s1 =	srdreg.scid  }
0x8b: {  	s0 =	sand.u32 $0x1, s1  }
0x8c: {  	s14 =	sshll.u32 s0, $0xA;
	s2 =	sadd.s32 s3, s2  }
0x8d: {  	s2 =	sadd.s32 s2, s14  }
0x8e: {  	[smem:$0x3FBB] =	sst s2  }
0x8f: {  	_ = 	snop  }
0x90: {  	s2 =	sld [smem:$0x3FD0];
	_ =	sdelay $0x2  }
0x91: {  	s15 =	simm.s32 $0xA;
	s4 =	simm.s32 $0x10  }
0x92: {  	[smem:s4], [sflag:s15] =	dma.local [hbm:s2], $0x1  }
0x93: {  	_ =	swait.eq [sflag:s15], $0x1  }
0x94: {  	[sflag:s15] =	ssyncset.done $0x0  }
0x95: {  	s16 =	sld [smem:$0x10];
	[sflag:s15] =	ssyncadd.s32 $0xFFFFFFFF  }
0x96: {  	s17 =	sld [smem:$0x12];
	(tm) =	ssettm $0x1  }
0x97: {  	s18 =	sld [smem:$0x3FFB];
	_ =	sdelay $0x3  }
0x98: {  	_ =	strace s18  }
0x99: {  	s4 =	sld [smem:$0x3FFC];
	_ =	sdelay $0x3  }
0x9a: {  	_ =	strace s4  }
0x9b: {  	s4 =	sld [smem:$0x3FFD];
	_ =	sdelay $0x3  }
0x9c: {  	_ =	strace s4  }
0x9d: {  	_ =	strace $0x8FFFFFFF  }
0x9e: {  	s19 =	sld [smem:$0x3FDB];
	_ =	sdelay $0x1  }
0x9f: {  	s5 =	simm.s32 $_scs_section_size  }
0xa0: {  	s6 =	simm.s32 $_size__tile_overlayer_lowered;
	s7 =	simm.s32 $_tile_overlayer_lowered  }
0xa1: {  	s22 =	simm.s32 $0x1BFF;
	s21 =	sshll.u32 s7, $0x1;
	s4 =	sadd.s32 s5, s19  }
0xa2: {  	s8 =	simm.s32 $0x0;
	s20 =	sshll.u32 s6, $0x1;
	s6 =	sadd.s32 s21, s4  }
0xa3: {  	[timem:s8], [sflag:s22] =	dma.local [hbm:s6], s20  }
0xa4: {  	_ =	swait.ge [sflag:s22], s20  }
0xa5: {  	s5 =	ssub.s32 $0x0, s20;
	[sflag:s22] =	ssyncset.done $0x0  }
0xa6: {  	[sflag:s22] =	ssyncadd.s32 s5;
	_ =	sdelay $0x1  }
0xa7: {  	s23 =	simm.s32 $0x1B8B  }
0xa8: {  	_ =	swait.ge [sflag:s23], $0x1  }
0xa9: {  	[sflag:s23] =	ssyncset.done $0x0  }
0xaa: {  	s25 =	simm.s32 $0x1B8E;
	s24 =	sld [smem:$0x3FFE];
	[sflag:s23] =	ssyncadd.s32 $0xFFFFFFFF  }
0xab: {  	s26 =	simm.s32 $execute0_lowered;
	[smem:$0x3FD2] =	sst s25  }
0xac: {  	s6 =	sshll.u32 s26, $0x1;
	_ =	strace $0x80000046;
	[dreg:$0x1] =	wrdreg $0xFFFFFFFF  }
0xad: {  	s28 =	simm.s32 $_size_execute0_lowered;
	s4 =	sadd.s32 s4, s6;
	[dreg:$0x0] =	wrdreg $0x0  }
0xae: {  	s6 =	sshll.u32 s28, $0x1;
	[dreg:$0x2] =	wrdreg s4  }
0xaf: {  	[dreg:$0x3] =	wrdreg s6  }
0xb0: {  	[dreg:$0x4] =	wrdreg $0xC0  }
0xb1: {  	_ =	task [dreg:s8], $0x5FFFF  }
0xb2: {  	[dreg:$0x1] =	wrdreg $0xFFFFFFFF  }
0xb3: {  	[dreg:$0x0] =	wrdreg $0x60  }
0xb4: {  	[dreg:$0x2] =	wrdreg s16  }
0xb5: {  	[dreg:$0x3] =	wrdreg s24  }
0xb6: {  	[dreg:$0x4] =	wrdreg s17  }
0xb7: {  	[dreg:$0x5] =	wrdreg $0x9  }
0xb8: {  	_ =	task.clear_ibuf [dreg:s8], $0x6FFFF;
	_ =	strace $0x90000046  }
0xb9: {  	s29 =	simm.s32 $0x9;
	_ =	strace $0x80000048  }
0xba: {  	_ =	swait.ge [sflag:s29], $0x1  }
0xbb: {  	[sflag:s29] =	ssyncadd.s32 $0xFFFFFFFF  }
0xbc: {  	_ =	strace $0x90000048  }
0xbd: {  	_ =	sfence  }
0xbe: {  	s30 =	sld [smem:$0x0];
	_ =	sdelay $0x2  }
0xbf: {  	s31 =	sshll.u32 s1, $0xD;
	s1 =	sshrl.u32 s1, $0x2  }
0xc0: {  	s3 =	sand.u32 $0x4000, s31;
	s1 =	sadd.s32 s1, s30  }
0xc1: {  	s0 =	sor.u32 s3, s0;
	s1 =	sshll.u32 s1, $0x11  }
0xc2: {  	s0 =	sor.u32 s1, s0  }
0xc3: {  	s0 =	sadd.s32 $0x8F2B, s0  }
0xc4: {  	[sflag:s0] =	ssyncadd.remote.s32 $0x1  }
0xc5: {  	_ =	sfence.sel $0xFFFF  }
0xc6: {  	[dreg:$0x0] =	wrdreg $0xFFFFFFFF;
	(pc) =	sbr.abs _section_cstart, $3  }
0xc7: {  	[dreg:$0x1] =	wrdreg $0xFFFFFFFF  }
0xc8: {  	_ =	task.clear_ibuf [dreg:s8], $0x2FFFF;
	_ =	strace $0x9FFFFFFF  }
0xc9: {  	(tm) =	ssettm $0x7FFFFFFF  }
tec
execute0_lowered:
.L_overlay_start_1:
0x0: {  	(tag) =	ssettag $0x1  }
0x1: {  	s3 =	rddreg [dreg:$0x0]  }
0x2: {  	s1 =	srdreg.scid;
	s4 =	rddreg [dreg:$0x1]  }
0x3: {  	s0 =	stileid.u32;
	s6 =	rddreg [dreg:$0x2]  }
0x4: {  	s2 =	simm.s32 $0x0;
	s5 =	sand.u32 $0x1, s1;
	s30 =	sshll.u32 s0, $0x1  }
0x5: {  	s11 =	simm.s32 $0x80;
	s12 =	simm.s32 $0x100;
	s7 =	sor.u32 s5, s30  }
0x6: {  	s13 =	simm.s32 $0x0;
	s5 =	ssub.s32 $0x2, s5;
	s8 =	smul.u32 $0x280, s7  }
0x7: {  	[smem:$0x7FF] =	sst s2;
	s7 =	smul.u32 $0xA00, s7;
	s31 =	sshrl.u32 s5, $0x1  }
0x8: {  	s1 =	rddreg [dreg:$0x3];
	_ =	strace $0x80000047;
	s10 =	ssub.s32 s5, s31  }
0x9: {  	s9 =	sadd.s32 s8, s4;
	s3 =	sadd.s32 s3, s8;
	s4 =	sadd.s32 s6, s7  }
0xa: {  	s7 =	smax.u32 s10, $0x1;
	s8 =	simm.s32 $0x1;
	s10 =	simm.s32 $0x3C00  }
0xb: {  	v0 =	vimm.f32 $0.0e+00;
	v1 =	vimm.f32 $1.000000000e+00;
	s5 =	sadd.s32 $0x2400, s9;
	s6 =	sadd.s32 $0x10, s4;
	s9 =	simm.s32 $0x1400  }
.LBB2_1:
0xc: {  	s14 =	simm.s32 $0x40;
	s15 =	simm.s32 $0x0  }
.LBB2_2:
0xd: {  	p0 =	sne.s32 s14, $0x9FC0;
	[tilespmem:s15+$0x1400] =	vst v0;
	s16 =	smov.u32 s14;
	s14 =	sadd.s32 $0x40, s14  }
.Ltmp0:
0xe: {  	[tilespmem:s15+$0x3C00] =	vst v0;
	(pc) =	sbr.rel @p0 .LBB2_2-.Ltmp0, $2  }
0xf: {  	_ =	sdelay $0x2  }
0x10: {  	s15 =	sshra.s32 s16, $0x2  }
0x11: {  	[tilespmem:s15+$0x1400] =	vst v0  }
0x12: {  	[tilespmem:s15+$0x3C00] =	vst v0  }
0x13: {  	[tilespmem:s2], [sflag:$0x1] =	stream.linear.gather [hbm4b:s3+s2], $0x1400, $0x38;
	[tilespmem:$0x6400] =	vst v63  }
0x14: {  	_ =	swait.ge [sflag:s8], $0x1400  }
0x15: {  	[sflag:s8] =	ssyncset.done $0x0  }
0x16: {  	s14 =	simm.s32 $0x1C0;
	[sflag:s8] =	ssyncadd.s32 $0xFFFFEC00  }
.LBB2_4:
0x17: {  	s15 =	sshra.s32 s14, $0x2  }
0x18: {  	v2 =	vld [tilespmem:s15+$0xFFFFFF90];
	_ =	sdelay $0x7  }
0x19: {  	[tilespmem:v2+s9+$0x0] =	vst.idx.add.f32.msk $0xffff, v1  }
0x1a: {  	v2 =	vld [tilespmem:s15+$0xFFFFFFA0];
	_ =	sdelay $0x7  }
0x1b: {  	[tilespmem:v2+s9+$0x0] =	vst.idx.add.f32.msk $0xffff, v1  }
0x1c: {  	v2 =	vld [tilespmem:s15+$0xFFFFFFB0];
	_ =	sdelay $0x7  }
0x1d: {  	[tilespmem:v2+s9+$0x0] =	vst.idx.add.f32.msk $0xffff, v1  }
0x1e: {  	v2 =	vld [tilespmem:s15+$0xFFFFFFC0];
	_ =	sdelay $0x7  }
0x1f: {  	[tilespmem:v2+s9+$0x0] =	vst.idx.add.f32.msk $0xffff, v1  }
0x20: {  	v2 =	vld [tilespmem:s15+$0xFFFFFFD0];
	_ =	sdelay $0x7  }
0x21: {  	[tilespmem:v2+s9+$0x0] =	vst.idx.add.f32.msk $0xffff, v1  }
0x22: {  	v2 =	vld [tilespmem:s15+$0xFFFFFFE0];
	_ =	sdelay $0x7  }
0x23: {  	[tilespmem:v2+s9+$0x0] =	vst.idx.add.f32.msk $0xffff, v1  }
0x24: {  	v2 =	vld [tilespmem:s15+$0xFFFFFFF0];
	_ =	sdelay $0x7  }
0x25: {  	[tilespmem:v2+s9+$0x0] =	vst.idx.add.f32.msk $0xffff, v1  }
0x26: {  	v2 =	vld [tilespmem:s15+$0x0];
	_ =	sdelay $0x2  }
0x27: {  	p0 =	sne.s32 s14, $0x4FC0  }
.Ltmp1:
0x28: {  	_ = 	snop;
	(pc) =	sbr.rel @p0 .LBB2_4-.Ltmp1, $2  }
0x29: {  	_ =	sdelay $0x2  }
0x2a: {  	s14 =	sadd.s32 $0x200, s14;
	[tilespmem:v2+s9+$0x0] =	vst.idx.add.f32.msk $0xffff, v1  }
0x2b: {  	[tilespmem:s2], [sflag:$0x1] =	stream.linear.gather [hbm4b:s5+s2], $0x1400, $0x38;
	[tilespmem:$0x6400] =	vst v63  }
0x2c: {  	_ =	swait.ge [sflag:s8], $0x1400  }
0x2d: {  	[sflag:s8] =	ssyncset.done $0x0  }
0x2e: {  	s14 =	simm.s32 $0x1C0;
	[sflag:s8] =	ssyncadd.s32 $0xFFFFEC00  }
.LBB2_6:
0x2f: {  	s15 =	sshra.s32 s14, $0x2  }
0x30: {  	v2 =	vld [tilespmem:s15+$0xFFFFFF90];
	_ =	sdelay $0x7  }
0x31: {  	[tilespmem:v2+s10+$0x0] =	vst.idx.add.f32.msk $0xffff, v1  }
0x32: {  	v2 =	vld [tilespmem:s15+$0xFFFFFFA0];
	_ =	sdelay $0x7  }
0x33: {  	[tilespmem:v2+s10+$0x0] =	vst.idx.add.f32.msk $0xffff, v1  }
0x34: {  	v2 =	vld [tilespmem:s15+$0xFFFFFFB0];
	_ =	sdelay $0x7  }
0x35: {  	[tilespmem:v2+s10+$0x0] =	vst.idx.add.f32.msk $0xffff, v1  }
0x36: {  	v2 =	vld [tilespmem:s15+$0xFFFFFFC0];
	_ =	sdelay $0x7  }
0x37: {  	[tilespmem:v2+s10+$0x0] =	vst.idx.add.f32.msk $0xffff, v1  }
0x38: {  	v2 =	vld [tilespmem:s15+$0xFFFFFFD0];
	_ =	sdelay $0x7  }
0x39: {  	[tilespmem:v2+s10+$0x0] =	vst.idx.add.f32.msk $0xffff, v1  }
0x3a: {  	v2 =	vld [tilespmem:s15+$0xFFFFFFE0];
	_ =	sdelay $0x7  }
0x3b: {  	[tilespmem:v2+s10+$0x0] =	vst.idx.add.f32.msk $0xffff, v1  }
0x3c: {  	v2 =	vld [tilespmem:s15+$0xFFFFFFF0];
	_ =	sdelay $0x7  }
0x3d: {  	[tilespmem:v2+s10+$0x0] =	vst.idx.add.f32.msk $0xffff, v1  }
0x3e: {  	v2 =	vld [tilespmem:s15+$0x0];
	_ =	sdelay $0x2  }
0x3f: {  	p0 =	sne.s32 s14, $0x4FC0  }
.Ltmp2:
0x40: {  	_ = 	snop;
	(pc) =	sbr.rel @p0 .LBB2_6-.Ltmp2, $2  }
0x41: {  	_ =	sdelay $0x2  }
0x42: {  	s14 =	sadd.s32 $0x200, s14;
	[tilespmem:v2+s10+$0x0] =	vst.idx.add.f32.msk $0xffff, v1  }
0x43: {  	[hbm4b:s4+s11] =	stream.strided.scatter [tilespmem:s9], [sflag:$0x1], $0x2800, s12, s11, $0x38;
	[tilespmem:$0x6400] =	vst v63  }
0x44: {  	s13 =	sadd.s32 $0x1, s13;
	_ =	swait.ge [sflag:s8], $0x2800  }
0x45: {  	p0 =	sne.s32 s13, s7;
	[sflag:s8] =	ssyncset.done $0x0  }
.Ltmp3:
0x46: {  	[sflag:s8] =	ssyncadd.s32 $0xFFFFD800;
	(pc) =	sbr.rel @p0 .LBB2_1-.Ltmp3, $4  }
0x47: {  	[hbm4b:s6+s11] =	stream.strided.scatter [tilespmem:s10], [sflag:$0x1], $0x2800, s12, s11, $0x38;
	[tilespmem:$0x6400] =	vst v63  }
0x48: {  	_ =	swait.ge [sflag:s8], $0x2800  }
0x49: {  	[sflag:s8] =	ssyncset.done $0x0  }
0x4a: {  	[sflag:s8] =	ssyncadd.s32 $0xFFFFD800  }
0x4b: {  	_ =	sfence.sel $0x180000  }
0x4c: {  	[bflag:$0x0] =	sbarrier.arrive $0xFFFF  }
0x4d: {  	p0 =	sne.s32 s0, $0x0;
	_ =	strace $0x90000047  }
0x4e: {  	s0 =	sadd.s32 @!p0 $0x100000, s1;
	[bflag:$0x2] =	sbarrier.arrive $0xFFFF  }
0x4f: {  	[sflag:s0] =	ssyncadd.tile.s32 @!p0 $0x1;
	_ =	shalt  }
.Lfunc_end2:
_tile_overlayer_lowered:
.L_overlay_start_2:
0x50: {  	(tag) =	ssettag $0x2  }
0x51: {  	s0 =	rddreg [dreg:$0x0];
	s2 =	stileid.u32  }
0x52: {  	s1 =	rddreg [dreg:$0x1];
	p0 =	sne.s32 s2, $0x0  }
0x53: {  	s3 =	rddreg [dreg:$0x2];
	[bflag:$0x3] =	sbarrier.arrive $0xFFFF;
	s2 =	simm.s32 @!p0 $0x1C01  }
0x54: {  	[timem:s3], [sflag:s2] =	dma.local @!p0 [hbm:s0], s1  }
0x55: {  	s0 =	simm.s32 @!p0 $0x1  }
0x56: {  	_ =	swait.ge @!p0 [sflag:s0], s1  }
0x57: {  	s1 =	ssub.s32 @!p0 $0x0, s1;
	[sflag:s0] =	ssyncset.done @!p0 $0x0  }
0x58: {  	[sflag:s0] =	ssyncadd.s32 @!p0 s1  }
0x59: {  	[bflag:$0x3] =	sbarrier.arrive $0xFFFF  }
0x5a: {  	_ =	shalt  }

// kernel: kernel.14.cloned.1.call-start
scs
__scs_entry_jumppad:
0x0: {  	(pc) =	sbr.rel $0x88, $3  }
0x1: {  	(tag) =	ssettag $0x0;
	lr =	simm.s32 $0x1  }
0x2: {  	[smem:$0x3F94] =	sst lr;
	_ =	strace $0xD0000000  }
0x3: {  	_ = 	snop  }
0x4: {  	_ = 	snop  }
0x5: {  	_ = 	snop  }
0x6: {  	_ = 	snop  }
0x7: {  	_ = 	snop  }
__scs_overlays_trampoline_lowered:
0x8: {  	[smem:$0x3FA3] =	sst s0  }
0x9: {  	[smem:$0x3FA4] =	sst s1  }
0xa: {  	[smem:$0x3FA5] =	sst s2  }
0xb: {  	[smem:$0x3FA6] =	sst s3  }
0xc: {  	[smem:$0x3FA7] =	sst s4  }
0xd: {  	[smem:$0x3FA8] =	sst s5  }
0xe: {  	[smem:$0x3FA9] =	sst s6  }
0xf: {  	[smem:$0x3FAA] =	sst s7  }
0x10: {  	[smem:$0x3FAB] =	sst s8  }
0x11: {  	[smem:$0x3FAC] =	sst s9;
	s0 =	simm.s32 @!p0 $0x0  }
0x12: {  	s1 =	sld [smem:$0x3F92];
	s0 =	simm.s32 @p0 $0x1  }
0x13: {  	[smem:$0x3FAD] =	sst s0;
	s0 =	simm.s32 @!p1 $0x0  }
0x14: {  	s2 =	sld [smem:$0x3F91];
	s0 =	simm.s32 @p1 $0x1  }
0x15: {  	[smem:$0x3FAE] =	sst s0;
	s0 =	simm.s32 @!p2 $0x0  }
0x16: {  	s3 =	sld [smem:$0x3FDB];
	s0 =	simm.s32 @p2 $0x1  }
0x17: {  	s4 =	simm.s32 $0x1BF5;
	[smem:$0x3FB0] =	sst s0  }
0x18: {  	s0 =	sld [smem:$0x3F93];
	_ =	swait.ge [sflag:s4], $0x0  }
0x19: {  	s7 =	sld [smem:$0x3F94]  }
0x1a: {  	s8 =	sadd.s32 $0xFFFFE003, lr  }
0x1b: {  	s9 =	sadd.s32 $0xFFFFFEF7, lr;
	s5 =	simm.s32 $0xFFFFFFFF;
	p2 =	slt.u32 s8, $0xFFFFF086  }
0x1c: {  	p1 =	slt.u32 s9, $0xF7A;
	s5 =	simm.s32 @!p2 $0x0  }
0x1d: {  	s5 =	simm.s32 @p1 $0x1;
	p0 =	seq.s32 s7, s2  }
0x1e: {  	s7 =	smul.u32 @!p0 $0xF7A, s2;
	p2 =	seq.s32 @!p0 s5, $0x0  }
0x1f: {  	s9 =	smul.u32 $0xF7A, s1;
	s8 =	simm.s32 @!p0 $0x1BF5;
	p2 =	por !p2, p0  }
0x20: {  	[sflag:s8] =	ssyncset.s32 @!p0 $0xFFFFF086;
	s6 =	sadd.s32 @!p0 s3, s7;
	s7 =	simm.s32 @!p0 $0x108  }
0x21: {  	s3 =	sadd.s32 s3, s9;
	s6 =	sadd.s32 @!p0 $0x88, s6;
	s7 =	simm.s32 @p2 $0x1082  }
0x22: {  	[simem:s7], [sflag:s8] =	dma.local @!p0 [hbm:s6], $0xF7A  }
0x23: {  	s9 =	sor.u32 $0xD0000000, s2;
	s6 =	simm.s32 $0x108;
	_ =	swait.ge @!p0 [sflag:s8], $0x0  }
0x24: {  	s3 =	sadd.s32 $0x88, s3;
	s6 =	simm.s32 @!p1 $0x1082;
	[sflag:s4] =	ssyncset.s32 $0xFFFFF086  }
0x25: {  	[simem:s6], [sflag:s4] =	dma.local [hbm:s3], $0xF7A  }
0x26: {  	[smem:$0x3F94] =	sst s1;
	(tag) =	ssettag s2;
	_ =	strace s9  }
0x27: {  	s1 =	sld [smem:$0x3FA4]  }
0x28: {  	s2 =	sld [smem:$0x3FA5]  }
0x29: {  	s4 =	sld [smem:$0x3FA7]  }
0x2a: {  	p0 =	seq.s32 s5, $0x0;
	s5 =	sld [smem:$0x3FA8]  }
0x2b: {  	s6 =	sld [smem:$0x3FA9]  }
0x2c: {  	s7 =	sld [smem:$0x3FAA]  }
0x2d: {  	s3 =	simm.s32 $0x108;
	s8 =	sld [smem:$0x3FAB]  }
0x2e: {  	s3 =	simm.s32 @!p0 $0x1082;
	s9 =	sld [smem:$0x3FAC]  }
0x2f: {  	lr =	sadd.s32 s0, s3;
	s0 =	sld [smem:$0x3FA3]  }
0x30: {  	s3 =	sld [smem:$0x3FA6]  }
0x31: {  	[smem:$0x3FAF] =	sst s10  }
0x32: {  	s10 =	sld [smem:$0x3FAD];
	_ =	sdelay $0x3  }
0x33: {  	p0 =	seq.s32 s10, $0x1;
	s10 =	sld [smem:$0x3FAF];
	_ =	sdelay $0x3  }
0x34: {  	[smem:$0x3FAF] =	sst s10  }
0x35: {  	s10 =	sld [smem:$0x3FAE];
	_ =	sdelay $0x3  }
0x36: {  	p1 =	seq.s32 s10, $0x1;
	s10 =	sld [smem:$0x3FAF];
	_ =	sdelay $0x3  }
0x37: {  	[smem:$0x3FAF] =	sst s10  }
0x38: {  	s10 =	sld [smem:$0x3FB0]  }
0x39: {  	_ = 	snop;
	(pc) =	sbr.ind lr, $3  }
0x3a: {  	_ = 	snop  }
0x3b: {  	_ = 	snop  }
0x3c: {  	p2 =	seq.s32 s10, $0x1;
	s10 =	sld [smem:$0x3FAF]  }
0x3d: {  	_ =	shalt  }
0x3e: {  	_ =	shalt  }
0x3f: {  	_ =	shalt  }
0x40: {  	_ =	shalt  }
0x41: {  	_ =	shalt  }
0x42: {  	_ =	shalt  }
0x43: {  	_ =	shalt  }
0x44: {  	_ =	shalt  }
0x45: {  	_ =	shalt  }
0x46: {  	_ =	shalt  }
0x47: {  	_ =	shalt  }
0x48: {  	_ =	shalt  }
0x49: {  	_ =	shalt  }
0x4a: {  	_ =	shalt  }
0x4b: {  	_ =	shalt  }
0x4c: {  	_ =	shalt  }
0x4d: {  	_ =	shalt  }
0x4e: {  	_ =	shalt  }
0x4f: {  	_ =	shalt  }
0x50: {  	_ =	shalt  }
0x51: {  	_ =	shalt  }
0x52: {  	_ =	shalt  }
0x53: {  	_ =	shalt  }
0x54: {  	_ =	shalt  }
0x55: {  	_ =	shalt  }
0x56: {  	_ =	shalt  }
0x57: {  	_ =	shalt  }
0x58: {  	_ =	shalt  }
0x59: {  	_ =	shalt  }
0x5a: {  	_ =	shalt  }
0x5b: {  	_ =	shalt  }
0x5c: {  	_ =	shalt  }
0x5d: {  	_ =	shalt  }
0x5e: {  	_ =	shalt  }
0x5f: {  	_ =	shalt  }
0x60: {  	_ =	shalt  }
0x61: {  	_ =	shalt  }
0x62: {  	_ =	shalt  }
0x63: {  	_ =	shalt  }
0x64: {  	_ =	shalt  }
0x65: {  	_ =	shalt  }
0x66: {  	_ =	shalt  }
0x67: {  	_ =	shalt  }
0x68: {  	_ =	shalt  }
0x69: {  	_ =	shalt  }
0x6a: {  	_ =	shalt  }
0x6b: {  	_ =	shalt  }
0x6c: {  	_ =	shalt  }
0x6d: {  	_ =	shalt  }
0x6e: {  	_ =	shalt  }
0x6f: {  	_ =	shalt  }
0x70: {  	_ =	shalt  }
0x71: {  	_ =	shalt  }
0x72: {  	_ =	shalt  }
0x73: {  	_ =	shalt  }
0x74: {  	_ =	shalt  }
0x75: {  	_ =	shalt  }
0x76: {  	_ =	shalt  }
0x77: {  	_ =	shalt  }
0x78: {  	_ =	shalt  }
0x79: {  	_ =	shalt  }
0x7a: {  	_ =	shalt  }
0x7b: {  	_ =	shalt  }
0x7c: {  	_ =	shalt  }
0x7d: {  	_ =	shalt  }
0x7e: {  	_ =	shalt  }
0x7f: {  	_ =	shalt  }
0x80: {  	_ =	shalt  }
0x81: {  	_ =	shalt  }
0x82: {  	_ =	shalt  }
0x83: {  	_ =	shalt  }
0x84: {  	_ =	shalt  }
0x85: {  	_ =	shalt  }
0x86: {  	_ =	shalt  }
0x87: {  	_ =	shalt  }
.Lfunc_end0:
.L_simem_size_0:
called_computation.1_lowered:
.L_overlay_start_0:
0x88: {  	s2 =	sld [smem:$0x3FD9]  }
0x89: {  	s3 =	sld [smem:$0x3FFE];
	_ =	sdelay $0x1  }
0x8a: {  	s1 =	srdreg.scid  }
0x8b: {  	s0 =	sand.u32 $0x1, s1  }
0x8c: {  	s14 =	sshll.u32 s0, $0xA;
	s2 =	sadd.s32 s3, s2  }
0x8d: {  	s2 =	sadd.s32 s2, s14  }
0x8e: {  	[smem:$0x3FBB] =	sst s2  }
0x8f: {  	_ = 	snop  }
0x90: {  	s2 =	sld [smem:$0x3FD0];
	_ =	sdelay $0x2  }
0x91: {  	s15 =	simm.s32 $0xA;
	s4 =	simm.s32 $0x10  }
0x92: {  	[smem:s4], [sflag:s15] =	dma.local [hbm:s2], $0x1  }
0x93: {  	_ =	swait.eq [sflag:s15], $0x1  }
0x94: {  	[sflag:s15] =	ssyncset.done $0x0  }
0x95: {  	s16 =	sld [smem:$0x10];
	[sflag:s15] =	ssyncadd.s32 $0xFFFFFFFF  }
0x96: {  	s17 =	sld [smem:$0x12];
	(tm) =	ssettm $0x1  }
0x97: {  	s18 =	sld [smem:$0x3FFB];
	_ =	sdelay $0x3  }
0x98: {  	_ =	strace s18  }
0x99: {  	s4 =	sld [smem:$0x3FFC];
	_ =	sdelay $0x3  }
0x9a: {  	_ =	strace s4  }
0x9b: {  	s4 =	sld [smem:$0x3FFD];
	_ =	sdelay $0x3  }
0x9c: {  	_ =	strace s4  }
0x9d: {  	_ =	strace $0x8FFFFFFF  }
0x9e: {  	s19 =	sld [smem:$0x3FDB];
	_ =	sdelay $0x1  }
0x9f: {  	s5 =	simm.s32 $_scs_section_size  }
0xa0: {  	s6 =	simm.s32 $_size__tile_overlayer_lowered;
	s7 =	simm.s32 $_tile_overlayer_lowered  }
0xa1: {  	s22 =	simm.s32 $0x1BFF;
	s21 =	sshll.u32 s7, $0x1;
	s4 =	sadd.s32 s5, s19  }
0xa2: {  	s8 =	simm.s32 $0x0;
	s20 =	sshll.u32 s6, $0x1;
	s6 =	sadd.s32 s21, s4  }
0xa3: {  	[timem:s8], [sflag:s22] =	dma.local [hbm:s6], s20  }
0xa4: {  	_ =	swait.ge [sflag:s22], s20  }
0xa5: {  	s5 =	ssub.s32 $0x0, s20;
	[sflag:s22] =	ssyncset.done $0x0  }
0xa6: {  	[sflag:s22] =	ssyncadd.s32 s5;
	_ =	sdelay $0x1  }
0xa7: {  	s23 =	simm.s32 $0x1B8B  }
0xa8: {  	_ =	swait.ge [sflag:s23], $0x1  }
0xa9: {  	[sflag:s23] =	ssyncset.done $0x0  }
0xaa: {  	s25 =	simm.s32 $0x1B8E;
	s24 =	sld [smem:$0x3FFE];
	[sflag:s23] =	ssyncadd.s32 $0xFFFFFFFF  }
0xab: {  	s26 =	simm.s32 $execute0_lowered;
	[smem:$0x3FD2] =	sst s25  }
0xac: {  	s6 =	sshll.u32 s26, $0x1;
	_ =	strace $0x80000049;
	[dreg:$0x1] =	wrdreg $0xFFFFFFFF  }
0xad: {  	s28 =	simm.s32 $_size_execute0_lowered;
	s4 =	sadd.s32 s4, s6;
	[dreg:$0x0] =	wrdreg $0x0  }
0xae: {  	s6 =	sshll.u32 s28, $0x1;
	[dreg:$0x2] =	wrdreg s4  }
0xaf: {  	[dreg:$0x3] =	wrdreg s6  }
0xb0: {  	[dreg:$0x4] =	wrdreg $0xC0  }
0xb1: {  	_ =	task [dreg:s8], $0x5FFFF  }
0xb2: {  	[dreg:$0x1] =	wrdreg $0xFFFFFFFF  }
0xb3: {  	[dreg:$0x0] =	wrdreg $0x60  }
0xb4: {  	[dreg:$0x2] =	wrdreg s17  }
0xb5: {  	[dreg:$0x3] =	wrdreg s16  }
0xb6: {  	[dreg:$0x4] =	wrdreg s24  }
0xb7: {  	[dreg:$0x5] =	wrdreg $0xA8000  }
0xb8: {  	[dreg:$0x6] =	wrdreg $0x9  }
0xb9: {  	_ =	task.clear_ibuf [dreg:s8], $0x7FFFF;
	_ =	strace $0x90000049  }
0xba: {  	s29 =	simm.s32 $0x9;
	_ =	strace $0x8000004B  }
0xbb: {  	_ =	swait.ge [sflag:s29], $0x1  }
0xbc: {  	[sflag:s29] =	ssyncadd.s32 $0xFFFFFFFF  }
0xbd: {  	_ =	strace $0x9000004B  }
0xbe: {  	_ =	sfence  }
0xbf: {  	s30 =	sld [smem:$0x0];
	_ =	sdelay $0x2  }
0xc0: {  	s31 =	sshll.u32 s1, $0xD;
	s1 =	sshrl.u32 s1, $0x2  }
0xc1: {  	s3 =	sand.u32 $0x4000, s31;
	s1 =	sadd.s32 s1, s30  }
0xc2: {  	s0 =	sor.u32 s3, s0;
	s1 =	sshll.u32 s1, $0x11  }
0xc3: {  	s0 =	sor.u32 s1, s0  }
0xc4: {  	s0 =	sadd.s32 $0x8F2B, s0  }
0xc5: {  	[sflag:s0] =	ssyncadd.remote.s32 $0x1  }
0xc6: {  	_ =	sfence.sel $0xFFFF  }
0xc7: {  	[dreg:$0x0] =	wrdreg $0xFFFFFFFF;
	(pc) =	sbr.abs _section_cstart, $3  }
0xc8: {  	[dreg:$0x1] =	wrdreg $0xFFFFFFFF  }
0xc9: {  	_ =	task.clear_ibuf [dreg:s8], $0x2FFFF;
	_ =	strace $0x9FFFFFFF  }
0xca: {  	(tm) =	ssettm $0x7FFFFFFF  }
0xcb: {  	_ =	shalt  }
tec
execute0_lowered:
.L_overlay_start_1:
0x0: {  	(tag) =	ssettag $0x1  }
0x1: {  	s0 =	rddreg [dreg:$0x0]  }
0x2: {  	s1 =	rddreg [dreg:$0x1]  }
0x3: {  	s4 =	rddreg [dreg:$0x2]  }
0x4: {  	s2 =	rddreg [dreg:$0x3];
	s3 =	simm.s32 $0x0  }
0x5: {  	s5 =	srdreg.scid;
	s11 =	stileid.u32;
	s28 =	simm.s32 $0x1  }
0x6: {  	s29 =	simm.s32 $0x6800;
	s30 =	simm.s32 $0x2;
	s7 =	smul.u32 $0x50000, s11  }
0x7: {  	s31 =	simm.s32 $0x3;
	s5 =	sand.u32 $0x1, s5;
	s20 =	smul.u32 $0x280, s11  }
0x8: {  	[smem:$0x7FF] =	sst s3;
	s8 =	smul.u32 $0x28000, s5;
	s6 =	ssub.s32 $0x2, s5  }
0x9: {  	_ =	strace $0x8000004A;
	s5 =	sadd.s32 $0x2400, s4;
	s9 =	sshrl.u32 s6, $0x1  }
0xa: {  	s7 =	sshrl.u32 s7, $0x2;
	s24 =	sadd.s32 $0x80, s20;
	s26 =	sadd.s32 $0x180, s20  }
0xb: {  	s4 =	sadd.s32 s8, s4;
	s10 =	ssub.s32 s6, s9;
	s6 =	smul.u32 $0x2800, s11  }
0xc: {  	s7 =	sadd.s32 s7, s2;
	s8 =	sadd.s32 s0, s8;
	s25 =	sshll.u32 s24, $0x7  }
0xd: {  	s11 =	sadd.s32 $0x100, s20;
	s0 =	sadd.s32 $0x200, s20;
	s16 =	sshll.u32 s26, $0x7  }
0xe: {  	s9 =	sadd.s32 $0x2F400, s4;
	s21 =	smax.u32 s10, $0x1;
	s22 =	sadd.s32 $0x4000, s7  }
0xf: {  	s23 =	sadd.s32 $0x8000, s7;
	s13 =	sadd.s32 $0xC000, s7;
	s14 =	sadd.s32 $0x10000, s7  }
0x10: {  	s10 =	sadd.s32 s25, s2;
	s4 =	sshll.u32 s24, $0x4;
	[dreg:$0x5] =	wrdreg s21  }
0x11: {  	s15 =	sshll.u32 s11, $0x7;
	s11 =	sshll.u32 s11, $0x4;
	[dreg:$0x6] =	wrdreg s22  }
0x12: {  	s17 =	sshll.u32 s0, $0x7;
	s0 =	sshll.u32 s0, $0x4;
	[dreg:$0x7] =	wrdreg s23  }
0x13: {  	s21 =	sadd.s32 s15, s2;
	s23 =	sadd.s32 s16, s2;
	s22 =	sshll.u32 s26, $0x4  }
.Ltmp0:
0x14: {  	s25 =	sadd.s32 s17, s2;
	s15 =	simm.s32 $0x2800;
	(pc) =	sbr.rel .LBB2_1-.Ltmp0, $4  }
0x15: {  	s16 =	simm.s32 $0x5;
	s17 =	simm.s32 $0x1400;
	s18 =	sadd.s32 s4, s9  }
0x16: {  	s19 =	sshrl.u32 s10, $0x3;
	s20 =	sadd.s32 s11, s9;
	s24 =	sadd.s32 s0, s9  }
0x17: {  	s26 =	simm.s32 $0x80;
	s0 =	simm.s32 $0x4;
	s21 =	sshrl.u32 s21, $0x3  }
0x18: {  	v0 =	vimm.f32 $0.0e+00;
	s22 =	sadd.s32 s22, s9;
	s23 =	sshrl.u32 s23, $0x3;
	s25 =	sshrl.u32 s25, $0x3  }
.LBB2_9:
0x19: {  	s4 =	stileid.u32  }
0x1a: {  	[bflag:$0x0] =	sbarrier.arrive $0xFFFF;
	s4 =	sshll.u32 s4, $0x6  }
0x1b: {  	s10 =	sadd.s32 s6, s9;
	s11 =	sshrl.u32 s7, $0x3;
	s4 =	sor.u32 $0x1C05, s4  }
0x1c: {  	[hbm:s10], [sflag:s4] =	dma.local [spmem:s11], $0x800  }
0x1d: {  	_ =	swait.ge [sflag:s16], $0x800  }
0x1e: {  	[sflag:s16] =	ssyncset.done $0x0  }
0x1f: {  	[sflag:s16] =	ssyncadd.s32 $0xFFFFF800  }
0x20: {  	[hbm:s18], [sflag:s4] =	dma.local [spmem:s19], $0x800  }
0x21: {  	_ =	swait.ge [sflag:s16], $0x800  }
0x22: {  	[sflag:s16] =	ssyncset.done $0x0  }
0x23: {  	[sflag:s16] =	ssyncadd.s32 $0xFFFFF800  }
0x24: {  	[hbm:s20], [sflag:s4] =	dma.local [spmem:s21], $0x800  }
0x25: {  	_ =	swait.ge [sflag:s16], $0x800  }
0x26: {  	[sflag:s16] =	ssyncset.done $0x0  }
0x27: {  	[sflag:s16] =	ssyncadd.s32 $0xFFFFF800  }
0x28: {  	[hbm:s22], [sflag:s4] =	dma.local [spmem:s23], $0x800  }
0x29: {  	_ =	swait.ge [sflag:s16], $0x800  }
0x2a: {  	[sflag:s16] =	ssyncset.done $0x0  }
0x2b: {  	[sflag:s16] =	ssyncadd.s32 $0xFFFFF800  }
0x2c: {  	[hbm:s24], [sflag:s4] =	dma.local [spmem:s25], $0x800  }
0x2d: {  	_ =	swait.ge [sflag:s16], $0x800  }
0x2e: {  	s3 =	sadd.s32 $0x1, s3;
	s12 =	rddreg [dreg:$0x5]  }
0x2f: {  	p0 =	sne.s32 s3, s12  }
.Ltmp1:
0x30: {  	_ = 	snop;
	(pc) =	sbr.rel @!p0 .LBB2_10-.Ltmp1, $3  }
0x31: {  	_ =	sdelay $0x1  }
0x32: {  	[sflag:s16] =	ssyncset.done $0x0  }
0x33: {  	[sflag:s16] =	ssyncadd.s32 $0xFFFFF800  }
.LBB2_1:
0x34: {  	s4 =	simm.s32 $0x0;
	s10 =	simm.s32 $0x200  }
.LBB2_2:
0x35: {  	p0 =	sne.s32 s10, $0xFE00;
	[tilespmem:s4+$0x2870] =	vst v0  }
0x36: {  	[tilespmem:s4+$0x2800] =	vst v0  }
0x37: {  	[tilespmem:s4+$0x2810] =	vst v0  }
.Ltmp2:
0x38: {  	[tilespmem:s4+$0x2820] =	vst v0;
	(pc) =	sbr.rel @p0 .LBB2_2-.Ltmp2, $4  }
0x39: {  	[tilespmem:s4+$0x2830] =	vst v0  }
0x3a: {  	[tilespmem:s4+$0x2840] =	vst v0  }
0x3b: {  	[tilespmem:s4+$0x2850] =	vst v0  }
0x3c: {  	[tilespmem:s4+$0x2860] =	vst v0;
	s4 =	sshra.s32 s10, $0x2;
	s10 =	sadd.s32 $0x200, s10  }
0x3d: {  	[tilespmem:s4+$0x2870] =	vst v0  }
0x3e: {  	[tilespmem:s4+$0x2800] =	vst v0  }
0x3f: {  	[tilespmem:s4+$0x2810] =	vst v0  }
0x40: {  	[tilespmem:s4+$0x2820] =	vst v0  }
0x41: {  	[tilespmem:s4+$0x2830] =	vst v0  }
0x42: {  	[tilespmem:s4+$0x2840] =	vst v0  }
0x43: {  	[tilespmem:s4+$0x2850] =	vst v0  }
0x44: {  	[tilespmem:s4+$0x2860] =	vst v0  }
0x45: {  	[spmem:s7] =	stream.linear.scatter [tilespmem:s15], [sflag:$0x5], $0x4000, $0x38;
	[tilespmem:$0x1E800] =	vst v63  }
0x46: {  	_ =	swait.ge [sflag:s16], $0x4000  }
0x47: {  	[sflag:s16] =	ssyncset.done $0x0  }
0x48: {  	s11 =	rddreg [dreg:$0x6];
	[sflag:s16] =	ssyncadd.s32 $0xFFFFC000  }
0x49: {  	[spmem:s11] =	stream.linear.scatter [tilespmem:s15], [sflag:$0x5], $0x4000, $0x38;
	[tilespmem:$0x1E800] =	vst v63  }
0x4a: {  	_ =	swait.ge [sflag:s16], $0x4000  }
0x4b: {  	[sflag:s16] =	ssyncset.done $0x0  }
0x4c: {  	s12 =	rddreg [dreg:$0x7];
	[sflag:s16] =	ssyncadd.s32 $0xFFFFC000  }
0x4d: {  	[spmem:s12] =	stream.linear.scatter [tilespmem:s15], [sflag:$0x5], $0x4000, $0x38;
	[tilespmem:$0x1E800] =	vst v63  }
0x4e: {  	_ =	swait.ge [sflag:s16], $0x4000  }
0x4f: {  	[sflag:s16] =	ssyncset.done $0x0  }
0x50: {  	[sflag:s16] =	ssyncadd.s32 $0xFFFFC000  }
0x51: {  	[spmem:s13] =	stream.linear.scatter [tilespmem:s15], [sflag:$0x5], $0x4000, $0x38;
	[tilespmem:$0x1E800] =	vst v63  }
0x52: {  	_ =	swait.ge [sflag:s16], $0x4000  }
0x53: {  	[sflag:s16] =	ssyncset.done $0x0  }
0x54: {  	[sflag:s16] =	ssyncadd.s32 $0xFFFFC000  }
0x55: {  	[spmem:s14] =	stream.linear.scatter [tilespmem:s15], [sflag:$0x5], $0x4000, $0x38;
	[tilespmem:$0x1E800] =	vst v63  }
.Ltmp3:
0x56: {  	_ =	swait.ge [sflag:s16], $0x4000;
	(pc) =	sbr.rel .LBB2_4-.Ltmp3, $4  }
0x57: {  	[sflag:s16] =	ssyncset.done $0x0  }
0x58: {  	[sflag:s16] =	ssyncadd.s32 $0xFFFFC000  }
0x59: {  	[bflag:$0x0] =	sbarrier.arrive $0xFFFF  }
0x5a: {  	s4 =	simm.s32 $0x0;
	p1 =	por $0x1, $0x1;
	s10 =	simm.s32 $0x0  }
.LBB2_6:
0x5b: {  	s10 =	sadd.s32 $0x1780, s11  }
0x5c: {  	[spmem:s2] =	stream.indirect.scatter.add.f32 [tilespmem:s29], [sflag:$0x4], $0x80, s10, s26, $0xb8;
	[tilespmem:$0x1E800] =	vst v63  }
.LBB2_8:
.Ltmp4:
0x5d: {  	(pc) =	sbr.rel @!p0 .LBB2_9-.Ltmp4, $4  }
0x5e: {  	_ = 	snop  }
0x5f: {  	_ =	swait.ge [sflag:s0], $0x4000  }
0x60: {  	[sflag:s0] =	ssyncset.done $0x0  }
0x61: {  	s10 =	simm.s32 $0x1400;
	p1 =	por $0x0, $0x0;
	[sflag:s0] =	ssyncadd.s32 $0xFFFFC000  }
.LBB2_4:
0x62: {  	s10 =	sadd.s32 s6, s10  }
0x63: {  	s10 =	sshrl.u32 s10, $0x3  }
0x64: {  	s11 =	sadd.s32 s1, s10  }
0x65: {  	[tilespmem:s4], [sflag:$0x5] =	stream.linear.gather [hbm4b:s11+s4], $0x1400, $0x38;
	[tilespmem:$0x1E800] =	vst v63  }
0x66: {  	_ =	swait.ge [sflag:s16], $0x1400  }
0x67: {  	[sflag:s16] =	ssyncset.done $0x0  }
0x68: {  	s10 =	sadd.s32 s5, s10;
	[sflag:s16] =	ssyncadd.s32 $0xFFFFEC00  }
0x69: {  	[tilespmem:s17], [sflag:$0x5] =	stream.linear.gather [hbm4b:s10+s4], $0x1400, $0x38;
	[tilespmem:$0x1E800] =	vst v63  }
0x6a: {  	_ =	swait.ge [sflag:s16], $0x1400  }
0x6b: {  	[sflag:s16] =	ssyncset.done $0x0  }
0x6c: {  	p0 =	por p1, p1;
	s10 =	simm.s32 $0x0;
	[sflag:s16] =	ssyncadd.s32 $0xFFFFEC00  }
0x6d: {  	[tilespmem:s15], [sflag:$0x1] =	stream.indirect.gather [hbm4b:s8+s26], $0x80, s4, s26, $0xb8;
	[tilespmem:$0x1E800] =	vst v63  }
.LBB2_5:
0x6e: {  	_ =	swait.ge [sflag:s28], $0x4000  }
0x6f: {  	p1 =	seq.s32 s10, $0x0;
	[sflag:s28] =	ssyncset.done $0x0  }
0x70: {  	s12 =	simm.s32 @!p1 $0x4;
	[sflag:s28] =	ssyncadd.s32 $0xFFFFC000  }
0x71: {  	_ =	swait.ge @!p1 [sflag:s12], $0x4000  }
0x72: {  	s11 =	sshra.s32 s10, $0x2;
	[sflag:s12] =	ssyncset.done @!p1 $0x0  }
0x73: {  	[sflag:s12] =	ssyncadd.s32 @!p1 $0xFFFFC000;
	s12 =	sadd.s32 $0x80, s11  }
0x74: {  	[tilespmem:s29], [sflag:$0x2] =	stream.indirect.gather [hbm4b:s8+s26], $0x80, s12, s26, $0xb8;
	[tilespmem:$0x1E800] =	vst v63  }
0x75: {  	s12 =	sadd.s32 $0x1400, s11  }
0x76: {  	[spmem:s2] =	stream.indirect.scatter.add.f32 [tilespmem:s15], [sflag:$0x3], $0x80, s12, s26, $0xb8;
	[tilespmem:$0x1E800] =	vst v63  }
0x77: {  	_ =	swait.ge [sflag:s30], $0x4000  }
0x78: {  	[sflag:s30] =	ssyncset.done $0x0  }
0x79: {  	[sflag:s30] =	ssyncadd.s32 $0xFFFFC000  }
0x7a: {  	_ =	swait.ge [sflag:s31], $0x4000  }
0x7b: {  	[sflag:s31] =	ssyncset.done $0x0  }
0x7c: {  	s12 =	sadd.s32 $0x100, s11;
	[sflag:s31] =	ssyncadd.s32 $0xFFFFC000  }
0x7d: {  	[tilespmem:s15], [sflag:$0x1] =	stream.indirect.gather [hbm4b:s8+s26], $0x80, s12, s26, $0xb8;
	[tilespmem:$0x1E800] =	vst v63  }
0x7e: {  	s12 =	sadd.s32 $0x1480, s11  }
0x7f: {  	[spmem:s2] =	stream.indirect.scatter.add.f32 [tilespmem:s29], [sflag:$0x4], $0x80, s12, s26, $0xb8;
	[tilespmem:$0x1E800] =	vst v63  }
0x80: {  	_ =	swait.ge [sflag:s28], $0x4000  }
0x81: {  	[sflag:s28] =	ssyncset.done $0x0  }
0x82: {  	[sflag:s28] =	ssyncadd.s32 $0xFFFFC000  }
0x83: {  	_ =	swait.ge [sflag:s0], $0x4000  }
0x84: {  	[sflag:s0] =	ssyncset.done $0x0  }
0x85: {  	s12 =	sadd.s32 $0x180, s11;
	[sflag:s0] =	ssyncadd.s32 $0xFFFFC000  }
0x86: {  	[tilespmem:s29], [sflag:$0x2] =	stream.indirect.gather [hbm4b:s8+s26], $0x80, s12, s26, $0xb8;
	[tilespmem:$0x1E800] =	vst v63  }
0x87: {  	s12 =	sadd.s32 $0x1500, s11  }
0x88: {  	[spmem:s2] =	stream.indirect.scatter.add.f32 [tilespmem:s15], [sflag:$0x3], $0x80, s12, s26, $0xb8;
	[tilespmem:$0x1E800] =	vst v63  }
0x89: {  	_ =	swait.ge [sflag:s30], $0x4000  }
0x8a: {  	[sflag:s30] =	ssyncset.done $0x0  }
0x8b: {  	[sflag:s30] =	ssyncadd.s32 $0xFFFFC000  }
0x8c: {  	_ =	swait.ge [sflag:s31], $0x4000  }
0x8d: {  	[sflag:s31] =	ssyncset.done $0x0  }
0x8e: {  	s12 =	sadd.s32 $0x200, s11;
	[sflag:s31] =	ssyncadd.s32 $0xFFFFC000  }
0x8f: {  	[tilespmem:s15], [sflag:$0x1] =	stream.indirect.gather [hbm4b:s8+s26], $0x80, s12, s26, $0xb8;
	[tilespmem:$0x1E800] =	vst v63  }
0x90: {  	s12 =	sadd.s32 $0x1580, s11  }
0x91: {  	[spmem:s2] =	stream.indirect.scatter.add.f32 [tilespmem:s29], [sflag:$0x4], $0x80, s12, s26, $0xb8;
	[tilespmem:$0x1E800] =	vst v63  }
0x92: {  	_ =	swait.ge [sflag:s28], $0x4000  }
0x93: {  	[sflag:s28] =	ssyncset.done $0x0  }
0x94: {  	[sflag:s28] =	ssyncadd.s32 $0xFFFFC000  }
0x95: {  	_ =	swait.ge [sflag:s0], $0x4000  }
0x96: {  	[sflag:s0] =	ssyncset.done $0x0  }
0x97: {  	s12 =	sadd.s32 $0x280, s11;
	[sflag:s0] =	ssyncadd.s32 $0xFFFFC000  }
0x98: {  	[tilespmem:s29], [sflag:$0x2] =	stream.indirect.gather [hbm4b:s8+s26], $0x80, s12, s26, $0xb8;
	[tilespmem:$0x1E800] =	vst v63  }
0x99: {  	s12 =	sadd.s32 $0x1600, s11  }
0x9a: {  	[spmem:s2] =	stream.indirect.scatter.add.f32 [tilespmem:s15], [sflag:$0x3], $0x80, s12, s26, $0xb8;
	[tilespmem:$0x1E800] =	vst v63  }
0x9b: {  	_ =	swait.ge [sflag:s30], $0x4000  }
0x9c: {  	[sflag:s30] =	ssyncset.done $0x0  }
0x9d: {  	[sflag:s30] =	ssyncadd.s32 $0xFFFFC000  }
0x9e: {  	_ =	swait.ge [sflag:s31], $0x4000  }
0x9f: {  	[sflag:s31] =	ssyncset.done $0x0  }
0xa0: {  	s12 =	sadd.s32 $0x300, s11;
	[sflag:s31] =	ssyncadd.s32 $0xFFFFC000  }
0xa1: {  	[tilespmem:s15], [sflag:$0x1] =	stream.indirect.gather [hbm4b:s8+s26], $0x80, s12, s26, $0xb8;
	[tilespmem:$0x1E800] =	vst v63  }
0xa2: {  	s12 =	sadd.s32 $0x1680, s11  }
0xa3: {  	[spmem:s2] =	stream.indirect.scatter.add.f32 [tilespmem:s29], [sflag:$0x4], $0x80, s12, s26, $0xb8;
	[tilespmem:$0x1E800] =	vst v63  }
0xa4: {  	_ =	swait.ge [sflag:s28], $0x4000  }
0xa5: {  	[sflag:s28] =	ssyncset.done $0x0  }
0xa6: {  	[sflag:s28] =	ssyncadd.s32 $0xFFFFC000  }
0xa7: {  	_ =	swait.ge [sflag:s0], $0x4000  }
0xa8: {  	[sflag:s0] =	ssyncset.done $0x0  }
0xa9: {  	s12 =	sadd.s32 $0x380, s11;
	[sflag:s0] =	ssyncadd.s32 $0xFFFFC000  }
0xaa: {  	[tilespmem:s29], [sflag:$0x2] =	stream.indirect.gather [hbm4b:s8+s26], $0x80, s12, s26, $0xb8;
	[tilespmem:$0x1E800] =	vst v63  }
0xab: {  	s12 =	sadd.s32 $0x1700, s11  }
0xac: {  	[spmem:s2] =	stream.indirect.scatter.add.f32 [tilespmem:s15], [sflag:$0x3], $0x80, s12, s26, $0xb8;
	[tilespmem:$0x1E800] =	vst v63  }
0xad: {  	p1 =	sne.s32 s10, $0x4000;
	_ =	swait.ge [sflag:s30], $0x4000  }
.Ltmp5:
0xae: {  	[sflag:s30] =	ssyncset.done $0x0;
	(pc) =	sbr.rel @!p1 .LBB2_6-.Ltmp5, $4  }
0xaf: {  	[sflag:s30] =	ssyncadd.s32 $0xFFFFC000  }
0xb0: {  	_ =	swait.ge [sflag:s31], $0x4000  }
0xb1: {  	[sflag:s31] =	ssyncset.done $0x0  }
0xb2: {  	[sflag:s31] =	ssyncadd.s32 $0xFFFFC000  }
0xb3: {  	s10 =	sadd.s32 $0x1000, s10  }
0xb4: {  	p1 =	sne.s32 s10, $0x5000  }
.Ltmp6:
0xb5: {  	_ = 	snop;
	(pc) =	sbr.rel @p1 .LBB2_5-.Ltmp6, $4  }
.Ltmp7:
0xb6: {  	s12 =	sadd.s32 $0x400, s11;
	(pc) =	sbr.rel @!p1 .LBB2_8-.Ltmp7, $4  }
0xb7: {  	[tilespmem:s15], [sflag:$0x1] =	stream.indirect.gather [hbm4b:s8+s26], $0x80, s12, s26, $0xb8;
	[tilespmem:$0x1E800] =	vst v63  }
0xb8: {  	s12 =	sadd.s32 $0x1780, s11  }
0xb9: {  	[spmem:s2] =	stream.indirect.scatter.add.f32 [tilespmem:s29], [sflag:$0x4], $0x80, s12, s26, $0xb8;
	[tilespmem:$0x1E800] =	vst v63  }
0xba: {  	_ = 	snop  }
.LBB2_10:
0xbb: {  	_ =	sfence.sel $0x180000  }
0xbc: {  	[bflag:$0x0] =	sbarrier.arrive $0xFFFF  }
0xbd: {  	_ =	strace $0x9000004A  }
0xbe: {  	s0 =	stileid.u32;
	[bflag:$0x2] =	sbarrier.arrive $0xFFFF  }
0xbf: {  	p0 =	sne.s32 s0, $0x0;
	s0 =	rddreg [dreg:$0x4]  }
0xc0: {  	s0 =	sadd.s32 @!p0 $0x100000, s0  }
0xc1: {  	[sflag:s0] =	ssyncadd.tile.s32 @!p0 $0x1;
	_ =	shalt  }
.Lfunc_end2:
_tile_overlayer_lowered:
.L_overlay_start_2:
0xc2: {  	(tag) =	ssettag $0x2  }
0xc3: {  	s0 =	rddreg [dreg:$0x0];
	s2 =	stileid.u32  }
0xc4: {  	s1 =	rddreg [dreg:$0x1];
	p0 =	sne.s32 s2, $0x0  }
0xc5: {  	s3 =	rddreg [dreg:$0x2];
	[bflag:$0x3] =	sbarrier.arrive $0xFFFF;
	s2 =	simm.s32 @!p0 $0x1C05  }
0xc6: {  	[timem:s3], [sflag:s2] =	dma.local @!p0 [hbm:s0], s1  }
0xc7: {  	s0 =	simm.s32 @!p0 $0x5  }
0xc8: {  	_ =	swait.ge @!p0 [sflag:s0], s1  }
0xc9: {  	s1 =	ssub.s32 @!p0 $0x0, s1;
	[sflag:s0] =	ssyncset.done @!p0 $0x0  }
0xca: {  	[sflag:s0] =	ssyncadd.s32 @!p0 s1  }
0xcb: {  	[bflag:$0x3] =	sbarrier.arrive $0xFFFF  }
0xcc: {  	_ =	shalt  }

// kernel: kernel.17.cloned.1.call-start
scs
__scs_entry_jumppad:
0x0: {  	(pc) =	sbr.rel $0x88, $3  }
0x1: {  	(tag) =	ssettag $0x0;
	lr =	simm.s32 $0x1  }
0x2: {  	[smem:$0x3F94] =	sst lr;
	_ =	strace $0xD0000000  }
0x3: {  	_ = 	snop  }
0x4: {  	_ = 	snop  }
0x5: {  	_ = 	snop  }
0x6: {  	_ = 	snop  }
0x7: {  	_ = 	snop  }
__scs_overlays_trampoline_lowered:
0x8: {  	[smem:$0x3FA3] =	sst s0  }
0x9: {  	[smem:$0x3FA4] =	sst s1  }
0xa: {  	[smem:$0x3FA5] =	sst s2  }
0xb: {  	[smem:$0x3FA6] =	sst s3  }
0xc: {  	[smem:$0x3FA7] =	sst s4  }
0xd: {  	[smem:$0x3FA8] =	sst s5  }
0xe: {  	[smem:$0x3FA9] =	sst s6  }
0xf: {  	[smem:$0x3FAA] =	sst s7  }
0x10: {  	[smem:$0x3FAB] =	sst s8  }
0x11: {  	[smem:$0x3FAC] =	sst s9;
	s0 =	simm.s32 @!p0 $0x0  }
0x12: {  	s1 =	sld [smem:$0x3F92];
	s0 =	simm.s32 @p0 $0x1  }
0x13: {  	[smem:$0x3FAD] =	sst s0;
	s0 =	simm.s32 @!p1 $0x0  }
0x14: {  	s2 =	sld [smem:$0x3F91];
	s0 =	simm.s32 @p1 $0x1  }
0x15: {  	[smem:$0x3FAE] =	sst s0;
	s0 =	simm.s32 @!p2 $0x0  }
0x16: {  	s3 =	sld [smem:$0x3FDB];
	s0 =	simm.s32 @p2 $0x1  }
0x17: {  	s4 =	simm.s32 $0x1BF5;
	[smem:$0x3FB0] =	sst s0  }
0x18: {  	s0 =	sld [smem:$0x3F93];
	_ =	swait.ge [sflag:s4], $0x0  }
0x19: {  	s7 =	sld [smem:$0x3F94]  }
0x1a: {  	s8 =	sadd.s32 $0xFFFFE003, lr  }
0x1b: {  	s9 =	sadd.s32 $0xFFFFFEF7, lr;
	s5 =	simm.s32 $0xFFFFFFFF;
	p2 =	slt.u32 s8, $0xFFFFF086  }
0x1c: {  	p1 =	slt.u32 s9, $0xF7A;
	s5 =	simm.s32 @!p2 $0x0  }
0x1d: {  	s5 =	simm.s32 @p1 $0x1;
	p0 =	seq.s32 s7, s2  }
0x1e: {  	s7 =	smul.u32 @!p0 $0xF7A, s2;
	p2 =	seq.s32 @!p0 s5, $0x0  }
0x1f: {  	s9 =	smul.u32 $0xF7A, s1;
	s8 =	simm.s32 @!p0 $0x1BF5;
	p2 =	por !p2, p0  }
0x20: {  	[sflag:s8] =	ssyncset.s32 @!p0 $0xFFFFF086;
	s6 =	sadd.s32 @!p0 s3, s7;
	s7 =	simm.s32 @!p0 $0x108  }
0x21: {  	s3 =	sadd.s32 s3, s9;
	s6 =	sadd.s32 @!p0 $0x88, s6;
	s7 =	simm.s32 @p2 $0x1082  }
0x22: {  	[simem:s7], [sflag:s8] =	dma.local @!p0 [hbm:s6], $0xF7A  }
0x23: {  	s9 =	sor.u32 $0xD0000000, s2;
	s6 =	simm.s32 $0x108;
	_ =	swait.ge @!p0 [sflag:s8], $0x0  }
0x24: {  	s3 =	sadd.s32 $0x88, s3;
	s6 =	simm.s32 @!p1 $0x1082;
	[sflag:s4] =	ssyncset.s32 $0xFFFFF086  }
0x25: {  	[simem:s6], [sflag:s4] =	dma.local [hbm:s3], $0xF7A  }
0x26: {  	[smem:$0x3F94] =	sst s1;
	(tag) =	ssettag s2;
	_ =	strace s9  }
0x27: {  	s1 =	sld [smem:$0x3FA4]  }
0x28: {  	s2 =	sld [smem:$0x3FA5]  }
0x29: {  	s4 =	sld [smem:$0x3FA7]  }
0x2a: {  	p0 =	seq.s32 s5, $0x0;
	s5 =	sld [smem:$0x3FA8]  }
0x2b: {  	s6 =	sld [smem:$0x3FA9]  }
0x2c: {  	s7 =	sld [smem:$0x3FAA]  }
0x2d: {  	s3 =	simm.s32 $0x108;
	s8 =	sld [smem:$0x3FAB]  }
0x2e: {  	s3 =	simm.s32 @!p0 $0x1082;
	s9 =	sld [smem:$0x3FAC]  }
0x2f: {  	lr =	sadd.s32 s0, s3;
	s0 =	sld [smem:$0x3FA3]  }
0x30: {  	s3 =	sld [smem:$0x3FA6]  }
0x31: {  	[smem:$0x3FAF] =	sst s10  }
0x32: {  	s10 =	sld [smem:$0x3FAD];
	_ =	sdelay $0x3  }
0x33: {  	p0 =	seq.s32 s10, $0x1;
	s10 =	sld [smem:$0x3FAF];
	_ =	sdelay $0x3  }
0x34: {  	[smem:$0x3FAF] =	sst s10  }
0x35: {  	s10 =	sld [smem:$0x3FAE];
	_ =	sdelay $0x3  }
0x36: {  	p1 =	seq.s32 s10, $0x1;
	s10 =	sld [smem:$0x3FAF];
	_ =	sdelay $0x3  }
0x37: {  	[smem:$0x3FAF] =	sst s10  }
0x38: {  	s10 =	sld [smem:$0x3FB0]  }
0x39: {  	_ = 	snop;
	(pc) =	sbr.ind lr, $3  }
0x3a: {  	_ = 	snop  }
0x3b: {  	_ = 	snop  }
0x3c: {  	p2 =	seq.s32 s10, $0x1;
	s10 =	sld [smem:$0x3FAF]  }
0x3d: {  	_ =	shalt  }
0x3e: {  	_ =	shalt  }
0x3f: {  	_ =	shalt  }
0x40: {  	_ =	shalt  }
0x41: {  	_ =	shalt  }
0x42: {  	_ =	shalt  }
0x43: {  	_ =	shalt  }
0x44: {  	_ =	shalt  }
0x45: {  	_ =	shalt  }
0x46: {  	_ =	shalt  }
0x47: {  	_ =	shalt  }
0x48: {  	_ =	shalt  }
0x49: {  	_ =	shalt  }
0x4a: {  	_ =	shalt  }
0x4b: {  	_ =	shalt  }
0x4c: {  	_ =	shalt  }
0x4d: {  	_ =	shalt  }
0x4e: {  	_ =	shalt  }
0x4f: {  	_ =	shalt  }
0x50: {  	_ =	shalt  }
0x51: {  	_ =	shalt  }
0x52: {  	_ =	shalt  }
0x53: {  	_ =	shalt  }
0x54: {  	_ =	shalt  }
0x55: {  	_ =	shalt  }
0x56: {  	_ =	shalt  }
0x57: {  	_ =	shalt  }
0x58: {  	_ =	shalt  }
0x59: {  	_ =	shalt  }
0x5a: {  	_ =	shalt  }
0x5b: {  	_ =	shalt  }
0x5c: {  	_ =	shalt  }
0x5d: {  	_ =	shalt  }
0x5e: {  	_ =	shalt  }
0x5f: {  	_ =	shalt  }
0x60: {  	_ =	shalt  }
0x61: {  	_ =	shalt  }
0x62: {  	_ =	shalt  }
0x63: {  	_ =	shalt  }
0x64: {  	_ =	shalt  }
0x65: {  	_ =	shalt  }
0x66: {  	_ =	shalt  }
0x67: {  	_ =	shalt  }
0x68: {  	_ =	shalt  }
0x69: {  	_ =	shalt  }
0x6a: {  	_ =	shalt  }
0x6b: {  	_ =	shalt  }
0x6c: {  	_ =	shalt  }
0x6d: {  	_ =	shalt  }
0x6e: {  	_ =	shalt  }
0x6f: {  	_ =	shalt  }
0x70: {  	_ =	shalt  }
0x71: {  	_ =	shalt  }
0x72: {  	_ =	shalt  }
0x73: {  	_ =	shalt  }
0x74: {  	_ =	shalt  }
0x75: {  	_ =	shalt  }
0x76: {  	_ =	shalt  }
0x77: {  	_ =	shalt  }
0x78: {  	_ =	shalt  }
0x79: {  	_ =	shalt  }
0x7a: {  	_ =	shalt  }
0x7b: {  	_ =	shalt  }
0x7c: {  	_ =	shalt  }
0x7d: {  	_ =	shalt  }
0x7e: {  	_ =	shalt  }
0x7f: {  	_ =	shalt  }
0x80: {  	_ =	shalt  }
0x81: {  	_ =	shalt  }
0x82: {  	_ =	shalt  }
0x83: {  	_ =	shalt  }
0x84: {  	_ =	shalt  }
0x85: {  	_ =	shalt  }
0x86: {  	_ =	shalt  }
0x87: {  	_ =	shalt  }
.Lfunc_end0:
.L_simem_size_0:
called_computation.2_lowered:
.L_overlay_start_0:
0x88: {  	s2 =	sld [smem:$0x3FD9]  }
0x89: {  	s3 =	sld [smem:$0x3FFE];
	_ =	sdelay $0x1  }
0x8a: {  	s1 =	srdreg.scid  }
0x8b: {  	s0 =	sand.u32 $0x1, s1  }
0x8c: {  	s14 =	sshll.u32 s0, $0xA;
	s2 =	sadd.s32 s3, s2  }
0x8d: {  	s2 =	sadd.s32 s2, s14  }
0x8e: {  	[smem:$0x3FBB] =	sst s2  }
0x8f: {  	_ = 	snop  }
0x90: {  	s2 =	sld [smem:$0x3FD0];
	_ =	sdelay $0x2  }
0x91: {  	s15 =	simm.s32 $0xA;
	s4 =	simm.s32 $0x10  }
0x92: {  	[smem:s4], [sflag:s15] =	dma.local [hbm:s2], $0x1  }
0x93: {  	_ =	swait.eq [sflag:s15], $0x1  }
0x94: {  	[sflag:s15] =	ssyncset.done $0x0  }
0x95: {  	[sflag:s15] =	ssyncadd.s32 $0xFFFFFFFF  }
0x96: {  	s16 =	sld [smem:$0x10];
	(tm) =	ssettm $0x1  }
0x97: {  	s17 =	sld [smem:$0x3FFB];
	_ =	sdelay $0x3  }
0x98: {  	_ =	strace s17  }
0x99: {  	s3 =	sld [smem:$0x3FFC];
	_ =	sdelay $0x3  }
0x9a: {  	_ =	strace s3  }
0x9b: {  	s3 =	sld [smem:$0x3FFD];
	_ =	sdelay $0x3  }
0x9c: {  	_ =	strace s3  }
0x9d: {  	_ =	strace $0x8FFFFFFF  }
0x9e: {  	s18 =	sld [smem:$0x3FDB];
	_ =	sdelay $0x1  }
0x9f: {  	s19 =	simm.s32 $_scs_section_size  }
0xa0: {  	s5 =	simm.s32 $_size__tile_overlayer_lowered;
	s6 =	simm.s32 $_tile_overlayer_lowered  }
0xa1: {  	s22 =	simm.s32 $0x1BFF;
	s21 =	sshll.u32 s6, $0x1;
	s3 =	sadd.s32 s19, s18  }
0xa2: {  	s7 =	simm.s32 $0x0;
	s20 =	sshll.u32 s5, $0x1;
	s5 =	sadd.s32 s21, s3  }
0xa3: {  	[timem:s7], [sflag:s22] =	dma.local [hbm:s5], s20  }
0xa4: {  	_ =	swait.ge [sflag:s22], s20  }
0xa5: {  	s4 =	ssub.s32 $0x0, s20;
	[sflag:s22] =	ssyncset.done $0x0  }
0xa6: {  	[sflag:s22] =	ssyncadd.s32 s4;
	_ =	sdelay $0x1  }
0xa7: {  	s23 =	simm.s32 $0x1B8B  }
0xa8: {  	_ =	swait.ge [sflag:s23], $0x1  }
0xa9: {  	[sflag:s23] =	ssyncset.done $0x0  }
0xaa: {  	s25 =	simm.s32 $0x1B8E;
	s24 =	sld [smem:$0x3FFE];
	[sflag:s23] =	ssyncadd.s32 $0xFFFFFFFF  }
0xab: {  	s26 =	simm.s32 $execute0_lowered;
	[smem:$0x3FD2] =	sst s25  }
0xac: {  	s5 =	sshll.u32 s26, $0x1;
	_ =	strace $0x8000004C;
	[dreg:$0x1] =	wrdreg $0xFFFFFFFF  }
0xad: {  	s28 =	simm.s32 $_size_execute0_lowered;
	s3 =	sadd.s32 s3, s5;
	[dreg:$0x0] =	wrdreg $0x0  }
0xae: {  	s5 =	sshll.u32 s28, $0x1;
	[dreg:$0x2] =	wrdreg s3  }
0xaf: {  	[dreg:$0x3] =	wrdreg s5  }
0xb0: {  	[dreg:$0x4] =	wrdreg $0xC0  }
0xb1: {  	_ =	task [dreg:s7], $0x5FFFF  }
0xb2: {  	[dreg:$0x1] =	wrdreg $0xFFFFFFFF  }
0xb3: {  	[dreg:$0x0] =	wrdreg $0x60  }
0xb4: {  	[dreg:$0x2] =	wrdreg s24  }
0xb5: {  	[dreg:$0x3] =	wrdreg s16  }
0xb6: {  	[dreg:$0x4] =	wrdreg $0xA8000  }
0xb7: {  	[dreg:$0x5] =	wrdreg $0x9  }
0xb8: {  	_ =	task.clear_ibuf [dreg:s7], $0x6FFFF;
	_ =	strace $0x9000004C  }
0xb9: {  	s29 =	simm.s32 $0x9;
	_ =	strace $0x8000004E  }
0xba: {  	_ =	swait.ge [sflag:s29], $0x1  }
0xbb: {  	[sflag:s29] =	ssyncadd.s32 $0xFFFFFFFF  }
0xbc: {  	_ =	strace $0x9000004E  }
0xbd: {  	_ =	sfence  }
0xbe: {  	s30 =	sld [smem:$0x0];
	_ =	sdelay $0x2  }
0xbf: {  	s31 =	sshll.u32 s1, $0xD;
	s1 =	sshrl.u32 s1, $0x2  }
0xc0: {  	s3 =	sand.u32 $0x4000, s31;
	s1 =	sadd.s32 s1, s30  }
0xc1: {  	s0 =	sor.u32 s3, s0;
	s1 =	sshll.u32 s1, $0x11  }
0xc2: {  	s0 =	sor.u32 s1, s0  }
0xc3: {  	s0 =	sadd.s32 $0x8F2B, s0  }
0xc4: {  	[sflag:s0] =	ssyncadd.remote.s32 $0x1  }
0xc5: {  	_ =	sfence.sel $0xFFFF  }
0xc6: {  	[dreg:$0x0] =	wrdreg $0xFFFFFFFF;
	(pc) =	sbr.abs _section_cstart, $3  }
0xc7: {  	[dreg:$0x1] =	wrdreg $0xFFFFFFFF  }
0xc8: {  	_ =	task.clear_ibuf [dreg:s7], $0x2FFFF;
	_ =	strace $0x9FFFFFFF  }
0xc9: {  	(tm) =	ssettm $0x7FFFFFFF  }
tec
execute0_lowered:
.L_overlay_start_1:
0x0: {  	(tag) =	ssettag $0x1  }
0x1: {  	s0 =	rddreg [dreg:$0x0]  }
0x2: {  	s1 =	rddreg [dreg:$0x1]  }
0x3: {  	s2 =	rddreg [dreg:$0x2];
	s3 =	simm.s32 $0x0  }
0x4: {  	s4 =	srdreg.scid;
	s9 =	stileid.u32;
	s28 =	simm.s32 $0x1  }
0x5: {  	s29 =	simm.s32 $0x6800;
	s30 =	simm.s32 $0x2;
	s7 =	smul.u32 $0x50000, s9  }
0x6: {  	s31 =	simm.s32 $0x3;
	s4 =	sand.u32 $0x1, s4;
	s10 =	smul.u32 $0x280, s9  }
0x7: {  	[smem:$0x7FF] =	sst s3;
	s6 =	smul.u32 $0x28000, s4;
	s4 =	ssub.s32 $0x2, s4  }
0x8: {  	s5 =	sadd.s32 $0x2400, s0;
	_ =	strace $0x8000004D;
	s20 =	sshrl.u32 s4, $0x1  }
0x9: {  	s7 =	sshrl.u32 s7, $0x2;
	s24 =	sadd.s32 $0x80, s10;
	s11 =	sadd.s32 $0x100, s10  }
0xa: {  	s26 =	sadd.s32 $0x180, s10;
	s10 =	sadd.s32 $0x200, s10;
	s0 =	sadd.s32 s6, s0  }
0xb: {  	s4 =	ssub.s32 s4, s20;
	s6 =	smul.u32 $0x2800, s9;
	s7 =	sadd.s32 s7, s2  }
0xc: {  	s25 =	sshll.u32 s24, $0x7;
	s15 =	sshll.u32 s11, $0x7;
	s11 =	sshll.u32 s11, $0x4  }
0xd: {  	s16 =	sshll.u32 s26, $0x7;
	s17 =	sshll.u32 s10, $0x7;
	s10 =	sshll.u32 s10, $0x4  }
0xe: {  	s8 =	sadd.s32 $0x2F400, s0;
	s9 =	sadd.s32 $0x7F400, s0;
	s21 =	smax.u32 s4, $0x1  }
0xf: {  	s22 =	sadd.s32 $0x4000, s7;
	s23 =	sadd.s32 $0x8000, s7;
	s13 =	sadd.s32 $0xC000, s7  }
0x10: {  	s14 =	sadd.s32 $0x10000, s7;
	s4 =	sadd.s32 s25, s2;
	[dreg:$0x4] =	wrdreg s21  }
0x11: {  	s0 =	sshll.u32 s24, $0x4;
	s25 =	sadd.s32 s17, s2;
	[dreg:$0x5] =	wrdreg s22  }
0x12: {  	s17 =	simm.s32 $0x1400;
	[dreg:$0x6] =	wrdreg s23;
	s21 =	sadd.s32 s15, s2  }
.Ltmp0:
0x13: {  	s23 =	sadd.s32 s16, s2;
	s22 =	sshll.u32 s26, $0x4;
	(pc) =	sbr.rel .LBB2_1-.Ltmp0, $4  }
0x14: {  	s15 =	simm.s32 $0x2800;
	s16 =	simm.s32 $0x5;
	s18 =	sadd.s32 s0, s9  }
0x15: {  	s19 =	sshrl.u32 s4, $0x3;
	s20 =	sadd.s32 s11, s9;
	s24 =	sadd.s32 s10, s9  }
0x16: {  	s25 =	sshrl.u32 s25, $0x3;
	s26 =	simm.s32 $0x80;
	s0 =	simm.s32 $0x4  }
0x17: {  	v0 =	vimm.f32 $0.0e+00;
	s21 =	sshrl.u32 s21, $0x3;
	s22 =	sadd.s32 s22, s9;
	s23 =	sshrl.u32 s23, $0x3  }
.LBB2_9:
0x18: {  	s4 =	stileid.u32  }
0x19: {  	[bflag:$0x0] =	sbarrier.arrive $0xFFFF;
	s4 =	sshll.u32 s4, $0x6  }
0x1a: {  	s10 =	sadd.s32 s6, s9;
	s11 =	sshrl.u32 s7, $0x3;
	s4 =	sor.u32 $0x1C05, s4  }
0x1b: {  	[hbm:s10], [sflag:s4] =	dma.local [spmem:s11], $0x800  }
0x1c: {  	_ =	swait.ge [sflag:s16], $0x800  }
0x1d: {  	[sflag:s16] =	ssyncset.done $0x0  }
0x1e: {  	[sflag:s16] =	ssyncadd.s32 $0xFFFFF800  }
0x1f: {  	[hbm:s18], [sflag:s4] =	dma.local [spmem:s19], $0x800  }
0x20: {  	_ =	swait.ge [sflag:s16], $0x800  }
0x21: {  	[sflag:s16] =	ssyncset.done $0x0  }
0x22: {  	[sflag:s16] =	ssyncadd.s32 $0xFFFFF800  }
0x23: {  	[hbm:s20], [sflag:s4] =	dma.local [spmem:s21], $0x800  }
0x24: {  	_ =	swait.ge [sflag:s16], $0x800  }
0x25: {  	[sflag:s16] =	ssyncset.done $0x0  }
0x26: {  	[sflag:s16] =	ssyncadd.s32 $0xFFFFF800  }
0x27: {  	[hbm:s22], [sflag:s4] =	dma.local [spmem:s23], $0x800  }
0x28: {  	_ =	swait.ge [sflag:s16], $0x800  }
0x29: {  	[sflag:s16] =	ssyncset.done $0x0  }
0x2a: {  	[sflag:s16] =	ssyncadd.s32 $0xFFFFF800  }
0x2b: {  	[hbm:s24], [sflag:s4] =	dma.local [spmem:s25], $0x800  }
0x2c: {  	_ =	swait.ge [sflag:s16], $0x800  }
0x2d: {  	s3 =	sadd.s32 $0x1, s3;
	s12 =	rddreg [dreg:$0x4]  }
0x2e: {  	p0 =	sne.s32 s3, s12  }
.Ltmp1:
0x2f: {  	_ = 	snop;
	(pc) =	sbr.rel @!p0 .LBB2_10-.Ltmp1, $3  }
0x30: {  	_ =	sdelay $0x1  }
0x31: {  	[sflag:s16] =	ssyncset.done $0x0  }
0x32: {  	[sflag:s16] =	ssyncadd.s32 $0xFFFFF800  }
.LBB2_1:
0x33: {  	s4 =	simm.s32 $0x0;
	s10 =	simm.s32 $0x200  }
.LBB2_2:
0x34: {  	p0 =	sne.s32 s10, $0xFE00;
	[tilespmem:s4+$0x2870] =	vst v0  }
0x35: {  	[tilespmem:s4+$0x2800] =	vst v0  }
0x36: {  	[tilespmem:s4+$0x2810] =	vst v0  }
.Ltmp2:
0x37: {  	[tilespmem:s4+$0x2820] =	vst v0;
	(pc) =	sbr.rel @p0 .LBB2_2-.Ltmp2, $4  }
0x38: {  	[tilespmem:s4+$0x2830] =	vst v0  }
0x39: {  	[tilespmem:s4+$0x2840] =	vst v0  }
0x3a: {  	[tilespmem:s4+$0x2850] =	vst v0  }
0x3b: {  	[tilespmem:s4+$0x2860] =	vst v0;
	s4 =	sshra.s32 s10, $0x2;
	s10 =	sadd.s32 $0x200, s10  }
0x3c: {  	[tilespmem:s4+$0x2870] =	vst v0  }
0x3d: {  	[tilespmem:s4+$0x2800] =	vst v0  }
0x3e: {  	[tilespmem:s4+$0x2810] =	vst v0  }
0x3f: {  	[tilespmem:s4+$0x2820] =	vst v0  }
0x40: {  	[tilespmem:s4+$0x2830] =	vst v0  }
0x41: {  	[tilespmem:s4+$0x2840] =	vst v0  }
0x42: {  	[tilespmem:s4+$0x2850] =	vst v0  }
0x43: {  	[tilespmem:s4+$0x2860] =	vst v0  }
0x44: {  	[spmem:s7] =	stream.linear.scatter [tilespmem:s15], [sflag:$0x5], $0x4000, $0x38;
	[tilespmem:$0x1E800] =	vst v63  }
0x45: {  	_ =	swait.ge [sflag:s16], $0x4000  }
0x46: {  	[sflag:s16] =	ssyncset.done $0x0  }
0x47: {  	s11 =	rddreg [dreg:$0x5];
	[sflag:s16] =	ssyncadd.s32 $0xFFFFC000  }
0x48: {  	[spmem:s11] =	stream.linear.scatter [tilespmem:s15], [sflag:$0x5], $0x4000, $0x38;
	[tilespmem:$0x1E800] =	vst v63  }
0x49: {  	_ =	swait.ge [sflag:s16], $0x4000  }
0x4a: {  	[sflag:s16] =	ssyncset.done $0x0  }
0x4b: {  	s12 =	rddreg [dreg:$0x6];
	[sflag:s16] =	ssyncadd.s32 $0xFFFFC000  }
0x4c: {  	[spmem:s12] =	stream.linear.scatter [tilespmem:s15], [sflag:$0x5], $0x4000, $0x38;
	[tilespmem:$0x1E800] =	vst v63  }
0x4d: {  	_ =	swait.ge [sflag:s16], $0x4000  }
0x4e: {  	[sflag:s16] =	ssyncset.done $0x0  }
0x4f: {  	[sflag:s16] =	ssyncadd.s32 $0xFFFFC000  }
0x50: {  	[spmem:s13] =	stream.linear.scatter [tilespmem:s15], [sflag:$0x5], $0x4000, $0x38;
	[tilespmem:$0x1E800] =	vst v63  }
0x51: {  	_ =	swait.ge [sflag:s16], $0x4000  }
0x52: {  	[sflag:s16] =	ssyncset.done $0x0  }
0x53: {  	[sflag:s16] =	ssyncadd.s32 $0xFFFFC000  }
0x54: {  	[spmem:s14] =	stream.linear.scatter [tilespmem:s15], [sflag:$0x5], $0x4000, $0x38;
	[tilespmem:$0x1E800] =	vst v63  }
.Ltmp3:
0x55: {  	_ =	swait.ge [sflag:s16], $0x4000;
	(pc) =	sbr.rel .LBB2_4-.Ltmp3, $4  }
0x56: {  	[sflag:s16] =	ssyncset.done $0x0  }
0x57: {  	[sflag:s16] =	ssyncadd.s32 $0xFFFFC000  }
0x58: {  	[bflag:$0x0] =	sbarrier.arrive $0xFFFF  }
0x59: {  	s4 =	simm.s32 $0x0;
	p1 =	por $0x1, $0x1;
	s10 =	simm.s32 $0x0  }
.LBB2_6:
0x5a: {  	s10 =	sadd.s32 $0x1780, s11  }
0x5b: {  	[spmem:s2] =	stream.indirect.scatter.add.f32 [tilespmem:s29], [sflag:$0x4], $0x80, s10, s26, $0xb8;
	[tilespmem:$0x1E800] =	vst v63  }
.LBB2_8:
.Ltmp4:
0x5c: {  	(pc) =	sbr.rel @!p0 .LBB2_9-.Ltmp4, $4  }
0x5d: {  	_ = 	snop  }
0x5e: {  	_ =	swait.ge [sflag:s0], $0x4000  }
0x5f: {  	[sflag:s0] =	ssyncset.done $0x0  }
0x60: {  	s10 =	simm.s32 $0x1400;
	p1 =	por $0x0, $0x0;
	[sflag:s0] =	ssyncadd.s32 $0xFFFFC000  }
.LBB2_4:
0x61: {  	s10 =	sadd.s32 s6, s10  }
0x62: {  	s10 =	sshrl.u32 s10, $0x3  }
0x63: {  	s11 =	sadd.s32 s1, s10  }
0x64: {  	[tilespmem:s4], [sflag:$0x5] =	stream.linear.gather [hbm4b:s11+s4], $0x1400, $0x38;
	[tilespmem:$0x1E800] =	vst v63  }
0x65: {  	_ =	swait.ge [sflag:s16], $0x1400  }
0x66: {  	[sflag:s16] =	ssyncset.done $0x0  }
0x67: {  	s10 =	sadd.s32 s5, s10;
	[sflag:s16] =	ssyncadd.s32 $0xFFFFEC00  }
0x68: {  	[tilespmem:s17], [sflag:$0x5] =	stream.linear.gather [hbm4b:s10+s4], $0x1400, $0x38;
	[tilespmem:$0x1E800] =	vst v63  }
0x69: {  	_ =	swait.ge [sflag:s16], $0x1400  }
0x6a: {  	[sflag:s16] =	ssyncset.done $0x0  }
0x6b: {  	p0 =	por p1, p1;
	s10 =	simm.s32 $0x0;
	[sflag:s16] =	ssyncadd.s32 $0xFFFFEC00  }
0x6c: {  	[tilespmem:s15], [sflag:$0x1] =	stream.indirect.gather [hbm4b:s8+s26], $0x80, s4, s26, $0xb8;
	[tilespmem:$0x1E800] =	vst v63  }
.LBB2_5:
0x6d: {  	_ =	swait.ge [sflag:s28], $0x4000  }
0x6e: {  	p1 =	seq.s32 s10, $0x0;
	[sflag:s28] =	ssyncset.done $0x0  }
0x6f: {  	s12 =	simm.s32 @!p1 $0x4;
	[sflag:s28] =	ssyncadd.s32 $0xFFFFC000  }
0x70: {  	_ =	swait.ge @!p1 [sflag:s12], $0x4000  }
0x71: {  	s11 =	sshra.s32 s10, $0x2;
	[sflag:s12] =	ssyncset.done @!p1 $0x0  }
0x72: {  	[sflag:s12] =	ssyncadd.s32 @!p1 $0xFFFFC000;
	s12 =	sadd.s32 $0x80, s11  }
0x73: {  	[tilespmem:s29], [sflag:$0x2] =	stream.indirect.gather [hbm4b:s8+s26], $0x80, s12, s26, $0xb8;
	[tilespmem:$0x1E800] =	vst v63  }
0x74: {  	s12 =	sadd.s32 $0x1400, s11  }
0x75: {  	[spmem:s2] =	stream.indirect.scatter.add.f32 [tilespmem:s15], [sflag:$0x3], $0x80, s12, s26, $0xb8;
	[tilespmem:$0x1E800] =	vst v63  }
0x76: {  	_ =	swait.ge [sflag:s30], $0x4000  }
0x77: {  	[sflag:s30] =	ssyncset.done $0x0  }
0x78: {  	[sflag:s30] =	ssyncadd.s32 $0xFFFFC000  }
0x79: {  	_ =	swait.ge [sflag:s31], $0x4000  }
0x7a: {  	[sflag:s31] =	ssyncset.done $0x0  }
0x7b: {  	s12 =	sadd.s32 $0x100, s11;
	[sflag:s31] =	ssyncadd.s32 $0xFFFFC000  }
0x7c: {  	[tilespmem:s15], [sflag:$0x1] =	stream.indirect.gather [hbm4b:s8+s26], $0x80, s12, s26, $0xb8;
	[tilespmem:$0x1E800] =	vst v63  }
0x7d: {  	s12 =	sadd.s32 $0x1480, s11  }
0x7e: {  	[spmem:s2] =	stream.indirect.scatter.add.f32 [tilespmem:s29], [sflag:$0x4], $0x80, s12, s26, $0xb8;
	[tilespmem:$0x1E800] =	vst v63  }
0x7f: {  	_ =	swait.ge [sflag:s28], $0x4000  }
0x80: {  	[sflag:s28] =	ssyncset.done $0x0  }
0x81: {  	[sflag:s28] =	ssyncadd.s32 $0xFFFFC000  }
0x82: {  	_ =	swait.ge [sflag:s0], $0x4000  }
0x83: {  	[sflag:s0] =	ssyncset.done $0x0  }
0x84: {  	s12 =	sadd.s32 $0x180, s11;
	[sflag:s0] =	ssyncadd.s32 $0xFFFFC000  }
0x85: {  	[tilespmem:s29], [sflag:$0x2] =	stream.indirect.gather [hbm4b:s8+s26], $0x80, s12, s26, $0xb8;
	[tilespmem:$0x1E800] =	vst v63  }
0x86: {  	s12 =	sadd.s32 $0x1500, s11  }
0x87: {  	[spmem:s2] =	stream.indirect.scatter.add.f32 [tilespmem:s15], [sflag:$0x3], $0x80, s12, s26, $0xb8;
	[tilespmem:$0x1E800] =	vst v63  }
0x88: {  	_ =	swait.ge [sflag:s30], $0x4000  }
0x89: {  	[sflag:s30] =	ssyncset.done $0x0  }
0x8a: {  	[sflag:s30] =	ssyncadd.s32 $0xFFFFC000  }
0x8b: {  	_ =	swait.ge [sflag:s31], $0x4000  }
0x8c: {  	[sflag:s31] =	ssyncset.done $0x0  }
0x8d: {  	s12 =	sadd.s32 $0x200, s11;
	[sflag:s31] =	ssyncadd.s32 $0xFFFFC000  }
0x8e: {  	[tilespmem:s15], [sflag:$0x1] =	stream.indirect.gather [hbm4b:s8+s26], $0x80, s12, s26, $0xb8;
	[tilespmem:$0x1E800] =	vst v63  }
0x8f: {  	s12 =	sadd.s32 $0x1580, s11  }
0x90: {  	[spmem:s2] =	stream.indirect.scatter.add.f32 [tilespmem:s29], [sflag:$0x4], $0x80, s12, s26, $0xb8;
	[tilespmem:$0x1E800] =	vst v63  }
0x91: {  	_ =	swait.ge [sflag:s28], $0x4000  }
0x92: {  	[sflag:s28] =	ssyncset.done $0x0  }
0x93: {  	[sflag:s28] =	ssyncadd.s32 $0xFFFFC000  }
0x94: {  	_ =	swait.ge [sflag:s0], $0x4000  }
0x95: {  	[sflag:s0] =	ssyncset.done $0x0  }
0x96: {  	s12 =	sadd.s32 $0x280, s11;
	[sflag:s0] =	ssyncadd.s32 $0xFFFFC000  }
0x97: {  	[tilespmem:s29], [sflag:$0x2] =	stream.indirect.gather [hbm4b:s8+s26], $0x80, s12, s26, $0xb8;
	[tilespmem:$0x1E800] =	vst v63  }
0x98: {  	s12 =	sadd.s32 $0x1600, s11  }
0x99: {  	[spmem:s2] =	stream.indirect.scatter.add.f32 [tilespmem:s15], [sflag:$0x3], $0x80, s12, s26, $0xb8;
	[tilespmem:$0x1E800] =	vst v63  }
0x9a: {  	_ =	swait.ge [sflag:s30], $0x4000  }
0x9b: {  	[sflag:s30] =	ssyncset.done $0x0  }
0x9c: {  	[sflag:s30] =	ssyncadd.s32 $0xFFFFC000  }
0x9d: {  	_ =	swait.ge [sflag:s31], $0x4000  }
0x9e: {  	[sflag:s31] =	ssyncset.done $0x0  }
0x9f: {  	s12 =	sadd.s32 $0x300, s11;
	[sflag:s31] =	ssyncadd.s32 $0xFFFFC000  }
0xa0: {  	[tilespmem:s15], [sflag:$0x1] =	stream.indirect.gather [hbm4b:s8+s26], $0x80, s12, s26, $0xb8;
	[tilespmem:$0x1E800] =	vst v63  }
0xa1: {  	s12 =	sadd.s32 $0x1680, s11  }
0xa2: {  	[spmem:s2] =	stream.indirect.scatter.add.f32 [tilespmem:s29], [sflag:$0x4], $0x80, s12, s26, $0xb8;
	[tilespmem:$0x1E800] =	vst v63  }
0xa3: {  	_ =	swait.ge [sflag:s28], $0x4000  }
0xa4: {  	[sflag:s28] =	ssyncset.done $0x0  }
0xa5: {  	[sflag:s28] =	ssyncadd.s32 $0xFFFFC000  }
0xa6: {  	_ =	swait.ge [sflag:s0], $0x4000  }
0xa7: {  	[sflag:s0] =	ssyncset.done $0x0  }
0xa8: {  	s12 =	sadd.s32 $0x380, s11;
	[sflag:s0] =	ssyncadd.s32 $0xFFFFC000  }
0xa9: {  	[tilespmem:s29], [sflag:$0x2] =	stream.indirect.gather [hbm4b:s8+s26], $0x80, s12, s26, $0xb8;
	[tilespmem:$0x1E800] =	vst v63  }
0xaa: {  	s12 =	sadd.s32 $0x1700, s11  }
0xab: {  	[spmem:s2] =	stream.indirect.scatter.add.f32 [tilespmem:s15], [sflag:$0x3], $0x80, s12, s26, $0xb8;
	[tilespmem:$0x1E800] =	vst v63  }
0xac: {  	p1 =	sne.s32 s10, $0x4000;
	_ =	swait.ge [sflag:s30], $0x4000  }
.Ltmp5:
0xad: {  	[sflag:s30] =	ssyncset.done $0x0;
	(pc) =	sbr.rel @!p1 .LBB2_6-.Ltmp5, $4  }
0xae: {  	[sflag:s30] =	ssyncadd.s32 $0xFFFFC000  }
0xaf: {  	_ =	swait.ge [sflag:s31], $0x4000  }
0xb0: {  	[sflag:s31] =	ssyncset.done $0x0  }
0xb1: {  	[sflag:s31] =	ssyncadd.s32 $0xFFFFC000  }
0xb2: {  	s10 =	sadd.s32 $0x1000, s10  }
0xb3: {  	p1 =	sne.s32 s10, $0x5000  }
.Ltmp6:
0xb4: {  	_ = 	snop;
	(pc) =	sbr.rel @p1 .LBB2_5-.Ltmp6, $4  }
.Ltmp7:
0xb5: {  	s12 =	sadd.s32 $0x400, s11;
	(pc) =	sbr.rel @!p1 .LBB2_8-.Ltmp7, $4  }
0xb6: {  	[tilespmem:s15], [sflag:$0x1] =	stream.indirect.gather [hbm4b:s8+s26], $0x80, s12, s26, $0xb8;
	[tilespmem:$0x1E800] =	vst v63  }
0xb7: {  	s12 =	sadd.s32 $0x1780, s11  }
0xb8: {  	[spmem:s2] =	stream.indirect.scatter.add.f32 [tilespmem:s29], [sflag:$0x4], $0x80, s12, s26, $0xb8;
	[tilespmem:$0x1E800] =	vst v63  }
0xb9: {  	_ = 	snop  }
.LBB2_10:
0xba: {  	_ =	sfence.sel $0x180000  }
0xbb: {  	[bflag:$0x0] =	sbarrier.arrive $0xFFFF  }
0xbc: {  	_ =	strace $0x9000004D  }
0xbd: {  	s0 =	stileid.u32;
	[bflag:$0x2] =	sbarrier.arrive $0xFFFF  }
0xbe: {  	p0 =	sne.s32 s0, $0x0;
	s0 =	rddreg [dreg:$0x3]  }
0xbf: {  	s0 =	sadd.s32 @!p0 $0x100000, s0  }
0xc0: {  	[sflag:s0] =	ssyncadd.tile.s32 @!p0 $0x1;
	_ =	shalt  }
.Lfunc_end2:
_tile_overlayer_lowered:
.L_overlay_start_2:
0xc1: {  	(tag) =	ssettag $0x2  }
0xc2: {  	s0 =	rddreg [dreg:$0x0];
	s2 =	stileid.u32  }
0xc3: {  	s1 =	rddreg [dreg:$0x1];
	p0 =	sne.s32 s2, $0x0  }
0xc4: {  	s3 =	rddreg [dreg:$0x2];
	[bflag:$0x3] =	sbarrier.arrive $0xFFFF;
	s2 =	simm.s32 @!p0 $0x1C05  }
0xc5: {  	[timem:s3], [sflag:s2] =	dma.local @!p0 [hbm:s0], s1  }
0xc6: {  	s0 =	simm.s32 @!p0 $0x5  }
0xc7: {  	_ =	swait.ge @!p0 [sflag:s0], s1  }
0xc8: {  	s1 =	ssub.s32 @!p0 $0x0, s1;
	[sflag:s0] =	ssyncset.done @!p0 $0x0  }
0xc9: {  	[sflag:s0] =	ssyncadd.s32 @!p0 s1  }
0xca: {  	[bflag:$0x3] =	sbarrier.arrive $0xFFFF  }
0xcb: {  	_ =	shalt  }

</sc_bundles>
